<compile_context>
chip_gen: v7x
topology: tpu7x:2x2x1
jax: 0.10.2.dev20260603
libtpu: 0.0.44.dev20260713+nightly
codegen_flags: <defaults>
</compile_context>

<pallas_src>
import jax
import jax.numpy as jnp
from jax import lax
from jax.experimental import pallas as pl
from jax.experimental.pallas import tpu as pltpu
from jax.experimental.pallas import tpu_sc as plsc

N_NODES = 10000
DIM = 128
N_EDGES = 320000

NC = 2
NS = 16
NW = NC * NS

EB = 125
BLK_PER_TILE = 80
NBLK = NW * BLK_PER_TILE
AGG_ROWS = N_NODES
ROWS_PER_TILE = 624
ROWS_TAIL = N_NODES - NS * ROWS_PER_TILE
NBUF = 2
NPHASE = 5
PHB = BLK_PER_TILE // NPHASE


def _segsum_body(x_hbm, ei_hbm, zeros_hbm, out_hbm,
                 idx_s, idx_d, rows, agg_sh, sems, isem_s, isem_d):
    c = lax.axis_index("c")
    s = lax.axis_index("s")
    wid = c * NS + s
    iboff = pl.multiple_of(wid * BLK_PER_TILE, 8)

    def stage(p):
        q = p % 2
        pltpu.async_copy(ei_hbm.at[0, pl.ds(iboff + p * PHB, PHB)],
                         idx_s.at[q], isem_s[q])
        pltpu.async_copy(ei_hbm.at[1, pl.ds(iboff + p * PHB, PHB)],
                         idx_d.at[q], isem_d[q])

    def stage_wait(p):
        q = p % 2
        pltpu.make_async_copy(ei_hbm.at[0, pl.ds(iboff + p * PHB, PHB)],
                              idx_s.at[q], isem_s[q]).wait()
        pltpu.make_async_copy(ei_hbm.at[1, pl.ds(iboff + p * PHB, PHB)],
                              idx_d.at[q], isem_d[q]).wait()

    stage(0)

    base = pl.multiple_of(s * ROWS_PER_TILE, 8)

    @pl.when(c == 0)
    def _():
        pltpu.sync_copy(x_hbm.at[pl.ds(base, ROWS_PER_TILE)],
                        agg_sh.at[pl.ds(base, ROWS_PER_TILE)])

        @pl.when(s == NS - 1)
        def _():
            pltpu.sync_copy(x_hbm.at[pl.ds(NS * ROWS_PER_TILE, ROWS_TAIL)],
                            agg_sh.at[pl.ds(NS * ROWS_PER_TILE, ROWS_TAIL)])

    @pl.when(c == 1)
    def _():
        pltpu.sync_copy(zeros_hbm.at[pl.ds(base, ROWS_PER_TILE)],
                        agg_sh.at[pl.ds(base, ROWS_PER_TILE)])

        @pl.when(s == NS - 1)
        def _():
            pltpu.sync_copy(zeros_hbm.at[pl.ds(NS * ROWS_PER_TILE,
                                               ROWS_TAIL)],
                            agg_sh.at[pl.ds(NS * ROWS_PER_TILE, ROWS_TAIL)])

    plsc.subcore_barrier()

    for p in range(NPHASE):
        q = p % 2
        stage_wait(p)
        if p + 1 < NPHASE:
            stage(p + 1)

        def gather(b, blk):
            pltpu.async_copy(x_hbm.at[idx_s.at[q, blk]], rows.at[b], sems[b])

        for b in range(NBUF):
            gather(b, b)

        def body(j, carry):
            for b in range(NBUF):
                blk = j + b
                pltpu.make_async_copy(x_hbm.at[idx_s.at[q, blk]], rows.at[b],
                                      sems[b]).wait()
                pltpu.sync_copy(rows.at[b], agg_sh.at[idx_d.at[q, blk]],
                                add=True)

                @pl.when(blk + NBUF < PHB)
                def _():
                    gather(b, blk + NBUF)

            return carry

        lax.fori_loop(0, PHB // NBUF, lambda j, cr: body(j * NBUF, cr), 0)

    plsc.subcore_barrier()
    pltpu.sync_copy(agg_sh.at[pl.ds(base, ROWS_PER_TILE)],
                    out_hbm.at[c, pl.ds(base, ROWS_PER_TILE)])

    @pl.when(s == NS - 1)
    def _():
        pltpu.sync_copy(agg_sh.at[pl.ds(NS * ROWS_PER_TILE, ROWS_TAIL)],
                        out_hbm.at[c, pl.ds(NS * ROWS_PER_TILE, ROWS_TAIL)])


@jax.jit
def _sc_segsum(x, ei, zeros):
    mesh = plsc.VectorSubcoreMesh(core_axis_name="c", subcore_axis_name="s")
    return pl.kernel(
        _segsum_body,
        out_type=jax.ShapeDtypeStruct((NC, N_NODES, DIM), jnp.float32),
        mesh=mesh,
        scratch_types=[
            pltpu.VMEM((2, PHB, EB), jnp.int32),
            pltpu.VMEM((2, PHB, EB), jnp.int32),
            pltpu.VMEM((NBUF, EB, DIM), jnp.float32),
            pltpu.VMEM_SHARED((AGG_ROWS, DIM), jnp.float32),
            [pltpu.SemaphoreType.DMA] * NBUF,
            [pltpu.SemaphoreType.DMA] * 2,
            [pltpu.SemaphoreType.DMA] * 2,
        ],
    )(x, ei, zeros)


ROW_BLK = 2000


def _mlp_body(agg_ref, wa_ref, wb_ref, wc_ref, l_ref,
              hout_ref, head_ref, acc_ref):
    i = pl.program_id(0)
    z = agg_ref[0] + agg_ref[1]
    z = jnp.maximum(jnp.dot(z, wa_ref[...], preferred_element_type=jnp.float32), 0.0)
    z = jnp.maximum(jnp.dot(z, wb_ref[...], preferred_element_type=jnp.float32), 0.0)
    z = jnp.maximum(jnp.dot(z, wc_ref[...], preferred_element_type=jnp.float32), 0.0)
    hout_ref[...] = z

    @pl.when(i == 0)
    def _():
        acc_ref[...] = jnp.zeros_like(acc_ref)

    acc_ref[...] += jnp.sum(z, axis=0, keepdims=True)

    @pl.when(i == pl.num_programs(0) - 1)
    def _():
        head_ref[...] = jnp.dot(acc_ref[...] / N_NODES, l_ref[...],
                                preferred_element_type=jnp.float32)


def _final_body(agg_ref, wa_ref, wb_ref, wc_ref, l_ref,
                h0_ref, h1_ref, h2_ref, h3_ref, out_ref, acc_ref):
    i = pl.program_id(0)
    z = agg_ref[0] + agg_ref[1]
    z = jnp.maximum(jnp.dot(z, wa_ref[...], preferred_element_type=jnp.float32), 0.0)
    z = jnp.maximum(jnp.dot(z, wb_ref[...], preferred_element_type=jnp.float32), 0.0)
    z = jnp.maximum(jnp.dot(z, wc_ref[...], preferred_element_type=jnp.float32), 0.0)

    @pl.when(i == 0)
    def _():
        acc_ref[...] = jnp.zeros_like(acc_ref)

    acc_ref[...] += jnp.sum(z, axis=0, keepdims=True)

    @pl.when(i == pl.num_programs(0) - 1)
    def _():
        head = jnp.dot(acc_ref[...] / N_NODES, l_ref[...],
                       preferred_element_type=jnp.float32)
        total = head + h0_ref[...] + h1_ref[...] + h2_ref[...] + h3_ref[...]
        out_ref[...] = jax.nn.sigmoid(total)


def _tc_mlp(agg, wa, wb, wc, l):
    grid = N_NODES // ROW_BLK
    return pl.pallas_call(
        _mlp_body,
        grid=(grid,),
        in_specs=[
            pl.BlockSpec((NC, ROW_BLK, DIM), lambda i: (0, i, 0)),
            pl.BlockSpec((DIM, DIM), lambda i: (0, 0)),
            pl.BlockSpec((DIM, DIM), lambda i: (0, 0)),
            pl.BlockSpec((DIM, DIM), lambda i: (0, 0)),
            pl.BlockSpec((DIM, 1), lambda i: (0, 0)),
        ],
        out_specs=[
            pl.BlockSpec((ROW_BLK, DIM), lambda i: (i, 0)),
            pl.BlockSpec((1, 1), lambda i: (0, 0)),
        ],
        out_shape=[
            jax.ShapeDtypeStruct((N_NODES, DIM), jnp.float32),
            jax.ShapeDtypeStruct((1, 1), jnp.float32),
        ],
        scratch_shapes=[pltpu.VMEM((1, DIM), jnp.float32)],
    )(agg, wa, wb, wc, l)


def _tc_final(agg, wa, wb, wc, l, h0, h1, h2, h3):
    grid = N_NODES // ROW_BLK
    hspec = pl.BlockSpec((1, 1), lambda i: (0, 0))
    return pl.pallas_call(
        _final_body,
        grid=(grid,),
        in_specs=[
            pl.BlockSpec((NC, ROW_BLK, DIM), lambda i: (0, i, 0)),
            pl.BlockSpec((DIM, DIM), lambda i: (0, 0)),
            pl.BlockSpec((DIM, DIM), lambda i: (0, 0)),
            pl.BlockSpec((DIM, DIM), lambda i: (0, 0)),
            pl.BlockSpec((DIM, 1), lambda i: (0, 0)),
            hspec, hspec, hspec, hspec,
        ],
        out_specs=pl.BlockSpec((1, 1), lambda i: (0, 0)),
        out_shape=jax.ShapeDtypeStruct((1, 1), jnp.float32),
        scratch_shapes=[pltpu.VMEM((1, DIM), jnp.float32)],
    )(agg, wa, wb, wc, l, h0, h1, h2, h3)


def kernel(x, edge_index, Wa, Wb, Wc, L):
    ei = edge_index.reshape(2, NBLK, EB)
    zeros = jnp.zeros((AGG_ROWS, DIM), jnp.float32)

    h = x
    heads = []
    for i in range(4):
        agg = _sc_segsum(h, ei, zeros)
        h, head = _tc_mlp(agg, Wa[i], Wb[i], Wc[i], L[i])
        heads.append(head)

    agg = _sc_segsum(h, ei, zeros)
    out = _tc_final(agg, Wa[4], Wb[4], Wc[4], L[4], *heads)
    return out.reshape((1,))

# --- scband reference (transcript-rebuilt; emitter-appended) ---
"""Pipeline reference for scband-net-gin-38671885533369 (READ-ONLY COPY).

The authoritative reference and input builder live on the scoring server;
editing this copy changes nothing except your own understanding.
"""

import jax, jax.numpy as jnp
import numpy as np

N_NODES = 10000
DIM = 128
N_EDGES = 320000


def setup_inputs(seed: int = 0) -> dict:
    key = jax.random.key(seed)
    ks = jax.random.split(key, 6)
    x = jax.random.normal(ks[0], (N_NODES, DIM), dtype=jnp.float32)
    edge_index = jax.random.randint(ks[1], (2, N_EDGES), 0, N_NODES, dtype=jnp.int32)
    scale = 1.0 / np.sqrt(DIM)
    # 5 GIN layers, each with an MLP of 3 bias-free Dense(DIM) layers (mlp_hidden=[dim,dim] + output dim)
    Wa = jax.random.normal(ks[2], (5, DIM, DIM), dtype=jnp.float32) * scale
    Wb = jax.random.normal(ks[3], (5, DIM, DIM), dtype=jnp.float32) * scale
    Wc = jax.random.normal(ks[4], (5, DIM, DIM), dtype=jnp.float32) * scale
    # 5 bias-free Dense(1) readout heads
    L = jax.random.normal(ks[5], (5, DIM, 1), dtype=jnp.float32) * scale
    return {"x": x, "edge_index": edge_index, "Wa": Wa, "Wb": Wb, "Wc": Wc, "L": L}


def reference(x, edge_index, Wa, Wb, Wc, L):
    src = edge_index[0]
    dst = edge_index[1]

    def gin_conv(h, i):
        # A @ h via gather + scatter-add (sum aggregation); eps = 0
        agg = jax.ops.segment_sum(h[src], dst, num_segments=N_NODES)
        z = (1.0 + 0.0) * h + agg
        # MLP: Dense(dim, relu) x2 hidden + Dense(dim, relu) output, no bias
        z = jax.nn.relu(z @ Wa[i])
        z = jax.nn.relu(z @ Wb[i])
        z = jax.nn.relu(z @ Wc[i])
        return z

    h = x
    head_outs = []
    for i in range(5):
        h = gin_conv(h, i)
        m = jnp.mean(h, axis=0)          # global avg pool over nodes -> [DIM]
        head_outs.append(m @ L[i])       # Dense(1, use_bias=False) -> [1]
    stacked = jnp.stack(head_outs, axis=0)  # [5, 1]
    s = jnp.sum(stacked, axis=0)             # [1]
    return jax.nn.sigmoid(s)

if __name__ == "__main__":
    import jax
    _d = setup_inputs()
    print(jax.jit(kernel)(*tuple(_d.values())))

</pallas_src>

<mosaic_0001>
#map = affine_map<(d0, d1) -> (0, 0)>
#map1 = affine_map<(d0, d1) -> (0, 0, 0)>
module attributes {stable_mosaic.version = 14 : i64} {
  func.func @_segsum_body(%arg0: i32, %arg1: i32, %arg2: memref<10000x128xf32, #tpu.memory_space<hbm>>, %arg3: memref<2x2560x125xi32, #tpu.memory_space<hbm>>, %arg4: memref<10000x128xf32, #tpu.memory_space<hbm>>, %arg5: memref<2x10000x128xf32, #tpu.memory_space<hbm>>, %arg6: memref<2x16x125xi32, #tpu.memory_space<vmem>>, %arg7: memref<2x16x125xi32, #tpu.memory_space<vmem>>, %arg8: memref<2x125x128xf32, #tpu.memory_space<vmem>>, %arg9: memref<10000x128xf32, #tpu.memory_space<vmem_shared>>, %arg10: memref<!tpu.dma_semaphore, #tpu.memory_space<semaphore_mem>>, %arg11: memref<!tpu.dma_semaphore, #tpu.memory_space<semaphore_mem>>, %arg12: memref<!tpu.dma_semaphore, #tpu.memory_space<semaphore_mem>>, %arg13: memref<!tpu.dma_semaphore, #tpu.memory_space<semaphore_mem>>, %arg14: memref<!tpu.dma_semaphore, #tpu.memory_space<semaphore_mem>>, %arg15: memref<!tpu.dma_semaphore, #tpu.memory_space<semaphore_mem>>) attributes {dimension_semantics = [#tpu.dimension_semantics<core_parallel>, #tpu.dimension_semantics<subcore_parallel>], iteration_bounds = array<i64: 2, 16>, scalar_prefetch = 0 : i64, scratch_operands = 10 : i64, tpu.core_type = #tpu.core_type<sc_vector_subcore>, window_params = [{transform_indices = #map}, {transform_indices = #map1}, {transform_indices = #map}, {transform_indices = #map1}]} {
    %mul3A = arith.constant 16 : i32
    %mul3A_0 = arith.muli %arg0, %mul3A : i32
    %add3A = arith.addi %mul3A_0, %arg1 : i32
    %mul3A_1 = arith.constant 80 : i32
    %mul3A_2 = arith.muli %add3A, %mul3A_1 : i32
    %multiple_of3A = tpu.assume_multiple %mul3A_2, 8 : i32
    %add3A_3 = arith.constant 0 : i32
    %add3A_4 = arith.addi %multiple_of3A, %add3A_3 : i32
    %dma_start3A = arith.constant 0 : i32
    %dma_start3A_5 = arith.constant 0 : i32
    %dma_start3A_6 = arith.constant 0 : i32
    %dma_start3A_7 = arith.constant 0 : i32
    %dma_start3A_8 = tpu.memref_slice %arg6[%dma_start3A_5, %dma_start3A_6, %dma_start3A_7] : memref<2x16x125xi32, #tpu.memory_space<vmem>> -> memref<1x16x125xi32, #tpu.memory_space<vmem>>
    %dma_start3A_9 = tpu.memref_squeeze %dma_start3A_8 : memref<1x16x125xi32, #tpu.memory_space<vmem>> -> memref<16x125xi32, #tpu.memory_space<vmem>>
    %dma_start3A_10 = arith.constant 0 : i32
    %dma_start3A_11 = tpu.memref_slice %arg3[%dma_start3A, %add3A_4, %dma_start3A_10] : memref<2x2560x125xi32, #tpu.memory_space<hbm>> -> memref<1x16x125xi32, #tpu.memory_space<hbm>>
    %dma_start3A_12 = tpu.memref_squeeze %dma_start3A_11 : memref<1x16x125xi32, #tpu.memory_space<hbm>> -> memref<16x125xi32, #tpu.memory_space<hbm>>
    %dma_start3A_13 = arith.constant 0 : i32
    %dma_start3A_14 = arith.constant 0 : i32
    %dma_start3A_15 = tpu.memref_slice %arg6[%dma_start3A_5, %dma_start3A_13, %dma_start3A_14] : memref<2x16x125xi32, #tpu.memory_space<vmem>> -> memref<1x16x125xi32, #tpu.memory_space<vmem>>
    %dma_start3A_16 = tpu.memref_squeeze %dma_start3A_15 : memref<1x16x125xi32, #tpu.memory_space<vmem>> -> memref<16x125xi32, #tpu.memory_space<vmem>>
    %dma_start3A_17 = arith.constant 0 : i32
    %dma_start3A_18 = tpu.memref_slice %arg3[%dma_start3A, %add3A_4, %dma_start3A_17] : memref<2x2560x125xi32, #tpu.memory_space<hbm>> -> memref<1x16x125xi32, #tpu.memory_space<hbm>>
    %dma_start3A_19 = tpu.memref_squeeze %dma_start3A_18 : memref<1x16x125xi32, #tpu.memory_space<hbm>> -> memref<16x125xi32, #tpu.memory_space<hbm>>
    tpu.enqueue_dma source(%dma_start3A_19 : memref<16x125xi32, #tpu.memory_space<hbm>>) target(%dma_start3A_16 : memref<16x125xi32, #tpu.memory_space<vmem>>) target_semaphore(%arg12 : memref<!tpu.dma_semaphore, #tpu.memory_space<semaphore_mem>>)
    %add3A_20 = arith.constant 0 : i32
    %add3A_21 = arith.addi %multiple_of3A, %add3A_20 : i32
    %dma_start3A_22 = arith.constant 1 : i32
    %dma_start3A_23 = arith.constant 0 : i32
    %dma_start3A_24 = arith.constant 0 : i32
    %dma_start3A_25 = arith.constant 0 : i32
    %dma_start3A_26 = tpu.memref_slice %arg7[%dma_start3A_23, %dma_start3A_24, %dma_start3A_25] : memref<2x16x125xi32, #tpu.memory_space<vmem>> -> memref<1x16x125xi32, #tpu.memory_space<vmem>>
    %dma_start3A_27 = tpu.memref_squeeze %dma_start3A_26 : memref<1x16x125xi32, #tpu.memory_space<vmem>> -> memref<16x125xi32, #tpu.memory_space<vmem>>
    %dma_start3A_28 = arith.constant 0 : i32
    %dma_start3A_29 = tpu.memref_slice %arg3[%dma_start3A_22, %add3A_21, %dma_start3A_28] : memref<2x2560x125xi32, #tpu.memory_space<hbm>> -> memref<1x16x125xi32, #tpu.memory_space<hbm>>
    %dma_start3A_30 = tpu.memref_squeeze %dma_start3A_29 : memref<1x16x125xi32, #tpu.memory_space<hbm>> -> memref<16x125xi32, #tpu.memory_space<hbm>>
    %dma_start3A_31 = arith.constant 0 : i32
    %dma_start3A_32 = arith.constant 0 : i32
    %dma_start3A_33 = tpu.memref_slice %arg7[%dma_start3A_23, %dma_start3A_31, %dma_start3A_32] : memref<2x16x125xi32, #tpu.memory_space<vmem>> -> memref<1x16x125xi32, #tpu.memory_space<vmem>>
    %dma_start3A_34 = tpu.memref_squeeze %dma_start3A_33 : memref<1x16x125xi32, #tpu.memory_space<vmem>> -> memref<16x125xi32, #tpu.memory_space<vmem>>
    %dma_start3A_35 = arith.constant 0 : i32
    %dma_start3A_36 = tpu.memref_slice %arg3[%dma_start3A_22, %add3A_21, %dma_start3A_35] : memref<2x2560x125xi32, #tpu.memory_space<hbm>> -> memref<1x16x125xi32, #tpu.memory_space<hbm>>
    %dma_start3A_37 = tpu.memref_squeeze %dma_start3A_36 : memref<1x16x125xi32, #tpu.memory_space<hbm>> -> memref<16x125xi32, #tpu.memory_space<hbm>>
    tpu.enqueue_dma source(%dma_start3A_37 : memref<16x125xi32, #tpu.memory_space<hbm>>) target(%dma_start3A_34 : memref<16x125xi32, #tpu.memory_space<vmem>>) target_semaphore(%arg14 : memref<!tpu.dma_semaphore, #tpu.memory_space<semaphore_mem>>)
    %mul3A_38 = arith.constant 624 : i32
    %mul3A_39 = arith.muli %arg1, %mul3A_38 : i32
    %multiple_of3A_40 = tpu.assume_multiple %mul3A_39, 8 : i32
    %eq3A = arith.constant 0 : i32
    %eq3A_41 = arith.cmpi eq, %arg0, %eq3A : i32
    %convert_element_type3A = arith.extui %eq3A_41 : i1 to i32
    %cond3A = arith.constant 0 : i32
    %cond3A_42 = arith.cmpi ne, %convert_element_type3A, %cond3A : i32
    scf.if %cond3A_42 {
      "tpu.region"() ({
        %run_scoped3A = tpu.sem_alloc : memref<!tpu.dma_semaphore, #tpu.memory_space<semaphore_mem>>
        %dma_start3A_541 = arith.constant 0 : i32
        %dma_start3A_542 = tpu.memref_slice %arg9[%multiple_of3A_40, %dma_start3A_541] : memref<10000x128xf32, #tpu.memory_space<vmem_shared>> -> memref<624x128xf32, #tpu.memory_space<vmem_shared>>
        %dma_start3A_543 = arith.constant 0 : i32
        %dma_start3A_544 = tpu.memref_slice %arg2[%multiple_of3A_40, %dma_start3A_543] : memref<10000x128xf32, #tpu.memory_space<hbm>> -> memref<624x128xf32, #tpu.memory_space<hbm>>
        tpu.enqueue_dma source(%dma_start3A_544 : memref<624x128xf32, #tpu.memory_space<hbm>>) target(%dma_start3A_542 : memref<624x128xf32, #tpu.memory_space<vmem_shared>>) target_semaphore(%run_scoped3A : memref<!tpu.dma_semaphore, #tpu.memory_space<semaphore_mem>>)
        %dma_wait3A_545 = arith.constant 0 : i32
        %dma_wait3A_546 = tpu.memref_slice %arg9[%multiple_of3A_40, %dma_wait3A_545] : memref<10000x128xf32, #tpu.memory_space<vmem_shared>> -> memref<624x128xf32, #tpu.memory_space<vmem_shared>>
        %dma_wait3A_547 = arith.constant 0 : i32
        %dma_wait3A_548 = tpu.memref_slice %arg2[%multiple_of3A_40, %dma_wait3A_547] : memref<10000x128xf32, #tpu.memory_space<hbm>> -> memref<624x128xf32, #tpu.memory_space<hbm>>
        tpu.wait_dma2 semaphore(%run_scoped3A : memref<!tpu.dma_semaphore, #tpu.memory_space<semaphore_mem>>) src(%dma_wait3A_548 : memref<624x128xf32, #tpu.memory_space<hbm>>) dst(%dma_wait3A_546 : memref<624x128xf32, #tpu.memory_space<vmem_shared>>)
        tpu.yield
      }) : () -> ()
      %eq3A_536 = arith.constant 15 : i32
      %eq3A_537 = arith.cmpi eq, %arg1, %eq3A_536 : i32
      %convert_element_type3A_538 = arith.extui %eq3A_537 : i1 to i32
      %cond3A_539 = arith.constant 0 : i32
      %cond3A_540 = arith.cmpi ne, %convert_element_type3A_538, %cond3A_539 : i32
      scf.if %cond3A_540 {
        "tpu.region"() ({
          %run_scoped3A = tpu.sem_alloc : memref<!tpu.dma_semaphore, #tpu.memory_space<semaphore_mem>>
          %dma_start3A_541 = arith.constant 9984 : i32
          %dma_start3A_542 = arith.constant 0 : i32
          %dma_start3A_543 = tpu.memref_slice %arg9[%dma_start3A_541, %dma_start3A_542] : memref<10000x128xf32, #tpu.memory_space<vmem_shared>> -> memref<16x128xf32, #tpu.memory_space<vmem_shared>>
          %dma_start3A_544 = arith.constant 9984 : i32
          %dma_start3A_545 = arith.constant 0 : i32
          %dma_start3A_546 = tpu.memref_slice %arg2[%dma_start3A_544, %dma_start3A_545] : memref<10000x128xf32, #tpu.memory_space<hbm>> -> memref<16x128xf32, #tpu.memory_space<hbm>>
          tpu.enqueue_dma source(%dma_start3A_546 : memref<16x128xf32, #tpu.memory_space<hbm>>) target(%dma_start3A_543 : memref<16x128xf32, #tpu.memory_space<vmem_shared>>) target_semaphore(%run_scoped3A : memref<!tpu.dma_semaphore, #tpu.memory_space<semaphore_mem>>)
          %dma_wait3A_547 = arith.constant 9984 : i32
          %dma_wait3A_548 = arith.constant 0 : i32
          %dma_wait3A_549 = tpu.memref_slice %arg9[%dma_wait3A_547, %dma_wait3A_548] : memref<10000x128xf32, #tpu.memory_space<vmem_shared>> -> memref<16x128xf32, #tpu.memory_space<vmem_shared>>
          %dma_wait3A_550 = arith.constant 9984 : i32
          %dma_wait3A_551 = arith.constant 0 : i32
          %dma_wait3A_552 = tpu.memref_slice %arg2[%dma_wait3A_550, %dma_wait3A_551] : memref<10000x128xf32, #tpu.memory_space<hbm>> -> memref<16x128xf32, #tpu.memory_space<hbm>>
          tpu.wait_dma2 semaphore(%run_scoped3A : memref<!tpu.dma_semaphore, #tpu.memory_space<semaphore_mem>>) src(%dma_wait3A_552 : memref<16x128xf32, #tpu.memory_space<hbm>>) dst(%dma_wait3A_549 : memref<16x128xf32, #tpu.memory_space<vmem_shared>>)
          tpu.yield
        }) : () -> ()
      } else {
      }
    } else {
    }
    %eq3A_43 = arith.constant 1 : i32
    %eq3A_44 = arith.cmpi eq, %arg0, %eq3A_43 : i32
    %convert_element_type3A_45 = arith.extui %eq3A_44 : i1 to i32
    %cond3A_46 = arith.constant 0 : i32
    %cond3A_47 = arith.cmpi ne, %convert_element_type3A_45, %cond3A_46 : i32
    scf.if %cond3A_47 {
      "tpu.region"() ({
        %run_scoped3A = tpu.sem_alloc : memref<!tpu.dma_semaphore, #tpu.memory_space<semaphore_mem>>
        %dma_start3A_541 = arith.constant 0 : i32
        %dma_start3A_542 = tpu.memref_slice %arg9[%multiple_of3A_40, %dma_start3A_541] : memref<10000x128xf32, #tpu.memory_space<vmem_shared>> -> memref<624x128xf32, #tpu.memory_space<vmem_shared>>
        %dma_start3A_543 = arith.constant 0 : i32
        %dma_start3A_544 = tpu.memref_slice %arg4[%multiple_of3A_40, %dma_start3A_543] : memref<10000x128xf32, #tpu.memory_space<hbm>> -> memref<624x128xf32, #tpu.memory_space<hbm>>
        tpu.enqueue_dma source(%dma_start3A_544 : memref<624x128xf32, #tpu.memory_space<hbm>>) target(%dma_start3A_542 : memref<624x128xf32, #tpu.memory_space<vmem_shared>>) target_semaphore(%run_scoped3A : memref<!tpu.dma_semaphore, #tpu.memory_space<semaphore_mem>>)
        %dma_wait3A_545 = arith.constant 0 : i32
        %dma_wait3A_546 = tpu.memref_slice %arg9[%multiple_of3A_40, %dma_wait3A_545] : memref<10000x128xf32, #tpu.memory_space<vmem_shared>> -> memref<624x128xf32, #tpu.memory_space<vmem_shared>>
        %dma_wait3A_547 = arith.constant 0 : i32
        %dma_wait3A_548 = tpu.memref_slice %arg4[%multiple_of3A_40, %dma_wait3A_547] : memref<10000x128xf32, #tpu.memory_space<hbm>> -> memref<624x128xf32, #tpu.memory_space<hbm>>
        tpu.wait_dma2 semaphore(%run_scoped3A : memref<!tpu.dma_semaphore, #tpu.memory_space<semaphore_mem>>) src(%dma_wait3A_548 : memref<624x128xf32, #tpu.memory_space<hbm>>) dst(%dma_wait3A_546 : memref<624x128xf32, #tpu.memory_space<vmem_shared>>)
        tpu.yield
      }) : () -> ()
      %eq3A_536 = arith.constant 15 : i32
      %eq3A_537 = arith.cmpi eq, %arg1, %eq3A_536 : i32
      %convert_element_type3A_538 = arith.extui %eq3A_537 : i1 to i32
      %cond3A_539 = arith.constant 0 : i32
      %cond3A_540 = arith.cmpi ne, %convert_element_type3A_538, %cond3A_539 : i32
      scf.if %cond3A_540 {
        "tpu.region"() ({
          %run_scoped3A = tpu.sem_alloc : memref<!tpu.dma_semaphore, #tpu.memory_space<semaphore_mem>>
          %dma_start3A_541 = arith.constant 9984 : i32
          %dma_start3A_542 = arith.constant 0 : i32
          %dma_start3A_543 = tpu.memref_slice %arg9[%dma_start3A_541, %dma_start3A_542] : memref<10000x128xf32, #tpu.memory_space<vmem_shared>> -> memref<16x128xf32, #tpu.memory_space<vmem_shared>>
          %dma_start3A_544 = arith.constant 9984 : i32
          %dma_start3A_545 = arith.constant 0 : i32
          %dma_start3A_546 = tpu.memref_slice %arg4[%dma_start3A_544, %dma_start3A_545] : memref<10000x128xf32, #tpu.memory_space<hbm>> -> memref<16x128xf32, #tpu.memory_space<hbm>>
          tpu.enqueue_dma source(%dma_start3A_546 : memref<16x128xf32, #tpu.memory_space<hbm>>) target(%dma_start3A_543 : memref<16x128xf32, #tpu.memory_space<vmem_shared>>) target_semaphore(%run_scoped3A : memref<!tpu.dma_semaphore, #tpu.memory_space<semaphore_mem>>)
          %dma_wait3A_547 = arith.constant 9984 : i32
          %dma_wait3A_548 = arith.constant 0 : i32
          %dma_wait3A_549 = tpu.memref_slice %arg9[%dma_wait3A_547, %dma_wait3A_548] : memref<10000x128xf32, #tpu.memory_space<vmem_shared>> -> memref<16x128xf32, #tpu.memory_space<vmem_shared>>
          %dma_wait3A_550 = arith.constant 9984 : i32
          %dma_wait3A_551 = arith.constant 0 : i32
          %dma_wait3A_552 = tpu.memref_slice %arg4[%dma_wait3A_550, %dma_wait3A_551] : memref<10000x128xf32, #tpu.memory_space<hbm>> -> memref<16x128xf32, #tpu.memory_space<hbm>>
          tpu.wait_dma2 semaphore(%run_scoped3A : memref<!tpu.dma_semaphore, #tpu.memory_space<semaphore_mem>>) src(%dma_wait3A_552 : memref<16x128xf32, #tpu.memory_space<hbm>>) dst(%dma_wait3A_549 : memref<16x128xf32, #tpu.memory_space<vmem_shared>>)
          tpu.yield
        }) : () -> ()
      } else {
      }
    } else {
    }
    %barrier3A = arith.constant 0 : index
    tpu.barrier barrier_id(%barrier3A)
    %add3A_48 = arith.constant 0 : i32
    %add3A_49 = arith.addi %multiple_of3A, %add3A_48 : i32
    %dma_wait3A = arith.constant 0 : i32
    %dma_wait3A_50 = arith.constant 0 : i32
    %dma_wait3A_51 = arith.constant 0 : i32
    %dma_wait3A_52 = arith.constant 0 : i32
    %dma_wait3A_53 = tpu.memref_slice %arg6[%dma_wait3A_50, %dma_wait3A_51, %dma_wait3A_52] : memref<2x16x125xi32, #tpu.memory_space<vmem>> -> memref<1x16x125xi32, #tpu.memory_space<vmem>>
    %dma_wait3A_54 = tpu.memref_squeeze %dma_wait3A_53 : memref<1x16x125xi32, #tpu.memory_space<vmem>> -> memref<16x125xi32, #tpu.memory_space<vmem>>
    %dma_wait3A_55 = arith.constant 0 : i32
    %dma_wait3A_56 = tpu.memref_slice %arg3[%dma_wait3A, %add3A_49, %dma_wait3A_55] : memref<2x2560x125xi32, #tpu.memory_space<hbm>> -> memref<1x16x125xi32, #tpu.memory_space<hbm>>
    %dma_wait3A_57 = tpu.memref_squeeze %dma_wait3A_56 : memref<1x16x125xi32, #tpu.memory_space<hbm>> -> memref<16x125xi32, #tpu.memory_space<hbm>>
    %dma_wait3A_58 = arith.constant 0 : i32
    %dma_wait3A_59 = arith.constant 0 : i32
    %dma_wait3A_60 = tpu.memref_slice %arg6[%dma_wait3A_50, %dma_wait3A_58, %dma_wait3A_59] : memref<2x16x125xi32, #tpu.memory_space<vmem>> -> memref<1x16x125xi32, #tpu.memory_space<vmem>>
    %dma_wait3A_61 = tpu.memref_squeeze %dma_wait3A_60 : memref<1x16x125xi32, #tpu.memory_space<vmem>> -> memref<16x125xi32, #tpu.memory_space<vmem>>
    %dma_wait3A_62 = arith.constant 0 : i32
    %dma_wait3A_63 = tpu.memref_slice %arg3[%dma_wait3A, %add3A_49, %dma_wait3A_62] : memref<2x2560x125xi32, #tpu.memory_space<hbm>> -> memref<1x16x125xi32, #tpu.memory_space<hbm>>
    %dma_wait3A_64 = tpu.memref_squeeze %dma_wait3A_63 : memref<1x16x125xi32, #tpu.memory_space<hbm>> -> memref<16x125xi32, #tpu.memory_space<hbm>>
    tpu.wait_dma2 semaphore(%arg12 : memref<!tpu.dma_semaphore, #tpu.memory_space<semaphore_mem>>) src(%dma_wait3A_64 : memref<16x125xi32, #tpu.memory_space<hbm>>) dst(%dma_wait3A_61 : memref<16x125xi32, #tpu.memory_space<vmem>>)
    %add3A_65 = arith.constant 0 : i32
    %add3A_66 = arith.addi %multiple_of3A, %add3A_65 : i32
    %dma_wait3A_67 = arith.constant 1 : i32
    %dma_wait3A_68 = arith.constant 0 : i32
    %dma_wait3A_69 = arith.constant 0 : i32
    %dma_wait3A_70 = arith.constant 0 : i32
    %dma_wait3A_71 = tpu.memref_slice %arg7[%dma_wait3A_68, %dma_wait3A_69, %dma_wait3A_70] : memref<2x16x125xi32, #tpu.memory_space<vmem>> -> memref<1x16x125xi32, #tpu.memory_space<vmem>>
    %dma_wait3A_72 = tpu.memref_squeeze %dma_wait3A_71 : memref<1x16x125xi32, #tpu.memory_space<vmem>> -> memref<16x125xi32, #tpu.memory_space<vmem>>
    %dma_wait3A_73 = arith.constant 0 : i32
    %dma_wait3A_74 = tpu.memref_slice %arg3[%dma_wait3A_67, %add3A_66, %dma_wait3A_73] : memref<2x2560x125xi32, #tpu.memory_space<hbm>> -> memref<1x16x125xi32, #tpu.memory_space<hbm>>
    %dma_wait3A_75 = tpu.memref_squeeze %dma_wait3A_74 : memref<1x16x125xi32, #tpu.memory_space<hbm>> -> memref<16x125xi32, #tpu.memory_space<hbm>>
    %dma_wait3A_76 = arith.constant 0 : i32
    %dma_wait3A_77 = arith.constant 0 : i32
    %dma_wait3A_78 = tpu.memref_slice %arg7[%dma_wait3A_68, %dma_wait3A_76, %dma_wait3A_77] : memref<2x16x125xi32, #tpu.memory_space<vmem>> -> memref<1x16x125xi32, #tpu.memory_space<vmem>>
    %dma_wait3A_79 = tpu.memref_squeeze %dma_wait3A_78 : memref<1x16x125xi32, #tpu.memory_space<vmem>> -> memref<16x125xi32, #tpu.memory_space<vmem>>
    %dma_wait3A_80 = arith.constant 0 : i32
    %dma_wait3A_81 = tpu.memref_slice %arg3[%dma_wait3A_67, %add3A_66, %dma_wait3A_80] : memref<2x2560x125xi32, #tpu.memory_space<hbm>> -> memref<1x16x125xi32, #tpu.memory_space<hbm>>
    %dma_wait3A_82 = tpu.memref_squeeze %dma_wait3A_81 : memref<1x16x125xi32, #tpu.memory_space<hbm>> -> memref<16x125xi32, #tpu.memory_space<hbm>>
    tpu.wait_dma2 semaphore(%arg14 : memref<!tpu.dma_semaphore, #tpu.memory_space<semaphore_mem>>) src(%dma_wait3A_82 : memref<16x125xi32, #tpu.memory_space<hbm>>) dst(%dma_wait3A_79 : memref<16x125xi32, #tpu.memory_space<vmem>>)
    %add3A_83 = arith.constant 16 : i32
    %add3A_84 = arith.addi %multiple_of3A, %add3A_83 : i32
    %dma_start3A_85 = arith.constant 0 : i32
    %dma_start3A_86 = arith.constant 1 : i32
    %dma_start3A_87 = arith.constant 0 : i32
    %dma_start3A_88 = arith.constant 0 : i32
    %dma_start3A_89 = tpu.memref_slice %arg6[%dma_start3A_86, %dma_start3A_87, %dma_start3A_88] : memref<2x16x125xi32, #tpu.memory_space<vmem>> -> memref<1x16x125xi32, #tpu.memory_space<vmem>>
    %dma_start3A_90 = tpu.memref_squeeze %dma_start3A_89 : memref<1x16x125xi32, #tpu.memory_space<vmem>> -> memref<16x125xi32, #tpu.memory_space<vmem>>
    %dma_start3A_91 = arith.constant 0 : i32
    %dma_start3A_92 = tpu.memref_slice %arg3[%dma_start3A_85, %add3A_84, %dma_start3A_91] : memref<2x2560x125xi32, #tpu.memory_space<hbm>> -> memref<1x16x125xi32, #tpu.memory_space<hbm>>
    %dma_start3A_93 = tpu.memref_squeeze %dma_start3A_92 : memref<1x16x125xi32, #tpu.memory_space<hbm>> -> memref<16x125xi32, #tpu.memory_space<hbm>>
    %dma_start3A_94 = arith.constant 0 : i32
    %dma_start3A_95 = arith.constant 0 : i32
    %dma_start3A_96 = tpu.memref_slice %arg6[%dma_start3A_86, %dma_start3A_94, %dma_start3A_95] : memref<2x16x125xi32, #tpu.memory_space<vmem>> -> memref<1x16x125xi32, #tpu.memory_space<vmem>>
    %dma_start3A_97 = tpu.memref_squeeze %dma_start3A_96 : memref<1x16x125xi32, #tpu.memory_space<vmem>> -> memref<16x125xi32, #tpu.memory_space<vmem>>
    %dma_start3A_98 = arith.constant 0 : i32
    %dma_start3A_99 = tpu.memref_slice %arg3[%dma_start3A_85, %add3A_84, %dma_start3A_98] : memref<2x2560x125xi32, #tpu.memory_space<hbm>> -> memref<1x16x125xi32, #tpu.memory_space<hbm>>
    %dma_start3A_100 = tpu.memref_squeeze %dma_start3A_99 : memref<1x16x125xi32, #tpu.memory_space<hbm>> -> memref<16x125xi32, #tpu.memory_space<hbm>>
    tpu.enqueue_dma source(%dma_start3A_100 : memref<16x125xi32, #tpu.memory_space<hbm>>) target(%dma_start3A_97 : memref<16x125xi32, #tpu.memory_space<vmem>>) target_semaphore(%arg13 : memref<!tpu.dma_semaphore, #tpu.memory_space<semaphore_mem>>)
    %add3A_101 = arith.constant 16 : i32
    %add3A_102 = arith.addi %multiple_of3A, %add3A_101 : i32
    %dma_start3A_103 = arith.constant 1 : i32
    %dma_start3A_104 = arith.constant 1 : i32
    %dma_start3A_105 = arith.constant 0 : i32
    %dma_start3A_106 = arith.constant 0 : i32
    %dma_start3A_107 = tpu.memref_slice %arg7[%dma_start3A_104, %dma_start3A_105, %dma_start3A_106] : memref<2x16x125xi32, #tpu.memory_space<vmem>> -> memref<1x16x125xi32, #tpu.memory_space<vmem>>
    %dma_start3A_108 = tpu.memref_squeeze %dma_start3A_107 : memref<1x16x125xi32, #tpu.memory_space<vmem>> -> memref<16x125xi32, #tpu.memory_space<vmem>>
    %dma_start3A_109 = arith.constant 0 : i32
    %dma_start3A_110 = tpu.memref_slice %arg3[%dma_start3A_103, %add3A_102, %dma_start3A_109] : memref<2x2560x125xi32, #tpu.memory_space<hbm>> -> memref<1x16x125xi32, #tpu.memory_space<hbm>>
    %dma_start3A_111 = tpu.memref_squeeze %dma_start3A_110 : memref<1x16x125xi32, #tpu.memory_space<hbm>> -> memref<16x125xi32, #tpu.memory_space<hbm>>
    %dma_start3A_112 = arith.constant 0 : i32
    %dma_start3A_113 = arith.constant 0 : i32
    %dma_start3A_114 = tpu.memref_slice %arg7[%dma_start3A_104, %dma_start3A_112, %dma_start3A_113] : memref<2x16x125xi32, #tpu.memory_space<vmem>> -> memref<1x16x125xi32, #tpu.memory_space<vmem>>
    %dma_start3A_115 = tpu.memref_squeeze %dma_start3A_114 : memref<1x16x125xi32, #tpu.memory_space<vmem>> -> memref<16x125xi32, #tpu.memory_space<vmem>>
    %dma_start3A_116 = arith.constant 0 : i32
    %dma_start3A_117 = tpu.memref_slice %arg3[%dma_start3A_103, %add3A_102, %dma_start3A_116] : memref<2x2560x125xi32, #tpu.memory_space<hbm>> -> memref<1x16x125xi32, #tpu.memory_space<hbm>>
    %dma_start3A_118 = tpu.memref_squeeze %dma_start3A_117 : memref<1x16x125xi32, #tpu.memory_space<hbm>> -> memref<16x125xi32, #tpu.memory_space<hbm>>
    tpu.enqueue_dma source(%dma_start3A_118 : memref<16x125xi32, #tpu.memory_space<hbm>>) target(%dma_start3A_115 : memref<16x125xi32, #tpu.memory_space<vmem>>) target_semaphore(%arg15 : memref<!tpu.dma_semaphore, #tpu.memory_space<semaphore_mem>>)
    %dma_start3A_119 = arith.constant 0 : i32
    %dma_start3A_120 = arith.constant 0 : i32
    %dma_start3A_121 = arith.constant 0 : i32
    %dma_start3A_122 = arith.constant 0 : i32
    %dma_start3A_123 = arith.constant 0 : i32
    %dma_start3A_124 = tpu.memref_slice %arg8[%dma_start3A_121, %dma_start3A_122, %dma_start3A_123] : memref<2x125x128xf32, #tpu.memory_space<vmem>> -> memref<1x125x128xf32, #tpu.memory_space<vmem>>
    %dma_start3A_125 = tpu.memref_squeeze %dma_start3A_124 : memref<1x125x128xf32, #tpu.memory_space<vmem>> -> memref<125x128xf32, #tpu.memory_space<vmem>>
    %dma_start3A_126 = arith.constant 0 : i32
    %dma_start3A_127 = tpu.memref_slice %arg6[%dma_start3A_119, %dma_start3A_120, %dma_start3A_126] : memref<2x16x125xi32, #tpu.memory_space<vmem>> -> memref<1x1x125xi32, #tpu.memory_space<vmem>>
    %dma_start3A_128 = tpu.memref_squeeze %dma_start3A_127 : memref<1x1x125xi32, #tpu.memory_space<vmem>> -> memref<125xi32, #tpu.memory_space<vmem>>
    %dma_start3A_129 = arith.constant 0 : i32
    %dma_start3A_130 = arith.constant 0 : i32
    %dma_start3A_131 = tpu.memref_slice %arg2[%dma_start3A_129, %dma_start3A_130] : memref<10000x128xf32, #tpu.memory_space<hbm>> -> memref<10000x128xf32, #tpu.memory_space<hbm>>
    tpu.enqueue_indirect_dma source(%dma_start3A_131 : memref<10000x128xf32, #tpu.memory_space<hbm>>) target(%dma_start3A_125 : memref<125x128xf32, #tpu.memory_space<vmem>>) offsets(%dma_start3A_128 : memref<125xi32, #tpu.memory_space<vmem>>) semaphore(%arg10 : memref<!tpu.dma_semaphore, #tpu.memory_space<semaphore_mem>>)
    %dma_start3A_132 = arith.constant 0 : i32
    %dma_start3A_133 = arith.constant 1 : i32
    %dma_start3A_134 = arith.constant 1 : i32
    %dma_start3A_135 = arith.constant 0 : i32
    %dma_start3A_136 = arith.constant 0 : i32
    %dma_start3A_137 = tpu.memref_slice %arg8[%dma_start3A_134, %dma_start3A_135, %dma_start3A_136] : memref<2x125x128xf32, #tpu.memory_space<vmem>> -> memref<1x125x128xf32, #tpu.memory_space<vmem>>
    %dma_start3A_138 = tpu.memref_squeeze %dma_start3A_137 : memref<1x125x128xf32, #tpu.memory_space<vmem>> -> memref<125x128xf32, #tpu.memory_space<vmem>>
    %dma_start3A_139 = arith.constant 0 : i32
    %dma_start3A_140 = tpu.memref_slice %arg6[%dma_start3A_132, %dma_start3A_133, %dma_start3A_139] : memref<2x16x125xi32, #tpu.memory_space<vmem>> -> memref<1x1x125xi32, #tpu.memory_space<vmem>>
    %dma_start3A_141 = tpu.memref_squeeze %dma_start3A_140 : memref<1x1x125xi32, #tpu.memory_space<vmem>> -> memref<125xi32, #tpu.memory_space<vmem>>
    %dma_start3A_142 = arith.constant 0 : i32
    %dma_start3A_143 = arith.constant 0 : i32
    %dma_start3A_144 = tpu.memref_slice %arg2[%dma_start3A_142, %dma_start3A_143] : memref<10000x128xf32, #tpu.memory_space<hbm>> -> memref<10000x128xf32, #tpu.memory_space<hbm>>
    tpu.enqueue_indirect_dma source(%dma_start3A_144 : memref<10000x128xf32, #tpu.memory_space<hbm>>) target(%dma_start3A_138 : memref<125x128xf32, #tpu.memory_space<vmem>>) offsets(%dma_start3A_141 : memref<125xi32, #tpu.memory_space<vmem>>) semaphore(%arg11 : memref<!tpu.dma_semaphore, #tpu.memory_space<semaphore_mem>>)
    %scan3A = arith.constant 0 : i32
    %scan3A_145 = arith.constant 0 : i32
    %scan3A_146 = arith.constant 8 : i32
    %scan3A_147 = arith.addi %scan3A_145, %scan3A_146 : i32
    %scan3A_148 = arith.constant 1 : i32
    scf.for %scan3A_536 = %scan3A_145 to %scan3A_147 step %scan3A_148  : i32 {
      %mul3A_537 = arith.constant 2 : i32
      %mul3A_538 = arith.muli %scan3A_536, %mul3A_537 : i32
      %add3A_539 = arith.constant 0 : i32
      %add3A_540 = arith.addi %mul3A_538, %add3A_539 : i32
      %dma_wait3A_541 = arith.constant 0 : i32
      %dma_wait3A_542 = arith.constant 0 : i32
      %dma_wait3A_543 = arith.constant 0 : i32
      %dma_wait3A_544 = arith.constant 0 : i32
      %dma_wait3A_545 = tpu.memref_slice %arg8[%dma_wait3A_542, %dma_wait3A_543, %dma_wait3A_544] : memref<2x125x128xf32, #tpu.memory_space<vmem>> -> memref<1x125x128xf32, #tpu.memory_space<vmem>>
      %dma_wait3A_546 = tpu.memref_squeeze %dma_wait3A_545 : memref<1x125x128xf32, #tpu.memory_space<vmem>> -> memref<125x128xf32, #tpu.memory_space<vmem>>
      %dma_wait3A_547 = arith.constant 0 : i32
      %dma_wait3A_548 = tpu.memref_slice %arg6[%dma_wait3A_541, %add3A_540, %dma_wait3A_547] : memref<2x16x125xi32, #tpu.memory_space<vmem>> -> memref<1x1x125xi32, #tpu.memory_space<vmem>>
      %dma_wait3A_549 = tpu.memref_squeeze %dma_wait3A_548 : memref<1x1x125xi32, #tpu.memory_space<vmem>> -> memref<125xi32, #tpu.memory_space<vmem>>
      %dma_wait3A_550 = arith.constant 0 : i32
      %dma_wait3A_551 = arith.constant 0 : i32
      %dma_wait3A_552 = tpu.memref_slice %arg2[%dma_wait3A_550, %dma_wait3A_551] : memref<10000x128xf32, #tpu.memory_space<hbm>> -> memref<10000x128xf32, #tpu.memory_space<hbm>>
      tpu.wait_indirect_dma semaphore(%arg10 : memref<!tpu.dma_semaphore, #tpu.memory_space<semaphore_mem>>) src(%dma_wait3A_552 : memref<10000x128xf32, #tpu.memory_space<hbm>>) dst(%dma_wait3A_546 : memref<125x128xf32, #tpu.memory_space<vmem>>)
      %run_scoped3A = arith.constant 0 : i32
      %run_scoped3A_553 = arith.constant 0 : i32
      "tpu.region"() ({
        %run_scoped3A_583 = tpu.sem_alloc : memref<!tpu.dma_semaphore, #tpu.memory_space<semaphore_mem>>
        %dma_start3A_584 = arith.constant 0 : i32
        %dma_start3A_585 = arith.constant 0 : i32
        %dma_start3A_586 = tpu.memref_slice %arg8[%run_scoped3A, %dma_start3A_584, %dma_start3A_585] : memref<2x125x128xf32, #tpu.memory_space<vmem>> -> memref<1x125x128xf32, #tpu.memory_space<vmem>>
        %dma_start3A_587 = tpu.memref_squeeze %dma_start3A_586 : memref<1x125x128xf32, #tpu.memory_space<vmem>> -> memref<125x128xf32, #tpu.memory_space<vmem>>
        %dma_start3A_588 = arith.constant 0 : i32
        %dma_start3A_589 = tpu.memref_slice %arg7[%run_scoped3A_553, %add3A_540, %dma_start3A_588] : memref<2x16x125xi32, #tpu.memory_space<vmem>> -> memref<1x1x125xi32, #tpu.memory_space<vmem>>
        %dma_start3A_590 = tpu.memref_squeeze %dma_start3A_589 : memref<1x1x125xi32, #tpu.memory_space<vmem>> -> memref<125xi32, #tpu.memory_space<vmem>>
        %dma_start3A_591 = arith.constant 0 : i32
        %dma_start3A_592 = arith.constant 0 : i32
        %dma_start3A_593 = tpu.memref_slice %arg9[%dma_start3A_591, %dma_start3A_592] : memref<10000x128xf32, #tpu.memory_space<vmem_shared>> -> memref<10000x128xf32, #tpu.memory_space<vmem_shared>>
        tpu.enqueue_indirect_dma source(%dma_start3A_587 : memref<125x128xf32, #tpu.memory_space<vmem>>) target(%dma_start3A_593 : memref<10000x128xf32, #tpu.memory_space<vmem_shared>>) offsets(%dma_start3A_590 : memref<125xi32, #tpu.memory_space<vmem>>) semaphore(%run_scoped3A_583 : memref<!tpu.dma_semaphore, #tpu.memory_space<semaphore_mem>>) {add = true}
        %dma_wait3A_594 = arith.constant 0 : i32
        %dma_wait3A_595 = arith.constant 0 : i32
        %dma_wait3A_596 = tpu.memref_slice %arg8[%run_scoped3A, %dma_wait3A_594, %dma_wait3A_595] : memref<2x125x128xf32, #tpu.memory_space<vmem>> -> memref<1x125x128xf32, #tpu.memory_space<vmem>>
        %dma_wait3A_597 = tpu.memref_squeeze %dma_wait3A_596 : memref<1x125x128xf32, #tpu.memory_space<vmem>> -> memref<125x128xf32, #tpu.memory_space<vmem>>
        %dma_wait3A_598 = arith.constant 0 : i32
        %dma_wait3A_599 = tpu.memref_slice %arg7[%run_scoped3A_553, %add3A_540, %dma_wait3A_598] : memref<2x16x125xi32, #tpu.memory_space<vmem>> -> memref<1x1x125xi32, #tpu.memory_space<vmem>>
        %dma_wait3A_600 = tpu.memref_squeeze %dma_wait3A_599 : memref<1x1x125xi32, #tpu.memory_space<vmem>> -> memref<125xi32, #tpu.memory_space<vmem>>
        %dma_wait3A_601 = arith.constant 0 : i32
        %dma_wait3A_602 = arith.constant 0 : i32
        %dma_wait3A_603 = tpu.memref_slice %arg9[%dma_wait3A_601, %dma_wait3A_602] : memref<10000x128xf32, #tpu.memory_space<vmem_shared>> -> memref<10000x128xf32, #tpu.memory_space<vmem_shared>>
        tpu.wait_indirect_dma semaphore(%run_scoped3A_583 : memref<!tpu.dma_semaphore, #tpu.memory_space<semaphore_mem>>) src(%dma_wait3A_597 : memref<125x128xf32, #tpu.memory_space<vmem>>) dst(%dma_wait3A_603 : memref<10000x128xf32, #tpu.memory_space<vmem_shared>>)
        tpu.yield
      }) : () -> ()
      %add3A_554 = arith.constant 2 : i32
      %add3A_555 = arith.addi %add3A_540, %add3A_554 : i32
      %lt3A = arith.constant 16 : i32
      %lt3A_556 = arith.cmpi slt, %add3A_555, %lt3A : i32
      %convert_element_type3A_557 = arith.extui %lt3A_556 : i1 to i32
      %cond3A_558 = arith.constant 0 : i32
      %cond3A_559 = arith.cmpi ne, %convert_element_type3A_557, %cond3A_558 : i32
      scf.if %cond3A_559 {
        %add3A_583 = arith.constant 2 : i32
        %add3A_584 = arith.addi %add3A_540, %add3A_583 : i32
        %dma_start3A_585 = arith.constant 0 : i32
        %dma_start3A_586 = arith.constant 0 : i32
        %dma_start3A_587 = arith.constant 0 : i32
        %dma_start3A_588 = arith.constant 0 : i32
        %dma_start3A_589 = tpu.memref_slice %arg8[%dma_start3A_586, %dma_start3A_587, %dma_start3A_588] : memref<2x125x128xf32, #tpu.memory_space<vmem>> -> memref<1x125x128xf32, #tpu.memory_space<vmem>>
        %dma_start3A_590 = tpu.memref_squeeze %dma_start3A_589 : memref<1x125x128xf32, #tpu.memory_space<vmem>> -> memref<125x128xf32, #tpu.memory_space<vmem>>
        %dma_start3A_591 = arith.constant 0 : i32
        %dma_start3A_592 = tpu.memref_slice %arg6[%dma_start3A_585, %add3A_584, %dma_start3A_591] : memref<2x16x125xi32, #tpu.memory_space<vmem>> -> memref<1x1x125xi32, #tpu.memory_space<vmem>>
        %dma_start3A_593 = tpu.memref_squeeze %dma_start3A_592 : memref<1x1x125xi32, #tpu.memory_space<vmem>> -> memref<125xi32, #tpu.memory_space<vmem>>
        %dma_start3A_594 = arith.constant 0 : i32
        %dma_start3A_595 = arith.constant 0 : i32
        %dma_start3A_596 = tpu.memref_slice %arg2[%dma_start3A_594, %dma_start3A_595] : memref<10000x128xf32, #tpu.memory_space<hbm>> -> memref<10000x128xf32, #tpu.memory_space<hbm>>
        tpu.enqueue_indirect_dma source(%dma_start3A_596 : memref<10000x128xf32, #tpu.memory_space<hbm>>) target(%dma_start3A_590 : memref<125x128xf32, #tpu.memory_space<vmem>>) offsets(%dma_start3A_593 : memref<125xi32, #tpu.memory_space<vmem>>) semaphore(%arg10 : memref<!tpu.dma_semaphore, #tpu.memory_space<semaphore_mem>>)
      } else {
      }
      %add3A_560 = arith.constant 1 : i32
      %add3A_561 = arith.addi %mul3A_538, %add3A_560 : i32
      %dma_wait3A_562 = arith.constant 0 : i32
      %dma_wait3A_563 = arith.constant 1 : i32
      %dma_wait3A_564 = arith.constant 0 : i32
      %dma_wait3A_565 = arith.constant 0 : i32
      %dma_wait3A_566 = tpu.memref_slice %arg8[%dma_wait3A_563, %dma_wait3A_564, %dma_wait3A_565] : memref<2x125x128xf32, #tpu.memory_space<vmem>> -> memref<1x125x128xf32, #tpu.memory_space<vmem>>
      %dma_wait3A_567 = tpu.memref_squeeze %dma_wait3A_566 : memref<1x125x128xf32, #tpu.memory_space<vmem>> -> memref<125x128xf32, #tpu.memory_space<vmem>>
      %dma_wait3A_568 = arith.constant 0 : i32
      %dma_wait3A_569 = tpu.memref_slice %arg6[%dma_wait3A_562, %add3A_561, %dma_wait3A_568] : memref<2x16x125xi32, #tpu.memory_space<vmem>> -> memref<1x1x125xi32, #tpu.memory_space<vmem>>
      %dma_wait3A_570 = tpu.memref_squeeze %dma_wait3A_569 : memref<1x1x125xi32, #tpu.memory_space<vmem>> -> memref<125xi32, #tpu.memory_space<vmem>>
      %dma_wait3A_571 = arith.constant 0 : i32
      %dma_wait3A_572 = arith.constant 0 : i32
      %dma_wait3A_573 = tpu.memref_slice %arg2[%dma_wait3A_571, %dma_wait3A_572] : memref<10000x128xf32, #tpu.memory_space<hbm>> -> memref<10000x128xf32, #tpu.memory_space<hbm>>
      tpu.wait_indirect_dma semaphore(%arg11 : memref<!tpu.dma_semaphore, #tpu.memory_space<semaphore_mem>>) src(%dma_wait3A_573 : memref<10000x128xf32, #tpu.memory_space<hbm>>) dst(%dma_wait3A_567 : memref<125x128xf32, #tpu.memory_space<vmem>>)
      %run_scoped3A_574 = arith.constant 1 : i32
      %run_scoped3A_575 = arith.constant 0 : i32
      "tpu.region"() ({
        %run_scoped3A_583 = tpu.sem_alloc : memref<!tpu.dma_semaphore, #tpu.memory_space<semaphore_mem>>
        %dma_start3A_584 = arith.constant 0 : i32
        %dma_start3A_585 = arith.constant 0 : i32
        %dma_start3A_586 = tpu.memref_slice %arg8[%run_scoped3A_574, %dma_start3A_584, %dma_start3A_585] : memref<2x125x128xf32, #tpu.memory_space<vmem>> -> memref<1x125x128xf32, #tpu.memory_space<vmem>>
        %dma_start3A_587 = tpu.memref_squeeze %dma_start3A_586 : memref<1x125x128xf32, #tpu.memory_space<vmem>> -> memref<125x128xf32, #tpu.memory_space<vmem>>
        %dma_start3A_588 = arith.constant 0 : i32
        %dma_start3A_589 = tpu.memref_slice %arg7[%run_scoped3A_575, %add3A_561, %dma_start3A_588] : memref<2x16x125xi32, #tpu.memory_space<vmem>> -> memref<1x1x125xi32, #tpu.memory_space<vmem>>
        %dma_start3A_590 = tpu.memref_squeeze %dma_start3A_589 : memref<1x1x125xi32, #tpu.memory_space<vmem>> -> memref<125xi32, #tpu.memory_space<vmem>>
        %dma_start3A_591 = arith.constant 0 : i32
        %dma_start3A_592 = arith.constant 0 : i32
        %dma_start3A_593 = tpu.memref_slice %arg9[%dma_start3A_591, %dma_start3A_592] : memref<10000x128xf32, #tpu.memory_space<vmem_shared>> -> memref<10000x128xf32, #tpu.memory_space<vmem_shared>>
        tpu.enqueue_indirect_dma source(%dma_start3A_587 : memref<125x128xf32, #tpu.memory_space<vmem>>) target(%dma_start3A_593 : memref<10000x128xf32, #tpu.memory_space<vmem_shared>>) offsets(%dma_start3A_590 : memref<125xi32, #tpu.memory_space<vmem>>) semaphore(%run_scoped3A_583 : memref<!tpu.dma_semaphore, #tpu.memory_space<semaphore_mem>>) {add = true}
        %dma_wait3A_594 = arith.constant 0 : i32
        %dma_wait3A_595 = arith.constant 0 : i32
        %dma_wait3A_596 = tpu.memref_slice %arg8[%run_scoped3A_574, %dma_wait3A_594, %dma_wait3A_595] : memref<2x125x128xf32, #tpu.memory_space<vmem>> -> memref<1x125x128xf32, #tpu.memory_space<vmem>>
        %dma_wait3A_597 = tpu.memref_squeeze %dma_wait3A_596 : memref<1x125x128xf32, #tpu.memory_space<vmem>> -> memref<125x128xf32, #tpu.memory_space<vmem>>
        %dma_wait3A_598 = arith.constant 0 : i32
        %dma_wait3A_599 = tpu.memref_slice %arg7[%run_scoped3A_575, %add3A_561, %dma_wait3A_598] : memref<2x16x125xi32, #tpu.memory_space<vmem>> -> memref<1x1x125xi32, #tpu.memory_space<vmem>>
        %dma_wait3A_600 = tpu.memref_squeeze %dma_wait3A_599 : memref<1x1x125xi32, #tpu.memory_space<vmem>> -> memref<125xi32, #tpu.memory_space<vmem>>
        %dma_wait3A_601 = arith.constant 0 : i32
        %dma_wait3A_602 = arith.constant 0 : i32
        %dma_wait3A_603 = tpu.memref_slice %arg9[%dma_wait3A_601, %dma_wait3A_602] : memref<10000x128xf32, #tpu.memory_space<vmem_shared>> -> memref<10000x128xf32, #tpu.memory_space<vmem_shared>>
        tpu.wait_indirect_dma semaphore(%run_scoped3A_583 : memref<!tpu.dma_semaphore, #tpu.memory_space<semaphore_mem>>) src(%dma_wait3A_597 : memref<125x128xf32, #tpu.memory_space<vmem>>) dst(%dma_wait3A_603 : memref<10000x128xf32, #tpu.memory_space<vmem_shared>>)
        tpu.yield
      }) : () -> ()
      %add3A_576 = arith.constant 2 : i32
      %add3A_577 = arith.addi %add3A_561, %add3A_576 : i32
      %lt3A_578 = arith.constant 16 : i32
      %lt3A_579 = arith.cmpi slt, %add3A_577, %lt3A_578 : i32
      %convert_element_type3A_580 = arith.extui %lt3A_579 : i1 to i32
      %cond3A_581 = arith.constant 0 : i32
      %cond3A_582 = arith.cmpi ne, %convert_element_type3A_580, %cond3A_581 : i32
      scf.if %cond3A_582 {
        %add3A_583 = arith.constant 2 : i32
        %add3A_584 = arith.addi %add3A_561, %add3A_583 : i32
        %dma_start3A_585 = arith.constant 0 : i32
        %dma_start3A_586 = arith.constant 1 : i32
        %dma_start3A_587 = arith.constant 0 : i32
        %dma_start3A_588 = arith.constant 0 : i32
        %dma_start3A_589 = tpu.memref_slice %arg8[%dma_start3A_586, %dma_start3A_587, %dma_start3A_588] : memref<2x125x128xf32, #tpu.memory_space<vmem>> -> memref<1x125x128xf32, #tpu.memory_space<vmem>>
        %dma_start3A_590 = tpu.memref_squeeze %dma_start3A_589 : memref<1x125x128xf32, #tpu.memory_space<vmem>> -> memref<125x128xf32, #tpu.memory_space<vmem>>
        %dma_start3A_591 = arith.constant 0 : i32
        %dma_start3A_592 = tpu.memref_slice %arg6[%dma_start3A_585, %add3A_584, %dma_start3A_591] : memref<2x16x125xi32, #tpu.memory_space<vmem>> -> memref<1x1x125xi32, #tpu.memory_space<vmem>>
        %dma_start3A_593 = tpu.memref_squeeze %dma_start3A_592 : memref<1x1x125xi32, #tpu.memory_space<vmem>> -> memref<125xi32, #tpu.memory_space<vmem>>
        %dma_start3A_594 = arith.constant 0 : i32
        %dma_start3A_595 = arith.constant 0 : i32
        %dma_start3A_596 = tpu.memref_slice %arg2[%dma_start3A_594, %dma_start3A_595] : memref<10000x128xf32, #tpu.memory_space<hbm>> -> memref<10000x128xf32, #tpu.memory_space<hbm>>
        tpu.enqueue_indirect_dma source(%dma_start3A_596 : memref<10000x128xf32, #tpu.memory_space<hbm>>) target(%dma_start3A_590 : memref<125x128xf32, #tpu.memory_space<vmem>>) offsets(%dma_start3A_593 : memref<125xi32, #tpu.memory_space<vmem>>) semaphore(%arg11 : memref<!tpu.dma_semaphore, #tpu.memory_space<semaphore_mem>>)
      } else {
      }
    }
    %scan3A_149 = arith.constant 8 : i32
    %add3A_150 = arith.constant 16 : i32
    %add3A_151 = arith.addi %multiple_of3A, %add3A_150 : i32
    %dma_wait3A_152 = arith.constant 0 : i32
    %dma_wait3A_153 = arith.constant 1 : i32
    %dma_wait3A_154 = arith.constant 0 : i32
    %dma_wait3A_155 = arith.constant 0 : i32
    %dma_wait3A_156 = tpu.memref_slice %arg6[%dma_wait3A_153, %dma_wait3A_154, %dma_wait3A_155] : memref<2x16x125xi32, #tpu.memory_space<vmem>> -> memref<1x16x125xi32, #tpu.memory_space<vmem>>
    %dma_wait3A_157 = tpu.memref_squeeze %dma_wait3A_156 : memref<1x16x125xi32, #tpu.memory_space<vmem>> -> memref<16x125xi32, #tpu.memory_space<vmem>>
    %dma_wait3A_158 = arith.constant 0 : i32
    %dma_wait3A_159 = tpu.memref_slice %arg3[%dma_wait3A_152, %add3A_151, %dma_wait3A_158] : memref<2x2560x125xi32, #tpu.memory_space<hbm>> -> memref<1x16x125xi32, #tpu.memory_space<hbm>>
    %dma_wait3A_160 = tpu.memref_squeeze %dma_wait3A_159 : memref<1x16x125xi32, #tpu.memory_space<hbm>> -> memref<16x125xi32, #tpu.memory_space<hbm>>
    %dma_wait3A_161 = arith.constant 0 : i32
    %dma_wait3A_162 = arith.constant 0 : i32
    %dma_wait3A_163 = tpu.memref_slice %arg6[%dma_wait3A_153, %dma_wait3A_161, %dma_wait3A_162] : memref<2x16x125xi32, #tpu.memory_space<vmem>> -> memref<1x16x125xi32, #tpu.memory_space<vmem>>
    %dma_wait3A_164 = tpu.memref_squeeze %dma_wait3A_163 : memref<1x16x125xi32, #tpu.memory_space<vmem>> -> memref<16x125xi32, #tpu.memory_space<vmem>>
    %dma_wait3A_165 = arith.constant 0 : i32
    %dma_wait3A_166 = tpu.memref_slice %arg3[%dma_wait3A_152, %add3A_151, %dma_wait3A_165] : memref<2x2560x125xi32, #tpu.memory_space<hbm>> -> memref<1x16x125xi32, #tpu.memory_space<hbm>>
    %dma_wait3A_167 = tpu.memref_squeeze %dma_wait3A_166 : memref<1x16x125xi32, #tpu.memory_space<hbm>> -> memref<16x125xi32, #tpu.memory_space<hbm>>
    tpu.wait_dma2 semaphore(%arg13 : memref<!tpu.dma_semaphore, #tpu.memory_space<semaphore_mem>>) src(%dma_wait3A_167 : memref<16x125xi32, #tpu.memory_space<hbm>>) dst(%dma_wait3A_164 : memref<16x125xi32, #tpu.memory_space<vmem>>)
    %add3A_168 = arith.constant 16 : i32
    %add3A_169 = arith.addi %multiple_of3A, %add3A_168 : i32
    %dma_wait3A_170 = arith.constant 1 : i32
    %dma_wait3A_171 = arith.constant 1 : i32
    %dma_wait3A_172 = arith.constant 0 : i32
    %dma_wait3A_173 = arith.constant 0 : i32
    %dma_wait3A_174 = tpu.memref_slice %arg7[%dma_wait3A_171, %dma_wait3A_172, %dma_wait3A_173] : memref<2x16x125xi32, #tpu.memory_space<vmem>> -> memref<1x16x125xi32, #tpu.memory_space<vmem>>
    %dma_wait3A_175 = tpu.memref_squeeze %dma_wait3A_174 : memref<1x16x125xi32, #tpu.memory_space<vmem>> -> memref<16x125xi32, #tpu.memory_space<vmem>>
    %dma_wait3A_176 = arith.constant 0 : i32
    %dma_wait3A_177 = tpu.memref_slice %arg3[%dma_wait3A_170, %add3A_169, %dma_wait3A_176] : memref<2x2560x125xi32, #tpu.memory_space<hbm>> -> memref<1x16x125xi32, #tpu.memory_space<hbm>>
    %dma_wait3A_178 = tpu.memref_squeeze %dma_wait3A_177 : memref<1x16x125xi32, #tpu.memory_space<hbm>> -> memref<16x125xi32, #tpu.memory_space<hbm>>
    %dma_wait3A_179 = arith.constant 0 : i32
    %dma_wait3A_180 = arith.constant 0 : i32
    %dma_wait3A_181 = tpu.memref_slice %arg7[%dma_wait3A_171, %dma_wait3A_179, %dma_wait3A_180] : memref<2x16x125xi32, #tpu.memory_space<vmem>> -> memref<1x16x125xi32, #tpu.memory_space<vmem>>
    %dma_wait3A_182 = tpu.memref_squeeze %dma_wait3A_181 : memref<1x16x125xi32, #tpu.memory_space<vmem>> -> memref<16x125xi32, #tpu.memory_space<vmem>>
    %dma_wait3A_183 = arith.constant 0 : i32
    %dma_wait3A_184 = tpu.memref_slice %arg3[%dma_wait3A_170, %add3A_169, %dma_wait3A_183] : memref<2x2560x125xi32, #tpu.memory_space<hbm>> -> memref<1x16x125xi32, #tpu.memory_space<hbm>>
    %dma_wait3A_185 = tpu.memref_squeeze %dma_wait3A_184 : memref<1x16x125xi32, #tpu.memory_space<hbm>> -> memref<16x125xi32, #tpu.memory_space<hbm>>
    tpu.wait_dma2 semaphore(%arg15 : memref<!tpu.dma_semaphore, #tpu.memory_space<semaphore_mem>>) src(%dma_wait3A_185 : memref<16x125xi32, #tpu.memory_space<hbm>>) dst(%dma_wait3A_182 : memref<16x125xi32, #tpu.memory_space<vmem>>)
    %add3A_186 = arith.constant 32 : i32
    %add3A_187 = arith.addi %multiple_of3A, %add3A_186 : i32
    %dma_start3A_188 = arith.constant 0 : i32
    %dma_start3A_189 = arith.constant 0 : i32
    %dma_start3A_190 = arith.constant 0 : i32
    %dma_start3A_191 = arith.constant 0 : i32
    %dma_start3A_192 = tpu.memref_slice %arg6[%dma_start3A_189, %dma_start3A_190, %dma_start3A_191] : memref<2x16x125xi32, #tpu.memory_space<vmem>> -> memref<1x16x125xi32, #tpu.memory_space<vmem>>
    %dma_start3A_193 = tpu.memref_squeeze %dma_start3A_192 : memref<1x16x125xi32, #tpu.memory_space<vmem>> -> memref<16x125xi32, #tpu.memory_space<vmem>>
    %dma_start3A_194 = arith.constant 0 : i32
    %dma_start3A_195 = tpu.memref_slice %arg3[%dma_start3A_188, %add3A_187, %dma_start3A_194] : memref<2x2560x125xi32, #tpu.memory_space<hbm>> -> memref<1x16x125xi32, #tpu.memory_space<hbm>>
    %dma_start3A_196 = tpu.memref_squeeze %dma_start3A_195 : memref<1x16x125xi32, #tpu.memory_space<hbm>> -> memref<16x125xi32, #tpu.memory_space<hbm>>
    %dma_start3A_197 = arith.constant 0 : i32
    %dma_start3A_198 = arith.constant 0 : i32
    %dma_start3A_199 = tpu.memref_slice %arg6[%dma_start3A_189, %dma_start3A_197, %dma_start3A_198] : memref<2x16x125xi32, #tpu.memory_space<vmem>> -> memref<1x16x125xi32, #tpu.memory_space<vmem>>
    %dma_start3A_200 = tpu.memref_squeeze %dma_start3A_199 : memref<1x16x125xi32, #tpu.memory_space<vmem>> -> memref<16x125xi32, #tpu.memory_space<vmem>>
    %dma_start3A_201 = arith.constant 0 : i32
    %dma_start3A_202 = tpu.memref_slice %arg3[%dma_start3A_188, %add3A_187, %dma_start3A_201] : memref<2x2560x125xi32, #tpu.memory_space<hbm>> -> memref<1x16x125xi32, #tpu.memory_space<hbm>>
    %dma_start3A_203 = tpu.memref_squeeze %dma_start3A_202 : memref<1x16x125xi32, #tpu.memory_space<hbm>> -> memref<16x125xi32, #tpu.memory_space<hbm>>
    tpu.enqueue_dma source(%dma_start3A_203 : memref<16x125xi32, #tpu.memory_space<hbm>>) target(%dma_start3A_200 : memref<16x125xi32, #tpu.memory_space<vmem>>) target_semaphore(%arg12 : memref<!tpu.dma_semaphore, #tpu.memory_space<semaphore_mem>>)
    %add3A_204 = arith.constant 32 : i32
    %add3A_205 = arith.addi %multiple_of3A, %add3A_204 : i32
    %dma_start3A_206 = arith.constant 1 : i32
    %dma_start3A_207 = arith.constant 0 : i32
    %dma_start3A_208 = arith.constant 0 : i32
    %dma_start3A_209 = arith.constant 0 : i32
    %dma_start3A_210 = tpu.memref_slice %arg7[%dma_start3A_207, %dma_start3A_208, %dma_start3A_209] : memref<2x16x125xi32, #tpu.memory_space<vmem>> -> memref<1x16x125xi32, #tpu.memory_space<vmem>>
    %dma_start3A_211 = tpu.memref_squeeze %dma_start3A_210 : memref<1x16x125xi32, #tpu.memory_space<vmem>> -> memref<16x125xi32, #tpu.memory_space<vmem>>
    %dma_start3A_212 = arith.constant 0 : i32
    %dma_start3A_213 = tpu.memref_slice %arg3[%dma_start3A_206, %add3A_205, %dma_start3A_212] : memref<2x2560x125xi32, #tpu.memory_space<hbm>> -> memref<1x16x125xi32, #tpu.memory_space<hbm>>
    %dma_start3A_214 = tpu.memref_squeeze %dma_start3A_213 : memref<1x16x125xi32, #tpu.memory_space<hbm>> -> memref<16x125xi32, #tpu.memory_space<hbm>>
    %dma_start3A_215 = arith.constant 0 : i32
    %dma_start3A_216 = arith.constant 0 : i32
    %dma_start3A_217 = tpu.memref_slice %arg7[%dma_start3A_207, %dma_start3A_215, %dma_start3A_216] : memref<2x16x125xi32, #tpu.memory_space<vmem>> -> memref<1x16x125xi32, #tpu.memory_space<vmem>>
    %dma_start3A_218 = tpu.memref_squeeze %dma_start3A_217 : memref<1x16x125xi32, #tpu.memory_space<vmem>> -> memref<16x125xi32, #tpu.memory_space<vmem>>
    %dma_start3A_219 = arith.constant 0 : i32
    %dma_start3A_220 = tpu.memref_slice %arg3[%dma_start3A_206, %add3A_205, %dma_start3A_219] : memref<2x2560x125xi32, #tpu.memory_space<hbm>> -> memref<1x16x125xi32, #tpu.memory_space<hbm>>
    %dma_start3A_221 = tpu.memref_squeeze %dma_start3A_220 : memref<1x16x125xi32, #tpu.memory_space<hbm>> -> memref<16x125xi32, #tpu.memory_space<hbm>>
    tpu.enqueue_dma source(%dma_start3A_221 : memref<16x125xi32, #tpu.memory_space<hbm>>) target(%dma_start3A_218 : memref<16x125xi32, #tpu.memory_space<vmem>>) target_semaphore(%arg14 : memref<!tpu.dma_semaphore, #tpu.memory_space<semaphore_mem>>)
    %dma_start3A_222 = arith.constant 1 : i32
    %dma_start3A_223 = arith.constant 0 : i32
    %dma_start3A_224 = arith.constant 0 : i32
    %dma_start3A_225 = arith.constant 0 : i32
    %dma_start3A_226 = arith.constant 0 : i32
    %dma_start3A_227 = tpu.memref_slice %arg8[%dma_start3A_224, %dma_start3A_225, %dma_start3A_226] : memref<2x125x128xf32, #tpu.memory_space<vmem>> -> memref<1x125x128xf32, #tpu.memory_space<vmem>>
    %dma_start3A_228 = tpu.memref_squeeze %dma_start3A_227 : memref<1x125x128xf32, #tpu.memory_space<vmem>> -> memref<125x128xf32, #tpu.memory_space<vmem>>
    %dma_start3A_229 = arith.constant 0 : i32
    %dma_start3A_230 = tpu.memref_slice %arg6[%dma_start3A_222, %dma_start3A_223, %dma_start3A_229] : memref<2x16x125xi32, #tpu.memory_space<vmem>> -> memref<1x1x125xi32, #tpu.memory_space<vmem>>
    %dma_start3A_231 = tpu.memref_squeeze %dma_start3A_230 : memref<1x1x125xi32, #tpu.memory_space<vmem>> -> memref<125xi32, #tpu.memory_space<vmem>>
    %dma_start3A_232 = arith.constant 0 : i32
    %dma_start3A_233 = arith.constant 0 : i32
    %dma_start3A_234 = tpu.memref_slice %arg2[%dma_start3A_232, %dma_start3A_233] : memref<10000x128xf32, #tpu.memory_space<hbm>> -> memref<10000x128xf32, #tpu.memory_space<hbm>>
    tpu.enqueue_indirect_dma source(%dma_start3A_234 : memref<10000x128xf32, #tpu.memory_space<hbm>>) target(%dma_start3A_228 : memref<125x128xf32, #tpu.memory_space<vmem>>) offsets(%dma_start3A_231 : memref<125xi32, #tpu.memory_space<vmem>>) semaphore(%arg10 : memref<!tpu.dma_semaphore, #tpu.memory_space<semaphore_mem>>)
    %dma_start3A_235 = arith.constant 1 : i32
    %dma_start3A_236 = arith.constant 1 : i32
    %dma_start3A_237 = arith.constant 1 : i32
    %dma_start3A_238 = arith.constant 0 : i32
    %dma_start3A_239 = arith.constant 0 : i32
    %dma_start3A_240 = tpu.memref_slice %arg8[%dma_start3A_237, %dma_start3A_238, %dma_start3A_239] : memref<2x125x128xf32, #tpu.memory_space<vmem>> -> memref<1x125x128xf32, #tpu.memory_space<vmem>>
    %dma_start3A_241 = tpu.memref_squeeze %dma_start3A_240 : memref<1x125x128xf32, #tpu.memory_space<vmem>> -> memref<125x128xf32, #tpu.memory_space<vmem>>
    %dma_start3A_242 = arith.constant 0 : i32
    %dma_start3A_243 = tpu.memref_slice %arg6[%dma_start3A_235, %dma_start3A_236, %dma_start3A_242] : memref<2x16x125xi32, #tpu.memory_space<vmem>> -> memref<1x1x125xi32, #tpu.memory_space<vmem>>
    %dma_start3A_244 = tpu.memref_squeeze %dma_start3A_243 : memref<1x1x125xi32, #tpu.memory_space<vmem>> -> memref<125xi32, #tpu.memory_space<vmem>>
    %dma_start3A_245 = arith.constant 0 : i32
    %dma_start3A_246 = arith.constant 0 : i32
    %dma_start3A_247 = tpu.memref_slice %arg2[%dma_start3A_245, %dma_start3A_246] : memref<10000x128xf32, #tpu.memory_space<hbm>> -> memref<10000x128xf32, #tpu.memory_space<hbm>>
    tpu.enqueue_indirect_dma source(%dma_start3A_247 : memref<10000x128xf32, #tpu.memory_space<hbm>>) target(%dma_start3A_241 : memref<125x128xf32, #tpu.memory_space<vmem>>) offsets(%dma_start3A_244 : memref<125xi32, #tpu.memory_space<vmem>>) semaphore(%arg11 : memref<!tpu.dma_semaphore, #tpu.memory_space<semaphore_mem>>)
    %scan3A_248 = arith.constant 0 : i32
    %scan3A_249 = arith.constant 0 : i32
    %scan3A_250 = arith.constant 8 : i32
    %scan3A_251 = arith.addi %scan3A_249, %scan3A_250 : i32
    %scan3A_252 = arith.constant 1 : i32
    scf.for %scan3A_536 = %scan3A_249 to %scan3A_251 step %scan3A_252  : i32 {
      %mul3A_537 = arith.constant 2 : i32
      %mul3A_538 = arith.muli %scan3A_536, %mul3A_537 : i32
      %add3A_539 = arith.constant 0 : i32
      %add3A_540 = arith.addi %mul3A_538, %add3A_539 : i32
      %dma_wait3A_541 = arith.constant 1 : i32
      %dma_wait3A_542 = arith.constant 0 : i32
      %dma_wait3A_543 = arith.constant 0 : i32
      %dma_wait3A_544 = arith.constant 0 : i32
      %dma_wait3A_545 = tpu.memref_slice %arg8[%dma_wait3A_542, %dma_wait3A_543, %dma_wait3A_544] : memref<2x125x128xf32, #tpu.memory_space<vmem>> -> memref<1x125x128xf32, #tpu.memory_space<vmem>>
      %dma_wait3A_546 = tpu.memref_squeeze %dma_wait3A_545 : memref<1x125x128xf32, #tpu.memory_space<vmem>> -> memref<125x128xf32, #tpu.memory_space<vmem>>
      %dma_wait3A_547 = arith.constant 0 : i32
      %dma_wait3A_548 = tpu.memref_slice %arg6[%dma_wait3A_541, %add3A_540, %dma_wait3A_547] : memref<2x16x125xi32, #tpu.memory_space<vmem>> -> memref<1x1x125xi32, #tpu.memory_space<vmem>>
      %dma_wait3A_549 = tpu.memref_squeeze %dma_wait3A_548 : memref<1x1x125xi32, #tpu.memory_space<vmem>> -> memref<125xi32, #tpu.memory_space<vmem>>
      %dma_wait3A_550 = arith.constant 0 : i32
      %dma_wait3A_551 = arith.constant 0 : i32
      %dma_wait3A_552 = tpu.memref_slice %arg2[%dma_wait3A_550, %dma_wait3A_551] : memref<10000x128xf32, #tpu.memory_space<hbm>> -> memref<10000x128xf32, #tpu.memory_space<hbm>>
      tpu.wait_indirect_dma semaphore(%arg10 : memref<!tpu.dma_semaphore, #tpu.memory_space<semaphore_mem>>) src(%dma_wait3A_552 : memref<10000x128xf32, #tpu.memory_space<hbm>>) dst(%dma_wait3A_546 : memref<125x128xf32, #tpu.memory_space<vmem>>)
      %run_scoped3A = arith.constant 0 : i32
      %run_scoped3A_553 = arith.constant 1 : i32
      "tpu.region"() ({
        %run_scoped3A_583 = tpu.sem_alloc : memref<!tpu.dma_semaphore, #tpu.memory_space<semaphore_mem>>
        %dma_start3A_584 = arith.constant 0 : i32
        %dma_start3A_585 = arith.constant 0 : i32
        %dma_start3A_586 = tpu.memref_slice %arg8[%run_scoped3A, %dma_start3A_584, %dma_start3A_585] : memref<2x125x128xf32, #tpu.memory_space<vmem>> -> memref<1x125x128xf32, #tpu.memory_space<vmem>>
        %dma_start3A_587 = tpu.memref_squeeze %dma_start3A_586 : memref<1x125x128xf32, #tpu.memory_space<vmem>> -> memref<125x128xf32, #tpu.memory_space<vmem>>
        %dma_start3A_588 = arith.constant 0 : i32
        %dma_start3A_589 = tpu.memref_slice %arg7[%run_scoped3A_553, %add3A_540, %dma_start3A_588] : memref<2x16x125xi32, #tpu.memory_space<vmem>> -> memref<1x1x125xi32, #tpu.memory_space<vmem>>
        %dma_start3A_590 = tpu.memref_squeeze %dma_start3A_589 : memref<1x1x125xi32, #tpu.memory_space<vmem>> -> memref<125xi32, #tpu.memory_space<vmem>>
        %dma_start3A_591 = arith.constant 0 : i32
        %dma_start3A_592 = arith.constant 0 : i32
        %dma_start3A_593 = tpu.memref_slice %arg9[%dma_start3A_591, %dma_start3A_592] : memref<10000x128xf32, #tpu.memory_space<vmem_shared>> -> memref<10000x128xf32, #tpu.memory_space<vmem_shared>>
        tpu.enqueue_indirect_dma source(%dma_start3A_587 : memref<125x128xf32, #tpu.memory_space<vmem>>) target(%dma_start3A_593 : memref<10000x128xf32, #tpu.memory_space<vmem_shared>>) offsets(%dma_start3A_590 : memref<125xi32, #tpu.memory_space<vmem>>) semaphore(%run_scoped3A_583 : memref<!tpu.dma_semaphore, #tpu.memory_space<semaphore_mem>>) {add = true}
        %dma_wait3A_594 = arith.constant 0 : i32
        %dma_wait3A_595 = arith.constant 0 : i32
        %dma_wait3A_596 = tpu.memref_slice %arg8[%run_scoped3A, %dma_wait3A_594, %dma_wait3A_595] : memref<2x125x128xf32, #tpu.memory_space<vmem>> -> memref<1x125x128xf32, #tpu.memory_space<vmem>>
        %dma_wait3A_597 = tpu.memref_squeeze %dma_wait3A_596 : memref<1x125x128xf32, #tpu.memory_space<vmem>> -> memref<125x128xf32, #tpu.memory_space<vmem>>
        %dma_wait3A_598 = arith.constant 0 : i32
        %dma_wait3A_599 = tpu.memref_slice %arg7[%run_scoped3A_553, %add3A_540, %dma_wait3A_598] : memref<2x16x125xi32, #tpu.memory_space<vmem>> -> memref<1x1x125xi32, #tpu.memory_space<vmem>>
        %dma_wait3A_600 = tpu.memref_squeeze %dma_wait3A_599 : memref<1x1x125xi32, #tpu.memory_space<vmem>> -> memref<125xi32, #tpu.memory_space<vmem>>
        %dma_wait3A_601 = arith.constant 0 : i32
        %dma_wait3A_602 = arith.constant 0 : i32
        %dma_wait3A_603 = tpu.memref_slice %arg9[%dma_wait3A_601, %dma_wait3A_602] : memref<10000x128xf32, #tpu.memory_space<vmem_shared>> -> memref<10000x128xf32, #tpu.memory_space<vmem_shared>>
        tpu.wait_indirect_dma semaphore(%run_scoped3A_583 : memref<!tpu.dma_semaphore, #tpu.memory_space<semaphore_mem>>) src(%dma_wait3A_597 : memref<125x128xf32, #tpu.memory_space<vmem>>) dst(%dma_wait3A_603 : memref<10000x128xf32, #tpu.memory_space<vmem_shared>>)
        tpu.yield
      }) : () -> ()
      %add3A_554 = arith.constant 2 : i32
      %add3A_555 = arith.addi %add3A_540, %add3A_554 : i32
      %lt3A = arith.constant 16 : i32
      %lt3A_556 = arith.cmpi slt, %add3A_555, %lt3A : i32
      %convert_element_type3A_557 = arith.extui %lt3A_556 : i1 to i32
      %cond3A_558 = arith.constant 0 : i32
      %cond3A_559 = arith.cmpi ne, %convert_element_type3A_557, %cond3A_558 : i32
      scf.if %cond3A_559 {
        %add3A_583 = arith.constant 2 : i32
        %add3A_584 = arith.addi %add3A_540, %add3A_583 : i32
        %dma_start3A_585 = arith.constant 1 : i32
        %dma_start3A_586 = arith.constant 0 : i32
        %dma_start3A_587 = arith.constant 0 : i32
        %dma_start3A_588 = arith.constant 0 : i32
        %dma_start3A_589 = tpu.memref_slice %arg8[%dma_start3A_586, %dma_start3A_587, %dma_start3A_588] : memref<2x125x128xf32, #tpu.memory_space<vmem>> -> memref<1x125x128xf32, #tpu.memory_space<vmem>>
        %dma_start3A_590 = tpu.memref_squeeze %dma_start3A_589 : memref<1x125x128xf32, #tpu.memory_space<vmem>> -> memref<125x128xf32, #tpu.memory_space<vmem>>
        %dma_start3A_591 = arith.constant 0 : i32
        %dma_start3A_592 = tpu.memref_slice %arg6[%dma_start3A_585, %add3A_584, %dma_start3A_591] : memref<2x16x125xi32, #tpu.memory_space<vmem>> -> memref<1x1x125xi32, #tpu.memory_space<vmem>>
        %dma_start3A_593 = tpu.memref_squeeze %dma_start3A_592 : memref<1x1x125xi32, #tpu.memory_space<vmem>> -> memref<125xi32, #tpu.memory_space<vmem>>
        %dma_start3A_594 = arith.constant 0 : i32
        %dma_start3A_595 = arith.constant 0 : i32
        %dma_start3A_596 = tpu.memref_slice %arg2[%dma_start3A_594, %dma_start3A_595] : memref<10000x128xf32, #tpu.memory_space<hbm>> -> memref<10000x128xf32, #tpu.memory_space<hbm>>
        tpu.enqueue_indirect_dma source(%dma_start3A_596 : memref<10000x128xf32, #tpu.memory_space<hbm>>) target(%dma_start3A_590 : memref<125x128xf32, #tpu.memory_space<vmem>>) offsets(%dma_start3A_593 : memref<125xi32, #tpu.memory_space<vmem>>) semaphore(%arg10 : memref<!tpu.dma_semaphore, #tpu.memory_space<semaphore_mem>>)
      } else {
      }
      %add3A_560 = arith.constant 1 : i32
      %add3A_561 = arith.addi %mul3A_538, %add3A_560 : i32
      %dma_wait3A_562 = arith.constant 1 : i32
      %dma_wait3A_563 = arith.constant 1 : i32
      %dma_wait3A_564 = arith.constant 0 : i32
      %dma_wait3A_565 = arith.constant 0 : i32
      %dma_wait3A_566 = tpu.memref_slice %arg8[%dma_wait3A_563, %dma_wait3A_564, %dma_wait3A_565] : memref<2x125x128xf32, #tpu.memory_space<vmem>> -> memref<1x125x128xf32, #tpu.memory_space<vmem>>
      %dma_wait3A_567 = tpu.memref_squeeze %dma_wait3A_566 : memref<1x125x128xf32, #tpu.memory_space<vmem>> -> memref<125x128xf32, #tpu.memory_space<vmem>>
      %dma_wait3A_568 = arith.constant 0 : i32
      %dma_wait3A_569 = tpu.memref_slice %arg6[%dma_wait3A_562, %add3A_561, %dma_wait3A_568] : memref<2x16x125xi32, #tpu.memory_space<vmem>> -> memref<1x1x125xi32, #tpu.memory_space<vmem>>
      %dma_wait3A_570 = tpu.memref_squeeze %dma_wait3A_569 : memref<1x1x125xi32, #tpu.memory_space<vmem>> -> memref<125xi32, #tpu.memory_space<vmem>>
      %dma_wait3A_571 = arith.constant 0 : i32
      %dma_wait3A_572 = arith.constant 0 : i32
      %dma_wait3A_573 = tpu.memref_slice %arg2[%dma_wait3A_571, %dma_wait3A_572] : memref<10000x128xf32, #tpu.memory_space<hbm>> -> memref<10000x128xf32, #tpu.memory_space<hbm>>
      tpu.wait_indirect_dma semaphore(%arg11 : memref<!tpu.dma_semaphore, #tpu.memory_space<semaphore_mem>>) src(%dma_wait3A_573 : memref<10000x128xf32, #tpu.memory_space<hbm>>) dst(%dma_wait3A_567 : memref<125x128xf32, #tpu.memory_space<vmem>>)
      %run_scoped3A_574 = arith.constant 1 : i32
      %run_scoped3A_575 = arith.constant 1 : i32
      "tpu.region"() ({
        %run_scoped3A_583 = tpu.sem_alloc : memref<!tpu.dma_semaphore, #tpu.memory_space<semaphore_mem>>
        %dma_start3A_584 = arith.constant 0 : i32
        %dma_start3A_585 = arith.constant 0 : i32
        %dma_start3A_586 = tpu.memref_slice %arg8[%run_scoped3A_574, %dma_start3A_584, %dma_start3A_585] : memref<2x125x128xf32, #tpu.memory_space<vmem>> -> memref<1x125x128xf32, #tpu.memory_space<vmem>>
        %dma_start3A_587 = tpu.memref_squeeze %dma_start3A_586 : memref<1x125x128xf32, #tpu.memory_space<vmem>> -> memref<125x128xf32, #tpu.memory_space<vmem>>
        %dma_start3A_588 = arith.constant 0 : i32
        %dma_start3A_589 = tpu.memref_slice %arg7[%run_scoped3A_575, %add3A_561, %dma_start3A_588] : memref<2x16x125xi32, #tpu.memory_space<vmem>> -> memref<1x1x125xi32, #tpu.memory_space<vmem>>
        %dma_start3A_590 = tpu.memref_squeeze %dma_start3A_589 : memref<1x1x125xi32, #tpu.memory_space<vmem>> -> memref<125xi32, #tpu.memory_space<vmem>>
        %dma_start3A_591 = arith.constant 0 : i32
        %dma_start3A_592 = arith.constant 0 : i32
        %dma_start3A_593 = tpu.memref_slice %arg9[%dma_start3A_591, %dma_start3A_592] : memref<10000x128xf32, #tpu.memory_space<vmem_shared>> -> memref<10000x128xf32, #tpu.memory_space<vmem_shared>>
        tpu.enqueue_indirect_dma source(%dma_start3A_587 : memref<125x128xf32, #tpu.memory_space<vmem>>) target(%dma_start3A_593 : memref<10000x128xf32, #tpu.memory_space<vmem_shared>>) offsets(%dma_start3A_590 : memref<125xi32, #tpu.memory_space<vmem>>) semaphore(%run_scoped3A_583 : memref<!tpu.dma_semaphore, #tpu.memory_space<semaphore_mem>>) {add = true}
        %dma_wait3A_594 = arith.constant 0 : i32
        %dma_wait3A_595 = arith.constant 0 : i32
        %dma_wait3A_596 = tpu.memref_slice %arg8[%run_scoped3A_574, %dma_wait3A_594, %dma_wait3A_595] : memref<2x125x128xf32, #tpu.memory_space<vmem>> -> memref<1x125x128xf32, #tpu.memory_space<vmem>>
        %dma_wait3A_597 = tpu.memref_squeeze %dma_wait3A_596 : memref<1x125x128xf32, #tpu.memory_space<vmem>> -> memref<125x128xf32, #tpu.memory_space<vmem>>
        %dma_wait3A_598 = arith.constant 0 : i32
        %dma_wait3A_599 = tpu.memref_slice %arg7[%run_scoped3A_575, %add3A_561, %dma_wait3A_598] : memref<2x16x125xi32, #tpu.memory_space<vmem>> -> memref<1x1x125xi32, #tpu.memory_space<vmem>>
        %dma_wait3A_600 = tpu.memref_squeeze %dma_wait3A_599 : memref<1x1x125xi32, #tpu.memory_space<vmem>> -> memref<125xi32, #tpu.memory_space<vmem>>
        %dma_wait3A_601 = arith.constant 0 : i32
        %dma_wait3A_602 = arith.constant 0 : i32
        %dma_wait3A_603 = tpu.memref_slice %arg9[%dma_wait3A_601, %dma_wait3A_602] : memref<10000x128xf32, #tpu.memory_space<vmem_shared>> -> memref<10000x128xf32, #tpu.memory_space<vmem_shared>>
        tpu.wait_indirect_dma semaphore(%run_scoped3A_583 : memref<!tpu.dma_semaphore, #tpu.memory_space<semaphore_mem>>) src(%dma_wait3A_597 : memref<125x128xf32, #tpu.memory_space<vmem>>) dst(%dma_wait3A_603 : memref<10000x128xf32, #tpu.memory_space<vmem_shared>>)
        tpu.yield
      }) : () -> ()
      %add3A_576 = arith.constant 2 : i32
      %add3A_577 = arith.addi %add3A_561, %add3A_576 : i32
      %lt3A_578 = arith.constant 16 : i32
      %lt3A_579 = arith.cmpi slt, %add3A_577, %lt3A_578 : i32
      %convert_element_type3A_580 = arith.extui %lt3A_579 : i1 to i32
      %cond3A_581 = arith.constant 0 : i32
      %cond3A_582 = arith.cmpi ne, %convert_element_type3A_580, %cond3A_581 : i32
      scf.if %cond3A_582 {
        %add3A_583 = arith.constant 2 : i32
        %add3A_584 = arith.addi %add3A_561, %add3A_583 : i32
        %dma_start3A_585 = arith.constant 1 : i32
        %dma_start3A_586 = arith.constant 1 : i32
        %dma_start3A_587 = arith.constant 0 : i32
        %dma_start3A_588 = arith.constant 0 : i32
        %dma_start3A_589 = tpu.memref_slice %arg8[%dma_start3A_586, %dma_start3A_587, %dma_start3A_588] : memref<2x125x128xf32, #tpu.memory_space<vmem>> -> memref<1x125x128xf32, #tpu.memory_space<vmem>>
        %dma_start3A_590 = tpu.memref_squeeze %dma_start3A_589 : memref<1x125x128xf32, #tpu.memory_space<vmem>> -> memref<125x128xf32, #tpu.memory_space<vmem>>
        %dma_start3A_591 = arith.constant 0 : i32
        %dma_start3A_592 = tpu.memref_slice %arg6[%dma_start3A_585, %add3A_584, %dma_start3A_591] : memref<2x16x125xi32, #tpu.memory_space<vmem>> -> memref<1x1x125xi32, #tpu.memory_space<vmem>>
        %dma_start3A_593 = tpu.memref_squeeze %dma_start3A_592 : memref<1x1x125xi32, #tpu.memory_space<vmem>> -> memref<125xi32, #tpu.memory_space<vmem>>
        %dma_start3A_594 = arith.constant 0 : i32
        %dma_start3A_595 = arith.constant 0 : i32
        %dma_start3A_596 = tpu.memref_slice %arg2[%dma_start3A_594, %dma_start3A_595] : memref<10000x128xf32, #tpu.memory_space<hbm>> -> memref<10000x128xf32, #tpu.memory_space<hbm>>
        tpu.enqueue_indirect_dma source(%dma_start3A_596 : memref<10000x128xf32, #tpu.memory_space<hbm>>) target(%dma_start3A_590 : memref<125x128xf32, #tpu.memory_space<vmem>>) offsets(%dma_start3A_593 : memref<125xi32, #tpu.memory_space<vmem>>) semaphore(%arg11 : memref<!tpu.dma_semaphore, #tpu.memory_space<semaphore_mem>>)
      } else {
      }
    }
    %scan3A_253 = arith.constant 8 : i32
    %add3A_254 = arith.constant 32 : i32
    %add3A_255 = arith.addi %multiple_of3A, %add3A_254 : i32
    %dma_wait3A_256 = arith.constant 0 : i32
    %dma_wait3A_257 = arith.constant 0 : i32
    %dma_wait3A_258 = arith.constant 0 : i32
    %dma_wait3A_259 = arith.constant 0 : i32
    %dma_wait3A_260 = tpu.memref_slice %arg6[%dma_wait3A_257, %dma_wait3A_258, %dma_wait3A_259] : memref<2x16x125xi32, #tpu.memory_space<vmem>> -> memref<1x16x125xi32, #tpu.memory_space<vmem>>
    %dma_wait3A_261 = tpu.memref_squeeze %dma_wait3A_260 : memref<1x16x125xi32, #tpu.memory_space<vmem>> -> memref<16x125xi32, #tpu.memory_space<vmem>>
    %dma_wait3A_262 = arith.constant 0 : i32
    %dma_wait3A_263 = tpu.memref_slice %arg3[%dma_wait3A_256, %add3A_255, %dma_wait3A_262] : memref<2x2560x125xi32, #tpu.memory_space<hbm>> -> memref<1x16x125xi32, #tpu.memory_space<hbm>>
    %dma_wait3A_264 = tpu.memref_squeeze %dma_wait3A_263 : memref<1x16x125xi32, #tpu.memory_space<hbm>> -> memref<16x125xi32, #tpu.memory_space<hbm>>
    %dma_wait3A_265 = arith.constant 0 : i32
    %dma_wait3A_266 = arith.constant 0 : i32
    %dma_wait3A_267 = tpu.memref_slice %arg6[%dma_wait3A_257, %dma_wait3A_265, %dma_wait3A_266] : memref<2x16x125xi32, #tpu.memory_space<vmem>> -> memref<1x16x125xi32, #tpu.memory_space<vmem>>
    %dma_wait3A_268 = tpu.memref_squeeze %dma_wait3A_267 : memref<1x16x125xi32, #tpu.memory_space<vmem>> -> memref<16x125xi32, #tpu.memory_space<vmem>>
    %dma_wait3A_269 = arith.constant 0 : i32
    %dma_wait3A_270 = tpu.memref_slice %arg3[%dma_wait3A_256, %add3A_255, %dma_wait3A_269] : memref<2x2560x125xi32, #tpu.memory_space<hbm>> -> memref<1x16x125xi32, #tpu.memory_space<hbm>>
    %dma_wait3A_271 = tpu.memref_squeeze %dma_wait3A_270 : memref<1x16x125xi32, #tpu.memory_space<hbm>> -> memref<16x125xi32, #tpu.memory_space<hbm>>
    tpu.wait_dma2 semaphore(%arg12 : memref<!tpu.dma_semaphore, #tpu.memory_space<semaphore_mem>>) src(%dma_wait3A_271 : memref<16x125xi32, #tpu.memory_space<hbm>>) dst(%dma_wait3A_268 : memref<16x125xi32, #tpu.memory_space<vmem>>)
    %add3A_272 = arith.constant 32 : i32
    %add3A_273 = arith.addi %multiple_of3A, %add3A_272 : i32
    %dma_wait3A_274 = arith.constant 1 : i32
    %dma_wait3A_275 = arith.constant 0 : i32
    %dma_wait3A_276 = arith.constant 0 : i32
    %dma_wait3A_277 = arith.constant 0 : i32
    %dma_wait3A_278 = tpu.memref_slice %arg7[%dma_wait3A_275, %dma_wait3A_276, %dma_wait3A_277] : memref<2x16x125xi32, #tpu.memory_space<vmem>> -> memref<1x16x125xi32, #tpu.memory_space<vmem>>
    %dma_wait3A_279 = tpu.memref_squeeze %dma_wait3A_278 : memref<1x16x125xi32, #tpu.memory_space<vmem>> -> memref<16x125xi32, #tpu.memory_space<vmem>>
    %dma_wait3A_280 = arith.constant 0 : i32
    %dma_wait3A_281 = tpu.memref_slice %arg3[%dma_wait3A_274, %add3A_273, %dma_wait3A_280] : memref<2x2560x125xi32, #tpu.memory_space<hbm>> -> memref<1x16x125xi32, #tpu.memory_space<hbm>>
    %dma_wait3A_282 = tpu.memref_squeeze %dma_wait3A_281 : memref<1x16x125xi32, #tpu.memory_space<hbm>> -> memref<16x125xi32, #tpu.memory_space<hbm>>
    %dma_wait3A_283 = arith.constant 0 : i32
    %dma_wait3A_284 = arith.constant 0 : i32
    %dma_wait3A_285 = tpu.memref_slice %arg7[%dma_wait3A_275, %dma_wait3A_283, %dma_wait3A_284] : memref<2x16x125xi32, #tpu.memory_space<vmem>> -> memref<1x16x125xi32, #tpu.memory_space<vmem>>
    %dma_wait3A_286 = tpu.memref_squeeze %dma_wait3A_285 : memref<1x16x125xi32, #tpu.memory_space<vmem>> -> memref<16x125xi32, #tpu.memory_space<vmem>>
    %dma_wait3A_287 = arith.constant 0 : i32
    %dma_wait3A_288 = tpu.memref_slice %arg3[%dma_wait3A_274, %add3A_273, %dma_wait3A_287] : memref<2x2560x125xi32, #tpu.memory_space<hbm>> -> memref<1x16x125xi32, #tpu.memory_space<hbm>>
    %dma_wait3A_289 = tpu.memref_squeeze %dma_wait3A_288 : memref<1x16x125xi32, #tpu.memory_space<hbm>> -> memref<16x125xi32, #tpu.memory_space<hbm>>
    tpu.wait_dma2 semaphore(%arg14 : memref<!tpu.dma_semaphore, #tpu.memory_space<semaphore_mem>>) src(%dma_wait3A_289 : memref<16x125xi32, #tpu.memory_space<hbm>>) dst(%dma_wait3A_286 : memref<16x125xi32, #tpu.memory_space<vmem>>)
    %add3A_290 = arith.constant 48 : i32
    %add3A_291 = arith.addi %multiple_of3A, %add3A_290 : i32
    %dma_start3A_292 = arith.constant 0 : i32
    %dma_start3A_293 = arith.constant 1 : i32
    %dma_start3A_294 = arith.constant 0 : i32
    %dma_start3A_295 = arith.constant 0 : i32
    %dma_start3A_296 = tpu.memref_slice %arg6[%dma_start3A_293, %dma_start3A_294, %dma_start3A_295] : memref<2x16x125xi32, #tpu.memory_space<vmem>> -> memref<1x16x125xi32, #tpu.memory_space<vmem>>
    %dma_start3A_297 = tpu.memref_squeeze %dma_start3A_296 : memref<1x16x125xi32, #tpu.memory_space<vmem>> -> memref<16x125xi32, #tpu.memory_space<vmem>>
    %dma_start3A_298 = arith.constant 0 : i32
    %dma_start3A_299 = tpu.memref_slice %arg3[%dma_start3A_292, %add3A_291, %dma_start3A_298] : memref<2x2560x125xi32, #tpu.memory_space<hbm>> -> memref<1x16x125xi32, #tpu.memory_space<hbm>>
    %dma_start3A_300 = tpu.memref_squeeze %dma_start3A_299 : memref<1x16x125xi32, #tpu.memory_space<hbm>> -> memref<16x125xi32, #tpu.memory_space<hbm>>
    %dma_start3A_301 = arith.constant 0 : i32
    %dma_start3A_302 = arith.constant 0 : i32
    %dma_start3A_303 = tpu.memref_slice %arg6[%dma_start3A_293, %dma_start3A_301, %dma_start3A_302] : memref<2x16x125xi32, #tpu.memory_space<vmem>> -> memref<1x16x125xi32, #tpu.memory_space<vmem>>
    %dma_start3A_304 = tpu.memref_squeeze %dma_start3A_303 : memref<1x16x125xi32, #tpu.memory_space<vmem>> -> memref<16x125xi32, #tpu.memory_space<vmem>>
    %dma_start3A_305 = arith.constant 0 : i32
    %dma_start3A_306 = tpu.memref_slice %arg3[%dma_start3A_292, %add3A_291, %dma_start3A_305] : memref<2x2560x125xi32, #tpu.memory_space<hbm>> -> memref<1x16x125xi32, #tpu.memory_space<hbm>>
    %dma_start3A_307 = tpu.memref_squeeze %dma_start3A_306 : memref<1x16x125xi32, #tpu.memory_space<hbm>> -> memref<16x125xi32, #tpu.memory_space<hbm>>
    tpu.enqueue_dma source(%dma_start3A_307 : memref<16x125xi32, #tpu.memory_space<hbm>>) target(%dma_start3A_304 : memref<16x125xi32, #tpu.memory_space<vmem>>) target_semaphore(%arg13 : memref<!tpu.dma_semaphore, #tpu.memory_space<semaphore_mem>>)
    %add3A_308 = arith.constant 48 : i32
    %add3A_309 = arith.addi %multiple_of3A, %add3A_308 : i32
    %dma_start3A_310 = arith.constant 1 : i32
    %dma_start3A_311 = arith.constant 1 : i32
    %dma_start3A_312 = arith.constant 0 : i32
    %dma_start3A_313 = arith.constant 0 : i32
    %dma_start3A_314 = tpu.memref_slice %arg7[%dma_start3A_311, %dma_start3A_312, %dma_start3A_313] : memref<2x16x125xi32, #tpu.memory_space<vmem>> -> memref<1x16x125xi32, #tpu.memory_space<vmem>>
    %dma_start3A_315 = tpu.memref_squeeze %dma_start3A_314 : memref<1x16x125xi32, #tpu.memory_space<vmem>> -> memref<16x125xi32, #tpu.memory_space<vmem>>
    %dma_start3A_316 = arith.constant 0 : i32
    %dma_start3A_317 = tpu.memref_slice %arg3[%dma_start3A_310, %add3A_309, %dma_start3A_316] : memref<2x2560x125xi32, #tpu.memory_space<hbm>> -> memref<1x16x125xi32, #tpu.memory_space<hbm>>
    %dma_start3A_318 = tpu.memref_squeeze %dma_start3A_317 : memref<1x16x125xi32, #tpu.memory_space<hbm>> -> memref<16x125xi32, #tpu.memory_space<hbm>>
    %dma_start3A_319 = arith.constant 0 : i32
    %dma_start3A_320 = arith.constant 0 : i32
    %dma_start3A_321 = tpu.memref_slice %arg7[%dma_start3A_311, %dma_start3A_319, %dma_start3A_320] : memref<2x16x125xi32, #tpu.memory_space<vmem>> -> memref<1x16x125xi32, #tpu.memory_space<vmem>>
    %dma_start3A_322 = tpu.memref_squeeze %dma_start3A_321 : memref<1x16x125xi32, #tpu.memory_space<vmem>> -> memref<16x125xi32, #tpu.memory_space<vmem>>
    %dma_start3A_323 = arith.constant 0 : i32
    %dma_start3A_324 = tpu.memref_slice %arg3[%dma_start3A_310, %add3A_309, %dma_start3A_323] : memref<2x2560x125xi32, #tpu.memory_space<hbm>> -> memref<1x16x125xi32, #tpu.memory_space<hbm>>
    %dma_start3A_325 = tpu.memref_squeeze %dma_start3A_324 : memref<1x16x125xi32, #tpu.memory_space<hbm>> -> memref<16x125xi32, #tpu.memory_space<hbm>>
    tpu.enqueue_dma source(%dma_start3A_325 : memref<16x125xi32, #tpu.memory_space<hbm>>) target(%dma_start3A_322 : memref<16x125xi32, #tpu.memory_space<vmem>>) target_semaphore(%arg15 : memref<!tpu.dma_semaphore, #tpu.memory_space<semaphore_mem>>)
    %dma_start3A_326 = arith.constant 0 : i32
    %dma_start3A_327 = arith.constant 0 : i32
    %dma_start3A_328 = arith.constant 0 : i32
    %dma_start3A_329 = arith.constant 0 : i32
    %dma_start3A_330 = arith.constant 0 : i32
    %dma_start3A_331 = tpu.memref_slice %arg8[%dma_start3A_328, %dma_start3A_329, %dma_start3A_330] : memref<2x125x128xf32, #tpu.memory_space<vmem>> -> memref<1x125x128xf32, #tpu.memory_space<vmem>>
    %dma_start3A_332 = tpu.memref_squeeze %dma_start3A_331 : memref<1x125x128xf32, #tpu.memory_space<vmem>> -> memref<125x128xf32, #tpu.memory_space<vmem>>
    %dma_start3A_333 = arith.constant 0 : i32
    %dma_start3A_334 = tpu.memref_slice %arg6[%dma_start3A_326, %dma_start3A_327, %dma_start3A_333] : memref<2x16x125xi32, #tpu.memory_space<vmem>> -> memref<1x1x125xi32, #tpu.memory_space<vmem>>
    %dma_start3A_335 = tpu.memref_squeeze %dma_start3A_334 : memref<1x1x125xi32, #tpu.memory_space<vmem>> -> memref<125xi32, #tpu.memory_space<vmem>>
    %dma_start3A_336 = arith.constant 0 : i32
    %dma_start3A_337 = arith.constant 0 : i32
    %dma_start3A_338 = tpu.memref_slice %arg2[%dma_start3A_336, %dma_start3A_337] : memref<10000x128xf32, #tpu.memory_space<hbm>> -> memref<10000x128xf32, #tpu.memory_space<hbm>>
    tpu.enqueue_indirect_dma source(%dma_start3A_338 : memref<10000x128xf32, #tpu.memory_space<hbm>>) target(%dma_start3A_332 : memref<125x128xf32, #tpu.memory_space<vmem>>) offsets(%dma_start3A_335 : memref<125xi32, #tpu.memory_space<vmem>>) semaphore(%arg10 : memref<!tpu.dma_semaphore, #tpu.memory_space<semaphore_mem>>)
    %dma_start3A_339 = arith.constant 0 : i32
    %dma_start3A_340 = arith.constant 1 : i32
    %dma_start3A_341 = arith.constant 1 : i32
    %dma_start3A_342 = arith.constant 0 : i32
    %dma_start3A_343 = arith.constant 0 : i32
    %dma_start3A_344 = tpu.memref_slice %arg8[%dma_start3A_341, %dma_start3A_342, %dma_start3A_343] : memref<2x125x128xf32, #tpu.memory_space<vmem>> -> memref<1x125x128xf32, #tpu.memory_space<vmem>>
    %dma_start3A_345 = tpu.memref_squeeze %dma_start3A_344 : memref<1x125x128xf32, #tpu.memory_space<vmem>> -> memref<125x128xf32, #tpu.memory_space<vmem>>
    %dma_start3A_346 = arith.constant 0 : i32
    %dma_start3A_347 = tpu.memref_slice %arg6[%dma_start3A_339, %dma_start3A_340, %dma_start3A_346] : memref<2x16x125xi32, #tpu.memory_space<vmem>> -> memref<1x1x125xi32, #tpu.memory_space<vmem>>
    %dma_start3A_348 = tpu.memref_squeeze %dma_start3A_347 : memref<1x1x125xi32, #tpu.memory_space<vmem>> -> memref<125xi32, #tpu.memory_space<vmem>>
    %dma_start3A_349 = arith.constant 0 : i32
    %dma_start3A_350 = arith.constant 0 : i32
    %dma_start3A_351 = tpu.memref_slice %arg2[%dma_start3A_349, %dma_start3A_350] : memref<10000x128xf32, #tpu.memory_space<hbm>> -> memref<10000x128xf32, #tpu.memory_space<hbm>>
    tpu.enqueue_indirect_dma source(%dma_start3A_351 : memref<10000x128xf32, #tpu.memory_space<hbm>>) target(%dma_start3A_345 : memref<125x128xf32, #tpu.memory_space<vmem>>) offsets(%dma_start3A_348 : memref<125xi32, #tpu.memory_space<vmem>>) semaphore(%arg11 : memref<!tpu.dma_semaphore, #tpu.memory_space<semaphore_mem>>)
    %scan3A_352 = arith.constant 0 : i32
    %scan3A_353 = arith.constant 0 : i32
    %scan3A_354 = arith.constant 8 : i32
    %scan3A_355 = arith.addi %scan3A_353, %scan3A_354 : i32
    %scan3A_356 = arith.constant 1 : i32
    scf.for %scan3A_536 = %scan3A_353 to %scan3A_355 step %scan3A_356  : i32 {
      %mul3A_537 = arith.constant 2 : i32
      %mul3A_538 = arith.muli %scan3A_536, %mul3A_537 : i32
      %add3A_539 = arith.constant 0 : i32
      %add3A_540 = arith.addi %mul3A_538, %add3A_539 : i32
      %dma_wait3A_541 = arith.constant 0 : i32
      %dma_wait3A_542 = arith.constant 0 : i32
      %dma_wait3A_543 = arith.constant 0 : i32
      %dma_wait3A_544 = arith.constant 0 : i32
      %dma_wait3A_545 = tpu.memref_slice %arg8[%dma_wait3A_542, %dma_wait3A_543, %dma_wait3A_544] : memref<2x125x128xf32, #tpu.memory_space<vmem>> -> memref<1x125x128xf32, #tpu.memory_space<vmem>>
      %dma_wait3A_546 = tpu.memref_squeeze %dma_wait3A_545 : memref<1x125x128xf32, #tpu.memory_space<vmem>> -> memref<125x128xf32, #tpu.memory_space<vmem>>
      %dma_wait3A_547 = arith.constant 0 : i32
      %dma_wait3A_548 = tpu.memref_slice %arg6[%dma_wait3A_541, %add3A_540, %dma_wait3A_547] : memref<2x16x125xi32, #tpu.memory_space<vmem>> -> memref<1x1x125xi32, #tpu.memory_space<vmem>>
      %dma_wait3A_549 = tpu.memref_squeeze %dma_wait3A_548 : memref<1x1x125xi32, #tpu.memory_space<vmem>> -> memref<125xi32, #tpu.memory_space<vmem>>
      %dma_wait3A_550 = arith.constant 0 : i32
      %dma_wait3A_551 = arith.constant 0 : i32
      %dma_wait3A_552 = tpu.memref_slice %arg2[%dma_wait3A_550, %dma_wait3A_551] : memref<10000x128xf32, #tpu.memory_space<hbm>> -> memref<10000x128xf32, #tpu.memory_space<hbm>>
      tpu.wait_indirect_dma semaphore(%arg10 : memref<!tpu.dma_semaphore, #tpu.memory_space<semaphore_mem>>) src(%dma_wait3A_552 : memref<10000x128xf32, #tpu.memory_space<hbm>>) dst(%dma_wait3A_546 : memref<125x128xf32, #tpu.memory_space<vmem>>)
      %run_scoped3A = arith.constant 0 : i32
      %run_scoped3A_553 = arith.constant 0 : i32
      "tpu.region"() ({
        %run_scoped3A_583 = tpu.sem_alloc : memref<!tpu.dma_semaphore, #tpu.memory_space<semaphore_mem>>
        %dma_start3A_584 = arith.constant 0 : i32
        %dma_start3A_585 = arith.constant 0 : i32
        %dma_start3A_586 = tpu.memref_slice %arg8[%run_scoped3A, %dma_start3A_584, %dma_start3A_585] : memref<2x125x128xf32, #tpu.memory_space<vmem>> -> memref<1x125x128xf32, #tpu.memory_space<vmem>>
        %dma_start3A_587 = tpu.memref_squeeze %dma_start3A_586 : memref<1x125x128xf32, #tpu.memory_space<vmem>> -> memref<125x128xf32, #tpu.memory_space<vmem>>
        %dma_start3A_588 = arith.constant 0 : i32
        %dma_start3A_589 = tpu.memref_slice %arg7[%run_scoped3A_553, %add3A_540, %dma_start3A_588] : memref<2x16x125xi32, #tpu.memory_space<vmem>> -> memref<1x1x125xi32, #tpu.memory_space<vmem>>
        %dma_start3A_590 = tpu.memref_squeeze %dma_start3A_589 : memref<1x1x125xi32, #tpu.memory_space<vmem>> -> memref<125xi32, #tpu.memory_space<vmem>>
        %dma_start3A_591 = arith.constant 0 : i32
        %dma_start3A_592 = arith.constant 0 : i32
        %dma_start3A_593 = tpu.memref_slice %arg9[%dma_start3A_591, %dma_start3A_592] : memref<10000x128xf32, #tpu.memory_space<vmem_shared>> -> memref<10000x128xf32, #tpu.memory_space<vmem_shared>>
        tpu.enqueue_indirect_dma source(%dma_start3A_587 : memref<125x128xf32, #tpu.memory_space<vmem>>) target(%dma_start3A_593 : memref<10000x128xf32, #tpu.memory_space<vmem_shared>>) offsets(%dma_start3A_590 : memref<125xi32, #tpu.memory_space<vmem>>) semaphore(%run_scoped3A_583 : memref<!tpu.dma_semaphore, #tpu.memory_space<semaphore_mem>>) {add = true}
        %dma_wait3A_594 = arith.constant 0 : i32
        %dma_wait3A_595 = arith.constant 0 : i32
        %dma_wait3A_596 = tpu.memref_slice %arg8[%run_scoped3A, %dma_wait3A_594, %dma_wait3A_595] : memref<2x125x128xf32, #tpu.memory_space<vmem>> -> memref<1x125x128xf32, #tpu.memory_space<vmem>>
        %dma_wait3A_597 = tpu.memref_squeeze %dma_wait3A_596 : memref<1x125x128xf32, #tpu.memory_space<vmem>> -> memref<125x128xf32, #tpu.memory_space<vmem>>
        %dma_wait3A_598 = arith.constant 0 : i32
        %dma_wait3A_599 = tpu.memref_slice %arg7[%run_scoped3A_553, %add3A_540, %dma_wait3A_598] : memref<2x16x125xi32, #tpu.memory_space<vmem>> -> memref<1x1x125xi32, #tpu.memory_space<vmem>>
        %dma_wait3A_600 = tpu.memref_squeeze %dma_wait3A_599 : memref<1x1x125xi32, #tpu.memory_space<vmem>> -> memref<125xi32, #tpu.memory_space<vmem>>
        %dma_wait3A_601 = arith.constant 0 : i32
        %dma_wait3A_602 = arith.constant 0 : i32
        %dma_wait3A_603 = tpu.memref_slice %arg9[%dma_wait3A_601, %dma_wait3A_602] : memref<10000x128xf32, #tpu.memory_space<vmem_shared>> -> memref<10000x128xf32, #tpu.memory_space<vmem_shared>>
        tpu.wait_indirect_dma semaphore(%run_scoped3A_583 : memref<!tpu.dma_semaphore, #tpu.memory_space<semaphore_mem>>) src(%dma_wait3A_597 : memref<125x128xf32, #tpu.memory_space<vmem>>) dst(%dma_wait3A_603 : memref<10000x128xf32, #tpu.memory_space<vmem_shared>>)
        tpu.yield
      }) : () -> ()
      %add3A_554 = arith.constant 2 : i32
      %add3A_555 = arith.addi %add3A_540, %add3A_554 : i32
      %lt3A = arith.constant 16 : i32
      %lt3A_556 = arith.cmpi slt, %add3A_555, %lt3A : i32
      %convert_element_type3A_557 = arith.extui %lt3A_556 : i1 to i32
      %cond3A_558 = arith.constant 0 : i32
      %cond3A_559 = arith.cmpi ne, %convert_element_type3A_557, %cond3A_558 : i32
      scf.if %cond3A_559 {
        %add3A_583 = arith.constant 2 : i32
        %add3A_584 = arith.addi %add3A_540, %add3A_583 : i32
        %dma_start3A_585 = arith.constant 0 : i32
        %dma_start3A_586 = arith.constant 0 : i32
        %dma_start3A_587 = arith.constant 0 : i32
        %dma_start3A_588 = arith.constant 0 : i32
        %dma_start3A_589 = tpu.memref_slice %arg8[%dma_start3A_586, %dma_start3A_587, %dma_start3A_588] : memref<2x125x128xf32, #tpu.memory_space<vmem>> -> memref<1x125x128xf32, #tpu.memory_space<vmem>>
        %dma_start3A_590 = tpu.memref_squeeze %dma_start3A_589 : memref<1x125x128xf32, #tpu.memory_space<vmem>> -> memref<125x128xf32, #tpu.memory_space<vmem>>
        %dma_start3A_591 = arith.constant 0 : i32
        %dma_start3A_592 = tpu.memref_slice %arg6[%dma_start3A_585, %add3A_584, %dma_start3A_591] : memref<2x16x125xi32, #tpu.memory_space<vmem>> -> memref<1x1x125xi32, #tpu.memory_space<vmem>>
        %dma_start3A_593 = tpu.memref_squeeze %dma_start3A_592 : memref<1x1x125xi32, #tpu.memory_space<vmem>> -> memref<125xi32, #tpu.memory_space<vmem>>
        %dma_start3A_594 = arith.constant 0 : i32
        %dma_start3A_595 = arith.constant 0 : i32
        %dma_start3A_596 = tpu.memref_slice %arg2[%dma_start3A_594, %dma_start3A_595] : memref<10000x128xf32, #tpu.memory_space<hbm>> -> memref<10000x128xf32, #tpu.memory_space<hbm>>
        tpu.enqueue_indirect_dma source(%dma_start3A_596 : memref<10000x128xf32, #tpu.memory_space<hbm>>) target(%dma_start3A_590 : memref<125x128xf32, #tpu.memory_space<vmem>>) offsets(%dma_start3A_593 : memref<125xi32, #tpu.memory_space<vmem>>) semaphore(%arg10 : memref<!tpu.dma_semaphore, #tpu.memory_space<semaphore_mem>>)
      } else {
      }
      %add3A_560 = arith.constant 1 : i32
      %add3A_561 = arith.addi %mul3A_538, %add3A_560 : i32
      %dma_wait3A_562 = arith.constant 0 : i32
      %dma_wait3A_563 = arith.constant 1 : i32
      %dma_wait3A_564 = arith.constant 0 : i32
      %dma_wait3A_565 = arith.constant 0 : i32
      %dma_wait3A_566 = tpu.memref_slice %arg8[%dma_wait3A_563, %dma_wait3A_564, %dma_wait3A_565] : memref<2x125x128xf32, #tpu.memory_space<vmem>> -> memref<1x125x128xf32, #tpu.memory_space<vmem>>
      %dma_wait3A_567 = tpu.memref_squeeze %dma_wait3A_566 : memref<1x125x128xf32, #tpu.memory_space<vmem>> -> memref<125x128xf32, #tpu.memory_space<vmem>>
      %dma_wait3A_568 = arith.constant 0 : i32
      %dma_wait3A_569 = tpu.memref_slice %arg6[%dma_wait3A_562, %add3A_561, %dma_wait3A_568] : memref<2x16x125xi32, #tpu.memory_space<vmem>> -> memref<1x1x125xi32, #tpu.memory_space<vmem>>
      %dma_wait3A_570 = tpu.memref_squeeze %dma_wait3A_569 : memref<1x1x125xi32, #tpu.memory_space<vmem>> -> memref<125xi32, #tpu.memory_space<vmem>>
      %dma_wait3A_571 = arith.constant 0 : i32
      %dma_wait3A_572 = arith.constant 0 : i32
      %dma_wait3A_573 = tpu.memref_slice %arg2[%dma_wait3A_571, %dma_wait3A_572] : memref<10000x128xf32, #tpu.memory_space<hbm>> -> memref<10000x128xf32, #tpu.memory_space<hbm>>
      tpu.wait_indirect_dma semaphore(%arg11 : memref<!tpu.dma_semaphore, #tpu.memory_space<semaphore_mem>>) src(%dma_wait3A_573 : memref<10000x128xf32, #tpu.memory_space<hbm>>) dst(%dma_wait3A_567 : memref<125x128xf32, #tpu.memory_space<vmem>>)
      %run_scoped3A_574 = arith.constant 1 : i32
      %run_scoped3A_575 = arith.constant 0 : i32
      "tpu.region"() ({
        %run_scoped3A_583 = tpu.sem_alloc : memref<!tpu.dma_semaphore, #tpu.memory_space<semaphore_mem>>
        %dma_start3A_584 = arith.constant 0 : i32
        %dma_start3A_585 = arith.constant 0 : i32
        %dma_start3A_586 = tpu.memref_slice %arg8[%run_scoped3A_574, %dma_start3A_584, %dma_start3A_585] : memref<2x125x128xf32, #tpu.memory_space<vmem>> -> memref<1x125x128xf32, #tpu.memory_space<vmem>>
        %dma_start3A_587 = tpu.memref_squeeze %dma_start3A_586 : memref<1x125x128xf32, #tpu.memory_space<vmem>> -> memref<125x128xf32, #tpu.memory_space<vmem>>
        %dma_start3A_588 = arith.constant 0 : i32
        %dma_start3A_589 = tpu.memref_slice %arg7[%run_scoped3A_575, %add3A_561, %dma_start3A_588] : memref<2x16x125xi32, #tpu.memory_space<vmem>> -> memref<1x1x125xi32, #tpu.memory_space<vmem>>
        %dma_start3A_590 = tpu.memref_squeeze %dma_start3A_589 : memref<1x1x125xi32, #tpu.memory_space<vmem>> -> memref<125xi32, #tpu.memory_space<vmem>>
        %dma_start3A_591 = arith.constant 0 : i32
        %dma_start3A_592 = arith.constant 0 : i32
        %dma_start3A_593 = tpu.memref_slice %arg9[%dma_start3A_591, %dma_start3A_592] : memref<10000x128xf32, #tpu.memory_space<vmem_shared>> -> memref<10000x128xf32, #tpu.memory_space<vmem_shared>>
        tpu.enqueue_indirect_dma source(%dma_start3A_587 : memref<125x128xf32, #tpu.memory_space<vmem>>) target(%dma_start3A_593 : memref<10000x128xf32, #tpu.memory_space<vmem_shared>>) offsets(%dma_start3A_590 : memref<125xi32, #tpu.memory_space<vmem>>) semaphore(%run_scoped3A_583 : memref<!tpu.dma_semaphore, #tpu.memory_space<semaphore_mem>>) {add = true}
        %dma_wait3A_594 = arith.constant 0 : i32
        %dma_wait3A_595 = arith.constant 0 : i32
        %dma_wait3A_596 = tpu.memref_slice %arg8[%run_scoped3A_574, %dma_wait3A_594, %dma_wait3A_595] : memref<2x125x128xf32, #tpu.memory_space<vmem>> -> memref<1x125x128xf32, #tpu.memory_space<vmem>>
        %dma_wait3A_597 = tpu.memref_squeeze %dma_wait3A_596 : memref<1x125x128xf32, #tpu.memory_space<vmem>> -> memref<125x128xf32, #tpu.memory_space<vmem>>
        %dma_wait3A_598 = arith.constant 0 : i32
        %dma_wait3A_599 = tpu.memref_slice %arg7[%run_scoped3A_575, %add3A_561, %dma_wait3A_598] : memref<2x16x125xi32, #tpu.memory_space<vmem>> -> memref<1x1x125xi32, #tpu.memory_space<vmem>>
        %dma_wait3A_600 = tpu.memref_squeeze %dma_wait3A_599 : memref<1x1x125xi32, #tpu.memory_space<vmem>> -> memref<125xi32, #tpu.memory_space<vmem>>
        %dma_wait3A_601 = arith.constant 0 : i32
        %dma_wait3A_602 = arith.constant 0 : i32
        %dma_wait3A_603 = tpu.memref_slice %arg9[%dma_wait3A_601, %dma_wait3A_602] : memref<10000x128xf32, #tpu.memory_space<vmem_shared>> -> memref<10000x128xf32, #tpu.memory_space<vmem_shared>>
        tpu.wait_indirect_dma semaphore(%run_scoped3A_583 : memref<!tpu.dma_semaphore, #tpu.memory_space<semaphore_mem>>) src(%dma_wait3A_597 : memref<125x128xf32, #tpu.memory_space<vmem>>) dst(%dma_wait3A_603 : memref<10000x128xf32, #tpu.memory_space<vmem_shared>>)
        tpu.yield
      }) : () -> ()
      %add3A_576 = arith.constant 2 : i32
      %add3A_577 = arith.addi %add3A_561, %add3A_576 : i32
      %lt3A_578 = arith.constant 16 : i32
      %lt3A_579 = arith.cmpi slt, %add3A_577, %lt3A_578 : i32
      %convert_element_type3A_580 = arith.extui %lt3A_579 : i1 to i32
      %cond3A_581 = arith.constant 0 : i32
      %cond3A_582 = arith.cmpi ne, %convert_element_type3A_580, %cond3A_581 : i32
      scf.if %cond3A_582 {
        %add3A_583 = arith.constant 2 : i32
        %add3A_584 = arith.addi %add3A_561, %add3A_583 : i32
        %dma_start3A_585 = arith.constant 0 : i32
        %dma_start3A_586 = arith.constant 1 : i32
        %dma_start3A_587 = arith.constant 0 : i32
        %dma_start3A_588 = arith.constant 0 : i32
        %dma_start3A_589 = tpu.memref_slice %arg8[%dma_start3A_586, %dma_start3A_587, %dma_start3A_588] : memref<2x125x128xf32, #tpu.memory_space<vmem>> -> memref<1x125x128xf32, #tpu.memory_space<vmem>>
        %dma_start3A_590 = tpu.memref_squeeze %dma_start3A_589 : memref<1x125x128xf32, #tpu.memory_space<vmem>> -> memref<125x128xf32, #tpu.memory_space<vmem>>
        %dma_start3A_591 = arith.constant 0 : i32
        %dma_start3A_592 = tpu.memref_slice %arg6[%dma_start3A_585, %add3A_584, %dma_start3A_591] : memref<2x16x125xi32, #tpu.memory_space<vmem>> -> memref<1x1x125xi32, #tpu.memory_space<vmem>>
        %dma_start3A_593 = tpu.memref_squeeze %dma_start3A_592 : memref<1x1x125xi32, #tpu.memory_space<vmem>> -> memref<125xi32, #tpu.memory_space<vmem>>
        %dma_start3A_594 = arith.constant 0 : i32
        %dma_start3A_595 = arith.constant 0 : i32
        %dma_start3A_596 = tpu.memref_slice %arg2[%dma_start3A_594, %dma_start3A_595] : memref<10000x128xf32, #tpu.memory_space<hbm>> -> memref<10000x128xf32, #tpu.memory_space<hbm>>
        tpu.enqueue_indirect_dma source(%dma_start3A_596 : memref<10000x128xf32, #tpu.memory_space<hbm>>) target(%dma_start3A_590 : memref<125x128xf32, #tpu.memory_space<vmem>>) offsets(%dma_start3A_593 : memref<125xi32, #tpu.memory_space<vmem>>) semaphore(%arg11 : memref<!tpu.dma_semaphore, #tpu.memory_space<semaphore_mem>>)
      } else {
      }
    }
    %scan3A_357 = arith.constant 8 : i32
    %add3A_358 = arith.constant 48 : i32
    %add3A_359 = arith.addi %multiple_of3A, %add3A_358 : i32
    %dma_wait3A_360 = arith.constant 0 : i32
    %dma_wait3A_361 = arith.constant 1 : i32
    %dma_wait3A_362 = arith.constant 0 : i32
    %dma_wait3A_363 = arith.constant 0 : i32
    %dma_wait3A_364 = tpu.memref_slice %arg6[%dma_wait3A_361, %dma_wait3A_362, %dma_wait3A_363] : memref<2x16x125xi32, #tpu.memory_space<vmem>> -> memref<1x16x125xi32, #tpu.memory_space<vmem>>
    %dma_wait3A_365 = tpu.memref_squeeze %dma_wait3A_364 : memref<1x16x125xi32, #tpu.memory_space<vmem>> -> memref<16x125xi32, #tpu.memory_space<vmem>>
    %dma_wait3A_366 = arith.constant 0 : i32
    %dma_wait3A_367 = tpu.memref_slice %arg3[%dma_wait3A_360, %add3A_359, %dma_wait3A_366] : memref<2x2560x125xi32, #tpu.memory_space<hbm>> -> memref<1x16x125xi32, #tpu.memory_space<hbm>>
    %dma_wait3A_368 = tpu.memref_squeeze %dma_wait3A_367 : memref<1x16x125xi32, #tpu.memory_space<hbm>> -> memref<16x125xi32, #tpu.memory_space<hbm>>
    %dma_wait3A_369 = arith.constant 0 : i32
    %dma_wait3A_370 = arith.constant 0 : i32
    %dma_wait3A_371 = tpu.memref_slice %arg6[%dma_wait3A_361, %dma_wait3A_369, %dma_wait3A_370] : memref<2x16x125xi32, #tpu.memory_space<vmem>> -> memref<1x16x125xi32, #tpu.memory_space<vmem>>
    %dma_wait3A_372 = tpu.memref_squeeze %dma_wait3A_371 : memref<1x16x125xi32, #tpu.memory_space<vmem>> -> memref<16x125xi32, #tpu.memory_space<vmem>>
    %dma_wait3A_373 = arith.constant 0 : i32
    %dma_wait3A_374 = tpu.memref_slice %arg3[%dma_wait3A_360, %add3A_359, %dma_wait3A_373] : memref<2x2560x125xi32, #tpu.memory_space<hbm>> -> memref<1x16x125xi32, #tpu.memory_space<hbm>>
    %dma_wait3A_375 = tpu.memref_squeeze %dma_wait3A_374 : memref<1x16x125xi32, #tpu.memory_space<hbm>> -> memref<16x125xi32, #tpu.memory_space<hbm>>
    tpu.wait_dma2 semaphore(%arg13 : memref<!tpu.dma_semaphore, #tpu.memory_space<semaphore_mem>>) src(%dma_wait3A_375 : memref<16x125xi32, #tpu.memory_space<hbm>>) dst(%dma_wait3A_372 : memref<16x125xi32, #tpu.memory_space<vmem>>)
    %add3A_376 = arith.constant 48 : i32
    %add3A_377 = arith.addi %multiple_of3A, %add3A_376 : i32
    %dma_wait3A_378 = arith.constant 1 : i32
    %dma_wait3A_379 = arith.constant 1 : i32
    %dma_wait3A_380 = arith.constant 0 : i32
    %dma_wait3A_381 = arith.constant 0 : i32
    %dma_wait3A_382 = tpu.memref_slice %arg7[%dma_wait3A_379, %dma_wait3A_380, %dma_wait3A_381] : memref<2x16x125xi32, #tpu.memory_space<vmem>> -> memref<1x16x125xi32, #tpu.memory_space<vmem>>
    %dma_wait3A_383 = tpu.memref_squeeze %dma_wait3A_382 : memref<1x16x125xi32, #tpu.memory_space<vmem>> -> memref<16x125xi32, #tpu.memory_space<vmem>>
    %dma_wait3A_384 = arith.constant 0 : i32
    %dma_wait3A_385 = tpu.memref_slice %arg3[%dma_wait3A_378, %add3A_377, %dma_wait3A_384] : memref<2x2560x125xi32, #tpu.memory_space<hbm>> -> memref<1x16x125xi32, #tpu.memory_space<hbm>>
    %dma_wait3A_386 = tpu.memref_squeeze %dma_wait3A_385 : memref<1x16x125xi32, #tpu.memory_space<hbm>> -> memref<16x125xi32, #tpu.memory_space<hbm>>
    %dma_wait3A_387 = arith.constant 0 : i32
    %dma_wait3A_388 = arith.constant 0 : i32
    %dma_wait3A_389 = tpu.memref_slice %arg7[%dma_wait3A_379, %dma_wait3A_387, %dma_wait3A_388] : memref<2x16x125xi32, #tpu.memory_space<vmem>> -> memref<1x16x125xi32, #tpu.memory_space<vmem>>
    %dma_wait3A_390 = tpu.memref_squeeze %dma_wait3A_389 : memref<1x16x125xi32, #tpu.memory_space<vmem>> -> memref<16x125xi32, #tpu.memory_space<vmem>>
    %dma_wait3A_391 = arith.constant 0 : i32
    %dma_wait3A_392 = tpu.memref_slice %arg3[%dma_wait3A_378, %add3A_377, %dma_wait3A_391] : memref<2x2560x125xi32, #tpu.memory_space<hbm>> -> memref<1x16x125xi32, #tpu.memory_space<hbm>>
    %dma_wait3A_393 = tpu.memref_squeeze %dma_wait3A_392 : memref<1x16x125xi32, #tpu.memory_space<hbm>> -> memref<16x125xi32, #tpu.memory_space<hbm>>
    tpu.wait_dma2 semaphore(%arg15 : memref<!tpu.dma_semaphore, #tpu.memory_space<semaphore_mem>>) src(%dma_wait3A_393 : memref<16x125xi32, #tpu.memory_space<hbm>>) dst(%dma_wait3A_390 : memref<16x125xi32, #tpu.memory_space<vmem>>)
    %add3A_394 = arith.constant 64 : i32
    %add3A_395 = arith.addi %multiple_of3A, %add3A_394 : i32
    %dma_start3A_396 = arith.constant 0 : i32
    %dma_start3A_397 = arith.constant 0 : i32
    %dma_start3A_398 = arith.constant 0 : i32
    %dma_start3A_399 = arith.constant 0 : i32
    %dma_start3A_400 = tpu.memref_slice %arg6[%dma_start3A_397, %dma_start3A_398, %dma_start3A_399] : memref<2x16x125xi32, #tpu.memory_space<vmem>> -> memref<1x16x125xi32, #tpu.memory_space<vmem>>
    %dma_start3A_401 = tpu.memref_squeeze %dma_start3A_400 : memref<1x16x125xi32, #tpu.memory_space<vmem>> -> memref<16x125xi32, #tpu.memory_space<vmem>>
    %dma_start3A_402 = arith.constant 0 : i32
    %dma_start3A_403 = tpu.memref_slice %arg3[%dma_start3A_396, %add3A_395, %dma_start3A_402] : memref<2x2560x125xi32, #tpu.memory_space<hbm>> -> memref<1x16x125xi32, #tpu.memory_space<hbm>>
    %dma_start3A_404 = tpu.memref_squeeze %dma_start3A_403 : memref<1x16x125xi32, #tpu.memory_space<hbm>> -> memref<16x125xi32, #tpu.memory_space<hbm>>
    %dma_start3A_405 = arith.constant 0 : i32
    %dma_start3A_406 = arith.constant 0 : i32
    %dma_start3A_407 = tpu.memref_slice %arg6[%dma_start3A_397, %dma_start3A_405, %dma_start3A_406] : memref<2x16x125xi32, #tpu.memory_space<vmem>> -> memref<1x16x125xi32, #tpu.memory_space<vmem>>
    %dma_start3A_408 = tpu.memref_squeeze %dma_start3A_407 : memref<1x16x125xi32, #tpu.memory_space<vmem>> -> memref<16x125xi32, #tpu.memory_space<vmem>>
    %dma_start3A_409 = arith.constant 0 : i32
    %dma_start3A_410 = tpu.memref_slice %arg3[%dma_start3A_396, %add3A_395, %dma_start3A_409] : memref<2x2560x125xi32, #tpu.memory_space<hbm>> -> memref<1x16x125xi32, #tpu.memory_space<hbm>>
    %dma_start3A_411 = tpu.memref_squeeze %dma_start3A_410 : memref<1x16x125xi32, #tpu.memory_space<hbm>> -> memref<16x125xi32, #tpu.memory_space<hbm>>
    tpu.enqueue_dma source(%dma_start3A_411 : memref<16x125xi32, #tpu.memory_space<hbm>>) target(%dma_start3A_408 : memref<16x125xi32, #tpu.memory_space<vmem>>) target_semaphore(%arg12 : memref<!tpu.dma_semaphore, #tpu.memory_space<semaphore_mem>>)
    %add3A_412 = arith.constant 64 : i32
    %add3A_413 = arith.addi %multiple_of3A, %add3A_412 : i32
    %dma_start3A_414 = arith.constant 1 : i32
    %dma_start3A_415 = arith.constant 0 : i32
    %dma_start3A_416 = arith.constant 0 : i32
    %dma_start3A_417 = arith.constant 0 : i32
    %dma_start3A_418 = tpu.memref_slice %arg7[%dma_start3A_415, %dma_start3A_416, %dma_start3A_417] : memref<2x16x125xi32, #tpu.memory_space<vmem>> -> memref<1x16x125xi32, #tpu.memory_space<vmem>>
    %dma_start3A_419 = tpu.memref_squeeze %dma_start3A_418 : memref<1x16x125xi32, #tpu.memory_space<vmem>> -> memref<16x125xi32, #tpu.memory_space<vmem>>
    %dma_start3A_420 = arith.constant 0 : i32
    %dma_start3A_421 = tpu.memref_slice %arg3[%dma_start3A_414, %add3A_413, %dma_start3A_420] : memref<2x2560x125xi32, #tpu.memory_space<hbm>> -> memref<1x16x125xi32, #tpu.memory_space<hbm>>
    %dma_start3A_422 = tpu.memref_squeeze %dma_start3A_421 : memref<1x16x125xi32, #tpu.memory_space<hbm>> -> memref<16x125xi32, #tpu.memory_space<hbm>>
    %dma_start3A_423 = arith.constant 0 : i32
    %dma_start3A_424 = arith.constant 0 : i32
    %dma_start3A_425 = tpu.memref_slice %arg7[%dma_start3A_415, %dma_start3A_423, %dma_start3A_424] : memref<2x16x125xi32, #tpu.memory_space<vmem>> -> memref<1x16x125xi32, #tpu.memory_space<vmem>>
    %dma_start3A_426 = tpu.memref_squeeze %dma_start3A_425 : memref<1x16x125xi32, #tpu.memory_space<vmem>> -> memref<16x125xi32, #tpu.memory_space<vmem>>
    %dma_start3A_427 = arith.constant 0 : i32
    %dma_start3A_428 = tpu.memref_slice %arg3[%dma_start3A_414, %add3A_413, %dma_start3A_427] : memref<2x2560x125xi32, #tpu.memory_space<hbm>> -> memref<1x16x125xi32, #tpu.memory_space<hbm>>
    %dma_start3A_429 = tpu.memref_squeeze %dma_start3A_428 : memref<1x16x125xi32, #tpu.memory_space<hbm>> -> memref<16x125xi32, #tpu.memory_space<hbm>>
    tpu.enqueue_dma source(%dma_start3A_429 : memref<16x125xi32, #tpu.memory_space<hbm>>) target(%dma_start3A_426 : memref<16x125xi32, #tpu.memory_space<vmem>>) target_semaphore(%arg14 : memref<!tpu.dma_semaphore, #tpu.memory_space<semaphore_mem>>)
    %dma_start3A_430 = arith.constant 1 : i32
    %dma_start3A_431 = arith.constant 0 : i32
    %dma_start3A_432 = arith.constant 0 : i32
    %dma_start3A_433 = arith.constant 0 : i32
    %dma_start3A_434 = arith.constant 0 : i32
    %dma_start3A_435 = tpu.memref_slice %arg8[%dma_start3A_432, %dma_start3A_433, %dma_start3A_434] : memref<2x125x128xf32, #tpu.memory_space<vmem>> -> memref<1x125x128xf32, #tpu.memory_space<vmem>>
    %dma_start3A_436 = tpu.memref_squeeze %dma_start3A_435 : memref<1x125x128xf32, #tpu.memory_space<vmem>> -> memref<125x128xf32, #tpu.memory_space<vmem>>
    %dma_start3A_437 = arith.constant 0 : i32
    %dma_start3A_438 = tpu.memref_slice %arg6[%dma_start3A_430, %dma_start3A_431, %dma_start3A_437] : memref<2x16x125xi32, #tpu.memory_space<vmem>> -> memref<1x1x125xi32, #tpu.memory_space<vmem>>
    %dma_start3A_439 = tpu.memref_squeeze %dma_start3A_438 : memref<1x1x125xi32, #tpu.memory_space<vmem>> -> memref<125xi32, #tpu.memory_space<vmem>>
    %dma_start3A_440 = arith.constant 0 : i32
    %dma_start3A_441 = arith.constant 0 : i32
    %dma_start3A_442 = tpu.memref_slice %arg2[%dma_start3A_440, %dma_start3A_441] : memref<10000x128xf32, #tpu.memory_space<hbm>> -> memref<10000x128xf32, #tpu.memory_space<hbm>>
    tpu.enqueue_indirect_dma source(%dma_start3A_442 : memref<10000x128xf32, #tpu.memory_space<hbm>>) target(%dma_start3A_436 : memref<125x128xf32, #tpu.memory_space<vmem>>) offsets(%dma_start3A_439 : memref<125xi32, #tpu.memory_space<vmem>>) semaphore(%arg10 : memref<!tpu.dma_semaphore, #tpu.memory_space<semaphore_mem>>)
    %dma_start3A_443 = arith.constant 1 : i32
    %dma_start3A_444 = arith.constant 1 : i32
    %dma_start3A_445 = arith.constant 1 : i32
    %dma_start3A_446 = arith.constant 0 : i32
    %dma_start3A_447 = arith.constant 0 : i32
    %dma_start3A_448 = tpu.memref_slice %arg8[%dma_start3A_445, %dma_start3A_446, %dma_start3A_447] : memref<2x125x128xf32, #tpu.memory_space<vmem>> -> memref<1x125x128xf32, #tpu.memory_space<vmem>>
    %dma_start3A_449 = tpu.memref_squeeze %dma_start3A_448 : memref<1x125x128xf32, #tpu.memory_space<vmem>> -> memref<125x128xf32, #tpu.memory_space<vmem>>
    %dma_start3A_450 = arith.constant 0 : i32
    %dma_start3A_451 = tpu.memref_slice %arg6[%dma_start3A_443, %dma_start3A_444, %dma_start3A_450] : memref<2x16x125xi32, #tpu.memory_space<vmem>> -> memref<1x1x125xi32, #tpu.memory_space<vmem>>
    %dma_start3A_452 = tpu.memref_squeeze %dma_start3A_451 : memref<1x1x125xi32, #tpu.memory_space<vmem>> -> memref<125xi32, #tpu.memory_space<vmem>>
    %dma_start3A_453 = arith.constant 0 : i32
    %dma_start3A_454 = arith.constant 0 : i32
    %dma_start3A_455 = tpu.memref_slice %arg2[%dma_start3A_453, %dma_start3A_454] : memref<10000x128xf32, #tpu.memory_space<hbm>> -> memref<10000x128xf32, #tpu.memory_space<hbm>>
    tpu.enqueue_indirect_dma source(%dma_start3A_455 : memref<10000x128xf32, #tpu.memory_space<hbm>>) target(%dma_start3A_449 : memref<125x128xf32, #tpu.memory_space<vmem>>) offsets(%dma_start3A_452 : memref<125xi32, #tpu.memory_space<vmem>>) semaphore(%arg11 : memref<!tpu.dma_semaphore, #tpu.memory_space<semaphore_mem>>)
    %scan3A_456 = arith.constant 0 : i32
    %scan3A_457 = arith.constant 0 : i32
    %scan3A_458 = arith.constant 8 : i32
    %scan3A_459 = arith.addi %scan3A_457, %scan3A_458 : i32
    %scan3A_460 = arith.constant 1 : i32
    scf.for %scan3A_536 = %scan3A_457 to %scan3A_459 step %scan3A_460  : i32 {
      %mul3A_537 = arith.constant 2 : i32
      %mul3A_538 = arith.muli %scan3A_536, %mul3A_537 : i32
      %add3A_539 = arith.constant 0 : i32
      %add3A_540 = arith.addi %mul3A_538, %add3A_539 : i32
      %dma_wait3A_541 = arith.constant 1 : i32
      %dma_wait3A_542 = arith.constant 0 : i32
      %dma_wait3A_543 = arith.constant 0 : i32
      %dma_wait3A_544 = arith.constant 0 : i32
      %dma_wait3A_545 = tpu.memref_slice %arg8[%dma_wait3A_542, %dma_wait3A_543, %dma_wait3A_544] : memref<2x125x128xf32, #tpu.memory_space<vmem>> -> memref<1x125x128xf32, #tpu.memory_space<vmem>>
      %dma_wait3A_546 = tpu.memref_squeeze %dma_wait3A_545 : memref<1x125x128xf32, #tpu.memory_space<vmem>> -> memref<125x128xf32, #tpu.memory_space<vmem>>
      %dma_wait3A_547 = arith.constant 0 : i32
      %dma_wait3A_548 = tpu.memref_slice %arg6[%dma_wait3A_541, %add3A_540, %dma_wait3A_547] : memref<2x16x125xi32, #tpu.memory_space<vmem>> -> memref<1x1x125xi32, #tpu.memory_space<vmem>>
      %dma_wait3A_549 = tpu.memref_squeeze %dma_wait3A_548 : memref<1x1x125xi32, #tpu.memory_space<vmem>> -> memref<125xi32, #tpu.memory_space<vmem>>
      %dma_wait3A_550 = arith.constant 0 : i32
      %dma_wait3A_551 = arith.constant 0 : i32
      %dma_wait3A_552 = tpu.memref_slice %arg2[%dma_wait3A_550, %dma_wait3A_551] : memref<10000x128xf32, #tpu.memory_space<hbm>> -> memref<10000x128xf32, #tpu.memory_space<hbm>>
      tpu.wait_indirect_dma semaphore(%arg10 : memref<!tpu.dma_semaphore, #tpu.memory_space<semaphore_mem>>) src(%dma_wait3A_552 : memref<10000x128xf32, #tpu.memory_space<hbm>>) dst(%dma_wait3A_546 : memref<125x128xf32, #tpu.memory_space<vmem>>)
      %run_scoped3A = arith.constant 0 : i32
      %run_scoped3A_553 = arith.constant 1 : i32
      "tpu.region"() ({
        %run_scoped3A_583 = tpu.sem_alloc : memref<!tpu.dma_semaphore, #tpu.memory_space<semaphore_mem>>
        %dma_start3A_584 = arith.constant 0 : i32
        %dma_start3A_585 = arith.constant 0 : i32
        %dma_start3A_586 = tpu.memref_slice %arg8[%run_scoped3A, %dma_start3A_584, %dma_start3A_585] : memref<2x125x128xf32, #tpu.memory_space<vmem>> -> memref<1x125x128xf32, #tpu.memory_space<vmem>>
        %dma_start3A_587 = tpu.memref_squeeze %dma_start3A_586 : memref<1x125x128xf32, #tpu.memory_space<vmem>> -> memref<125x128xf32, #tpu.memory_space<vmem>>
        %dma_start3A_588 = arith.constant 0 : i32
        %dma_start3A_589 = tpu.memref_slice %arg7[%run_scoped3A_553, %add3A_540, %dma_start3A_588] : memref<2x16x125xi32, #tpu.memory_space<vmem>> -> memref<1x1x125xi32, #tpu.memory_space<vmem>>
        %dma_start3A_590 = tpu.memref_squeeze %dma_start3A_589 : memref<1x1x125xi32, #tpu.memory_space<vmem>> -> memref<125xi32, #tpu.memory_space<vmem>>
        %dma_start3A_591 = arith.constant 0 : i32
        %dma_start3A_592 = arith.constant 0 : i32
        %dma_start3A_593 = tpu.memref_slice %arg9[%dma_start3A_591, %dma_start3A_592] : memref<10000x128xf32, #tpu.memory_space<vmem_shared>> -> memref<10000x128xf32, #tpu.memory_space<vmem_shared>>
        tpu.enqueue_indirect_dma source(%dma_start3A_587 : memref<125x128xf32, #tpu.memory_space<vmem>>) target(%dma_start3A_593 : memref<10000x128xf32, #tpu.memory_space<vmem_shared>>) offsets(%dma_start3A_590 : memref<125xi32, #tpu.memory_space<vmem>>) semaphore(%run_scoped3A_583 : memref<!tpu.dma_semaphore, #tpu.memory_space<semaphore_mem>>) {add = true}
        %dma_wait3A_594 = arith.constant 0 : i32
        %dma_wait3A_595 = arith.constant 0 : i32
        %dma_wait3A_596 = tpu.memref_slice %arg8[%run_scoped3A, %dma_wait3A_594, %dma_wait3A_595] : memref<2x125x128xf32, #tpu.memory_space<vmem>> -> memref<1x125x128xf32, #tpu.memory_space<vmem>>
        %dma_wait3A_597 = tpu.memref_squeeze %dma_wait3A_596 : memref<1x125x128xf32, #tpu.memory_space<vmem>> -> memref<125x128xf32, #tpu.memory_space<vmem>>
        %dma_wait3A_598 = arith.constant 0 : i32
        %dma_wait3A_599 = tpu.memref_slice %arg7[%run_scoped3A_553, %add3A_540, %dma_wait3A_598] : memref<2x16x125xi32, #tpu.memory_space<vmem>> -> memref<1x1x125xi32, #tpu.memory_space<vmem>>
        %dma_wait3A_600 = tpu.memref_squeeze %dma_wait3A_599 : memref<1x1x125xi32, #tpu.memory_space<vmem>> -> memref<125xi32, #tpu.memory_space<vmem>>
        %dma_wait3A_601 = arith.constant 0 : i32
        %dma_wait3A_602 = arith.constant 0 : i32
        %dma_wait3A_603 = tpu.memref_slice %arg9[%dma_wait3A_601, %dma_wait3A_602] : memref<10000x128xf32, #tpu.memory_space<vmem_shared>> -> memref<10000x128xf32, #tpu.memory_space<vmem_shared>>
        tpu.wait_indirect_dma semaphore(%run_scoped3A_583 : memref<!tpu.dma_semaphore, #tpu.memory_space<semaphore_mem>>) src(%dma_wait3A_597 : memref<125x128xf32, #tpu.memory_space<vmem>>) dst(%dma_wait3A_603 : memref<10000x128xf32, #tpu.memory_space<vmem_shared>>)
        tpu.yield
      }) : () -> ()
      %add3A_554 = arith.constant 2 : i32
      %add3A_555 = arith.addi %add3A_540, %add3A_554 : i32
      %lt3A = arith.constant 16 : i32
      %lt3A_556 = arith.cmpi slt, %add3A_555, %lt3A : i32
      %convert_element_type3A_557 = arith.extui %lt3A_556 : i1 to i32
      %cond3A_558 = arith.constant 0 : i32
      %cond3A_559 = arith.cmpi ne, %convert_element_type3A_557, %cond3A_558 : i32
      scf.if %cond3A_559 {
        %add3A_583 = arith.constant 2 : i32
        %add3A_584 = arith.addi %add3A_540, %add3A_583 : i32
        %dma_start3A_585 = arith.constant 1 : i32
        %dma_start3A_586 = arith.constant 0 : i32
        %dma_start3A_587 = arith.constant 0 : i32
        %dma_start3A_588 = arith.constant 0 : i32
        %dma_start3A_589 = tpu.memref_slice %arg8[%dma_start3A_586, %dma_start3A_587, %dma_start3A_588] : memref<2x125x128xf32, #tpu.memory_space<vmem>> -> memref<1x125x128xf32, #tpu.memory_space<vmem>>
        %dma_start3A_590 = tpu.memref_squeeze %dma_start3A_589 : memref<1x125x128xf32, #tpu.memory_space<vmem>> -> memref<125x128xf32, #tpu.memory_space<vmem>>
        %dma_start3A_591 = arith.constant 0 : i32
        %dma_start3A_592 = tpu.memref_slice %arg6[%dma_start3A_585, %add3A_584, %dma_start3A_591] : memref<2x16x125xi32, #tpu.memory_space<vmem>> -> memref<1x1x125xi32, #tpu.memory_space<vmem>>
        %dma_start3A_593 = tpu.memref_squeeze %dma_start3A_592 : memref<1x1x125xi32, #tpu.memory_space<vmem>> -> memref<125xi32, #tpu.memory_space<vmem>>
        %dma_start3A_594 = arith.constant 0 : i32
        %dma_start3A_595 = arith.constant 0 : i32
        %dma_start3A_596 = tpu.memref_slice %arg2[%dma_start3A_594, %dma_start3A_595] : memref<10000x128xf32, #tpu.memory_space<hbm>> -> memref<10000x128xf32, #tpu.memory_space<hbm>>
        tpu.enqueue_indirect_dma source(%dma_start3A_596 : memref<10000x128xf32, #tpu.memory_space<hbm>>) target(%dma_start3A_590 : memref<125x128xf32, #tpu.memory_space<vmem>>) offsets(%dma_start3A_593 : memref<125xi32, #tpu.memory_space<vmem>>) semaphore(%arg10 : memref<!tpu.dma_semaphore, #tpu.memory_space<semaphore_mem>>)
      } else {
      }
      %add3A_560 = arith.constant 1 : i32
      %add3A_561 = arith.addi %mul3A_538, %add3A_560 : i32
      %dma_wait3A_562 = arith.constant 1 : i32
      %dma_wait3A_563 = arith.constant 1 : i32
      %dma_wait3A_564 = arith.constant 0 : i32
      %dma_wait3A_565 = arith.constant 0 : i32
      %dma_wait3A_566 = tpu.memref_slice %arg8[%dma_wait3A_563, %dma_wait3A_564, %dma_wait3A_565] : memref<2x125x128xf32, #tpu.memory_space<vmem>> -> memref<1x125x128xf32, #tpu.memory_space<vmem>>
      %dma_wait3A_567 = tpu.memref_squeeze %dma_wait3A_566 : memref<1x125x128xf32, #tpu.memory_space<vmem>> -> memref<125x128xf32, #tpu.memory_space<vmem>>
      %dma_wait3A_568 = arith.constant 0 : i32
      %dma_wait3A_569 = tpu.memref_slice %arg6[%dma_wait3A_562, %add3A_561, %dma_wait3A_568] : memref<2x16x125xi32, #tpu.memory_space<vmem>> -> memref<1x1x125xi32, #tpu.memory_space<vmem>>
      %dma_wait3A_570 = tpu.memref_squeeze %dma_wait3A_569 : memref<1x1x125xi32, #tpu.memory_space<vmem>> -> memref<125xi32, #tpu.memory_space<vmem>>
      %dma_wait3A_571 = arith.constant 0 : i32
      %dma_wait3A_572 = arith.constant 0 : i32
      %dma_wait3A_573 = tpu.memref_slice %arg2[%dma_wait3A_571, %dma_wait3A_572] : memref<10000x128xf32, #tpu.memory_space<hbm>> -> memref<10000x128xf32, #tpu.memory_space<hbm>>
      tpu.wait_indirect_dma semaphore(%arg11 : memref<!tpu.dma_semaphore, #tpu.memory_space<semaphore_mem>>) src(%dma_wait3A_573 : memref<10000x128xf32, #tpu.memory_space<hbm>>) dst(%dma_wait3A_567 : memref<125x128xf32, #tpu.memory_space<vmem>>)
      %run_scoped3A_574 = arith.constant 1 : i32
      %run_scoped3A_575 = arith.constant 1 : i32
      "tpu.region"() ({
        %run_scoped3A_583 = tpu.sem_alloc : memref<!tpu.dma_semaphore, #tpu.memory_space<semaphore_mem>>
        %dma_start3A_584 = arith.constant 0 : i32
        %dma_start3A_585 = arith.constant 0 : i32
        %dma_start3A_586 = tpu.memref_slice %arg8[%run_scoped3A_574, %dma_start3A_584, %dma_start3A_585] : memref<2x125x128xf32, #tpu.memory_space<vmem>> -> memref<1x125x128xf32, #tpu.memory_space<vmem>>
        %dma_start3A_587 = tpu.memref_squeeze %dma_start3A_586 : memref<1x125x128xf32, #tpu.memory_space<vmem>> -> memref<125x128xf32, #tpu.memory_space<vmem>>
        %dma_start3A_588 = arith.constant 0 : i32
        %dma_start3A_589 = tpu.memref_slice %arg7[%run_scoped3A_575, %add3A_561, %dma_start3A_588] : memref<2x16x125xi32, #tpu.memory_space<vmem>> -> memref<1x1x125xi32, #tpu.memory_space<vmem>>
        %dma_start3A_590 = tpu.memref_squeeze %dma_start3A_589 : memref<1x1x125xi32, #tpu.memory_space<vmem>> -> memref<125xi32, #tpu.memory_space<vmem>>
        %dma_start3A_591 = arith.constant 0 : i32
        %dma_start3A_592 = arith.constant 0 : i32
        %dma_start3A_593 = tpu.memref_slice %arg9[%dma_start3A_591, %dma_start3A_592] : memref<10000x128xf32, #tpu.memory_space<vmem_shared>> -> memref<10000x128xf32, #tpu.memory_space<vmem_shared>>
        tpu.enqueue_indirect_dma source(%dma_start3A_587 : memref<125x128xf32, #tpu.memory_space<vmem>>) target(%dma_start3A_593 : memref<10000x128xf32, #tpu.memory_space<vmem_shared>>) offsets(%dma_start3A_590 : memref<125xi32, #tpu.memory_space<vmem>>) semaphore(%run_scoped3A_583 : memref<!tpu.dma_semaphore, #tpu.memory_space<semaphore_mem>>) {add = true}
        %dma_wait3A_594 = arith.constant 0 : i32
        %dma_wait3A_595 = arith.constant 0 : i32
        %dma_wait3A_596 = tpu.memref_slice %arg8[%run_scoped3A_574, %dma_wait3A_594, %dma_wait3A_595] : memref<2x125x128xf32, #tpu.memory_space<vmem>> -> memref<1x125x128xf32, #tpu.memory_space<vmem>>
        %dma_wait3A_597 = tpu.memref_squeeze %dma_wait3A_596 : memref<1x125x128xf32, #tpu.memory_space<vmem>> -> memref<125x128xf32, #tpu.memory_space<vmem>>
        %dma_wait3A_598 = arith.constant 0 : i32
        %dma_wait3A_599 = tpu.memref_slice %arg7[%run_scoped3A_575, %add3A_561, %dma_wait3A_598] : memref<2x16x125xi32, #tpu.memory_space<vmem>> -> memref<1x1x125xi32, #tpu.memory_space<vmem>>
        %dma_wait3A_600 = tpu.memref_squeeze %dma_wait3A_599 : memref<1x1x125xi32, #tpu.memory_space<vmem>> -> memref<125xi32, #tpu.memory_space<vmem>>
        %dma_wait3A_601 = arith.constant 0 : i32
        %dma_wait3A_602 = arith.constant 0 : i32
        %dma_wait3A_603 = tpu.memref_slice %arg9[%dma_wait3A_601, %dma_wait3A_602] : memref<10000x128xf32, #tpu.memory_space<vmem_shared>> -> memref<10000x128xf32, #tpu.memory_space<vmem_shared>>
        tpu.wait_indirect_dma semaphore(%run_scoped3A_583 : memref<!tpu.dma_semaphore, #tpu.memory_space<semaphore_mem>>) src(%dma_wait3A_597 : memref<125x128xf32, #tpu.memory_space<vmem>>) dst(%dma_wait3A_603 : memref<10000x128xf32, #tpu.memory_space<vmem_shared>>)
        tpu.yield
      }) : () -> ()
      %add3A_576 = arith.constant 2 : i32
      %add3A_577 = arith.addi %add3A_561, %add3A_576 : i32
      %lt3A_578 = arith.constant 16 : i32
      %lt3A_579 = arith.cmpi slt, %add3A_577, %lt3A_578 : i32
      %convert_element_type3A_580 = arith.extui %lt3A_579 : i1 to i32
      %cond3A_581 = arith.constant 0 : i32
      %cond3A_582 = arith.cmpi ne, %convert_element_type3A_580, %cond3A_581 : i32
      scf.if %cond3A_582 {
        %add3A_583 = arith.constant 2 : i32
        %add3A_584 = arith.addi %add3A_561, %add3A_583 : i32
        %dma_start3A_585 = arith.constant 1 : i32
        %dma_start3A_586 = arith.constant 1 : i32
        %dma_start3A_587 = arith.constant 0 : i32
        %dma_start3A_588 = arith.constant 0 : i32
        %dma_start3A_589 = tpu.memref_slice %arg8[%dma_start3A_586, %dma_start3A_587, %dma_start3A_588] : memref<2x125x128xf32, #tpu.memory_space<vmem>> -> memref<1x125x128xf32, #tpu.memory_space<vmem>>
        %dma_start3A_590 = tpu.memref_squeeze %dma_start3A_589 : memref<1x125x128xf32, #tpu.memory_space<vmem>> -> memref<125x128xf32, #tpu.memory_space<vmem>>
        %dma_start3A_591 = arith.constant 0 : i32
        %dma_start3A_592 = tpu.memref_slice %arg6[%dma_start3A_585, %add3A_584, %dma_start3A_591] : memref<2x16x125xi32, #tpu.memory_space<vmem>> -> memref<1x1x125xi32, #tpu.memory_space<vmem>>
        %dma_start3A_593 = tpu.memref_squeeze %dma_start3A_592 : memref<1x1x125xi32, #tpu.memory_space<vmem>> -> memref<125xi32, #tpu.memory_space<vmem>>
        %dma_start3A_594 = arith.constant 0 : i32
        %dma_start3A_595 = arith.constant 0 : i32
        %dma_start3A_596 = tpu.memref_slice %arg2[%dma_start3A_594, %dma_start3A_595] : memref<10000x128xf32, #tpu.memory_space<hbm>> -> memref<10000x128xf32, #tpu.memory_space<hbm>>
        tpu.enqueue_indirect_dma source(%dma_start3A_596 : memref<10000x128xf32, #tpu.memory_space<hbm>>) target(%dma_start3A_590 : memref<125x128xf32, #tpu.memory_space<vmem>>) offsets(%dma_start3A_593 : memref<125xi32, #tpu.memory_space<vmem>>) semaphore(%arg11 : memref<!tpu.dma_semaphore, #tpu.memory_space<semaphore_mem>>)
      } else {
      }
    }
    %scan3A_461 = arith.constant 8 : i32
    %add3A_462 = arith.constant 64 : i32
    %add3A_463 = arith.addi %multiple_of3A, %add3A_462 : i32
    %dma_wait3A_464 = arith.constant 0 : i32
    %dma_wait3A_465 = arith.constant 0 : i32
    %dma_wait3A_466 = arith.constant 0 : i32
    %dma_wait3A_467 = arith.constant 0 : i32
    %dma_wait3A_468 = tpu.memref_slice %arg6[%dma_wait3A_465, %dma_wait3A_466, %dma_wait3A_467] : memref<2x16x125xi32, #tpu.memory_space<vmem>> -> memref<1x16x125xi32, #tpu.memory_space<vmem>>
    %dma_wait3A_469 = tpu.memref_squeeze %dma_wait3A_468 : memref<1x16x125xi32, #tpu.memory_space<vmem>> -> memref<16x125xi32, #tpu.memory_space<vmem>>
    %dma_wait3A_470 = arith.constant 0 : i32
    %dma_wait3A_471 = tpu.memref_slice %arg3[%dma_wait3A_464, %add3A_463, %dma_wait3A_470] : memref<2x2560x125xi32, #tpu.memory_space<hbm>> -> memref<1x16x125xi32, #tpu.memory_space<hbm>>
    %dma_wait3A_472 = tpu.memref_squeeze %dma_wait3A_471 : memref<1x16x125xi32, #tpu.memory_space<hbm>> -> memref<16x125xi32, #tpu.memory_space<hbm>>
    %dma_wait3A_473 = arith.constant 0 : i32
    %dma_wait3A_474 = arith.constant 0 : i32
    %dma_wait3A_475 = tpu.memref_slice %arg6[%dma_wait3A_465, %dma_wait3A_473, %dma_wait3A_474] : memref<2x16x125xi32, #tpu.memory_space<vmem>> -> memref<1x16x125xi32, #tpu.memory_space<vmem>>
    %dma_wait3A_476 = tpu.memref_squeeze %dma_wait3A_475 : memref<1x16x125xi32, #tpu.memory_space<vmem>> -> memref<16x125xi32, #tpu.memory_space<vmem>>
    %dma_wait3A_477 = arith.constant 0 : i32
    %dma_wait3A_478 = tpu.memref_slice %arg3[%dma_wait3A_464, %add3A_463, %dma_wait3A_477] : memref<2x2560x125xi32, #tpu.memory_space<hbm>> -> memref<1x16x125xi32, #tpu.memory_space<hbm>>
    %dma_wait3A_479 = tpu.memref_squeeze %dma_wait3A_478 : memref<1x16x125xi32, #tpu.memory_space<hbm>> -> memref<16x125xi32, #tpu.memory_space<hbm>>
    tpu.wait_dma2 semaphore(%arg12 : memref<!tpu.dma_semaphore, #tpu.memory_space<semaphore_mem>>) src(%dma_wait3A_479 : memref<16x125xi32, #tpu.memory_space<hbm>>) dst(%dma_wait3A_476 : memref<16x125xi32, #tpu.memory_space<vmem>>)
    %add3A_480 = arith.constant 64 : i32
    %add3A_481 = arith.addi %multiple_of3A, %add3A_480 : i32
    %dma_wait3A_482 = arith.constant 1 : i32
    %dma_wait3A_483 = arith.constant 0 : i32
    %dma_wait3A_484 = arith.constant 0 : i32
    %dma_wait3A_485 = arith.constant 0 : i32
    %dma_wait3A_486 = tpu.memref_slice %arg7[%dma_wait3A_483, %dma_wait3A_484, %dma_wait3A_485] : memref<2x16x125xi32, #tpu.memory_space<vmem>> -> memref<1x16x125xi32, #tpu.memory_space<vmem>>
    %dma_wait3A_487 = tpu.memref_squeeze %dma_wait3A_486 : memref<1x16x125xi32, #tpu.memory_space<vmem>> -> memref<16x125xi32, #tpu.memory_space<vmem>>
    %dma_wait3A_488 = arith.constant 0 : i32
    %dma_wait3A_489 = tpu.memref_slice %arg3[%dma_wait3A_482, %add3A_481, %dma_wait3A_488] : memref<2x2560x125xi32, #tpu.memory_space<hbm>> -> memref<1x16x125xi32, #tpu.memory_space<hbm>>
    %dma_wait3A_490 = tpu.memref_squeeze %dma_wait3A_489 : memref<1x16x125xi32, #tpu.memory_space<hbm>> -> memref<16x125xi32, #tpu.memory_space<hbm>>
    %dma_wait3A_491 = arith.constant 0 : i32
    %dma_wait3A_492 = arith.constant 0 : i32
    %dma_wait3A_493 = tpu.memref_slice %arg7[%dma_wait3A_483, %dma_wait3A_491, %dma_wait3A_492] : memref<2x16x125xi32, #tpu.memory_space<vmem>> -> memref<1x16x125xi32, #tpu.memory_space<vmem>>
    %dma_wait3A_494 = tpu.memref_squeeze %dma_wait3A_493 : memref<1x16x125xi32, #tpu.memory_space<vmem>> -> memref<16x125xi32, #tpu.memory_space<vmem>>
    %dma_wait3A_495 = arith.constant 0 : i32
    %dma_wait3A_496 = tpu.memref_slice %arg3[%dma_wait3A_482, %add3A_481, %dma_wait3A_495] : memref<2x2560x125xi32, #tpu.memory_space<hbm>> -> memref<1x16x125xi32, #tpu.memory_space<hbm>>
    %dma_wait3A_497 = tpu.memref_squeeze %dma_wait3A_496 : memref<1x16x125xi32, #tpu.memory_space<hbm>> -> memref<16x125xi32, #tpu.memory_space<hbm>>
    tpu.wait_dma2 semaphore(%arg14 : memref<!tpu.dma_semaphore, #tpu.memory_space<semaphore_mem>>) src(%dma_wait3A_497 : memref<16x125xi32, #tpu.memory_space<hbm>>) dst(%dma_wait3A_494 : memref<16x125xi32, #tpu.memory_space<vmem>>)
    %dma_start3A_498 = arith.constant 0 : i32
    %dma_start3A_499 = arith.constant 0 : i32
    %dma_start3A_500 = arith.constant 0 : i32
    %dma_start3A_501 = arith.constant 0 : i32
    %dma_start3A_502 = arith.constant 0 : i32
    %dma_start3A_503 = tpu.memref_slice %arg8[%dma_start3A_500, %dma_start3A_501, %dma_start3A_502] : memref<2x125x128xf32, #tpu.memory_space<vmem>> -> memref<1x125x128xf32, #tpu.memory_space<vmem>>
    %dma_start3A_504 = tpu.memref_squeeze %dma_start3A_503 : memref<1x125x128xf32, #tpu.memory_space<vmem>> -> memref<125x128xf32, #tpu.memory_space<vmem>>
    %dma_start3A_505 = arith.constant 0 : i32
    %dma_start3A_506 = tpu.memref_slice %arg6[%dma_start3A_498, %dma_start3A_499, %dma_start3A_505] : memref<2x16x125xi32, #tpu.memory_space<vmem>> -> memref<1x1x125xi32, #tpu.memory_space<vmem>>
    %dma_start3A_507 = tpu.memref_squeeze %dma_start3A_506 : memref<1x1x125xi32, #tpu.memory_space<vmem>> -> memref<125xi32, #tpu.memory_space<vmem>>
    %dma_start3A_508 = arith.constant 0 : i32
    %dma_start3A_509 = arith.constant 0 : i32
    %dma_start3A_510 = tpu.memref_slice %arg2[%dma_start3A_508, %dma_start3A_509] : memref<10000x128xf32, #tpu.memory_space<hbm>> -> memref<10000x128xf32, #tpu.memory_space<hbm>>
    tpu.enqueue_indirect_dma source(%dma_start3A_510 : memref<10000x128xf32, #tpu.memory_space<hbm>>) target(%dma_start3A_504 : memref<125x128xf32, #tpu.memory_space<vmem>>) offsets(%dma_start3A_507 : memref<125xi32, #tpu.memory_space<vmem>>) semaphore(%arg10 : memref<!tpu.dma_semaphore, #tpu.memory_space<semaphore_mem>>)
    %dma_start3A_511 = arith.constant 0 : i32
    %dma_start3A_512 = arith.constant 1 : i32
    %dma_start3A_513 = arith.constant 1 : i32
    %dma_start3A_514 = arith.constant 0 : i32
    %dma_start3A_515 = arith.constant 0 : i32
    %dma_start3A_516 = tpu.memref_slice %arg8[%dma_start3A_513, %dma_start3A_514, %dma_start3A_515] : memref<2x125x128xf32, #tpu.memory_space<vmem>> -> memref<1x125x128xf32, #tpu.memory_space<vmem>>
    %dma_start3A_517 = tpu.memref_squeeze %dma_start3A_516 : memref<1x125x128xf32, #tpu.memory_space<vmem>> -> memref<125x128xf32, #tpu.memory_space<vmem>>
    %dma_start3A_518 = arith.constant 0 : i32
    %dma_start3A_519 = tpu.memref_slice %arg6[%dma_start3A_511, %dma_start3A_512, %dma_start3A_518] : memref<2x16x125xi32, #tpu.memory_space<vmem>> -> memref<1x1x125xi32, #tpu.memory_space<vmem>>
    %dma_start3A_520 = tpu.memref_squeeze %dma_start3A_519 : memref<1x1x125xi32, #tpu.memory_space<vmem>> -> memref<125xi32, #tpu.memory_space<vmem>>
    %dma_start3A_521 = arith.constant 0 : i32
    %dma_start3A_522 = arith.constant 0 : i32
    %dma_start3A_523 = tpu.memref_slice %arg2[%dma_start3A_521, %dma_start3A_522] : memref<10000x128xf32, #tpu.memory_space<hbm>> -> memref<10000x128xf32, #tpu.memory_space<hbm>>
    tpu.enqueue_indirect_dma source(%dma_start3A_523 : memref<10000x128xf32, #tpu.memory_space<hbm>>) target(%dma_start3A_517 : memref<125x128xf32, #tpu.memory_space<vmem>>) offsets(%dma_start3A_520 : memref<125xi32, #tpu.memory_space<vmem>>) semaphore(%arg11 : memref<!tpu.dma_semaphore, #tpu.memory_space<semaphore_mem>>)
    %scan3A_524 = arith.constant 0 : i32
    %scan3A_525 = arith.constant 0 : i32
    %scan3A_526 = arith.constant 8 : i32
    %scan3A_527 = arith.addi %scan3A_525, %scan3A_526 : i32
    %scan3A_528 = arith.constant 1 : i32
    scf.for %scan3A_536 = %scan3A_525 to %scan3A_527 step %scan3A_528  : i32 {
      %mul3A_537 = arith.constant 2 : i32
      %mul3A_538 = arith.muli %scan3A_536, %mul3A_537 : i32
      %add3A_539 = arith.constant 0 : i32
      %add3A_540 = arith.addi %mul3A_538, %add3A_539 : i32
      %dma_wait3A_541 = arith.constant 0 : i32
      %dma_wait3A_542 = arith.constant 0 : i32
      %dma_wait3A_543 = arith.constant 0 : i32
      %dma_wait3A_544 = arith.constant 0 : i32
      %dma_wait3A_545 = tpu.memref_slice %arg8[%dma_wait3A_542, %dma_wait3A_543, %dma_wait3A_544] : memref<2x125x128xf32, #tpu.memory_space<vmem>> -> memref<1x125x128xf32, #tpu.memory_space<vmem>>
      %dma_wait3A_546 = tpu.memref_squeeze %dma_wait3A_545 : memref<1x125x128xf32, #tpu.memory_space<vmem>> -> memref<125x128xf32, #tpu.memory_space<vmem>>
      %dma_wait3A_547 = arith.constant 0 : i32
      %dma_wait3A_548 = tpu.memref_slice %arg6[%dma_wait3A_541, %add3A_540, %dma_wait3A_547] : memref<2x16x125xi32, #tpu.memory_space<vmem>> -> memref<1x1x125xi32, #tpu.memory_space<vmem>>
      %dma_wait3A_549 = tpu.memref_squeeze %dma_wait3A_548 : memref<1x1x125xi32, #tpu.memory_space<vmem>> -> memref<125xi32, #tpu.memory_space<vmem>>
      %dma_wait3A_550 = arith.constant 0 : i32
      %dma_wait3A_551 = arith.constant 0 : i32
      %dma_wait3A_552 = tpu.memref_slice %arg2[%dma_wait3A_550, %dma_wait3A_551] : memref<10000x128xf32, #tpu.memory_space<hbm>> -> memref<10000x128xf32, #tpu.memory_space<hbm>>
      tpu.wait_indirect_dma semaphore(%arg10 : memref<!tpu.dma_semaphore, #tpu.memory_space<semaphore_mem>>) src(%dma_wait3A_552 : memref<10000x128xf32, #tpu.memory_space<hbm>>) dst(%dma_wait3A_546 : memref<125x128xf32, #tpu.memory_space<vmem>>)
      %run_scoped3A = arith.constant 0 : i32
      %run_scoped3A_553 = arith.constant 0 : i32
      "tpu.region"() ({
        %run_scoped3A_583 = tpu.sem_alloc : memref<!tpu.dma_semaphore, #tpu.memory_space<semaphore_mem>>
        %dma_start3A_584 = arith.constant 0 : i32
        %dma_start3A_585 = arith.constant 0 : i32
        %dma_start3A_586 = tpu.memref_slice %arg8[%run_scoped3A, %dma_start3A_584, %dma_start3A_585] : memref<2x125x128xf32, #tpu.memory_space<vmem>> -> memref<1x125x128xf32, #tpu.memory_space<vmem>>
        %dma_start3A_587 = tpu.memref_squeeze %dma_start3A_586 : memref<1x125x128xf32, #tpu.memory_space<vmem>> -> memref<125x128xf32, #tpu.memory_space<vmem>>
        %dma_start3A_588 = arith.constant 0 : i32
        %dma_start3A_589 = tpu.memref_slice %arg7[%run_scoped3A_553, %add3A_540, %dma_start3A_588] : memref<2x16x125xi32, #tpu.memory_space<vmem>> -> memref<1x1x125xi32, #tpu.memory_space<vmem>>
        %dma_start3A_590 = tpu.memref_squeeze %dma_start3A_589 : memref<1x1x125xi32, #tpu.memory_space<vmem>> -> memref<125xi32, #tpu.memory_space<vmem>>
        %dma_start3A_591 = arith.constant 0 : i32
        %dma_start3A_592 = arith.constant 0 : i32
        %dma_start3A_593 = tpu.memref_slice %arg9[%dma_start3A_591, %dma_start3A_592] : memref<10000x128xf32, #tpu.memory_space<vmem_shared>> -> memref<10000x128xf32, #tpu.memory_space<vmem_shared>>
        tpu.enqueue_indirect_dma source(%dma_start3A_587 : memref<125x128xf32, #tpu.memory_space<vmem>>) target(%dma_start3A_593 : memref<10000x128xf32, #tpu.memory_space<vmem_shared>>) offsets(%dma_start3A_590 : memref<125xi32, #tpu.memory_space<vmem>>) semaphore(%run_scoped3A_583 : memref<!tpu.dma_semaphore, #tpu.memory_space<semaphore_mem>>) {add = true}
        %dma_wait3A_594 = arith.constant 0 : i32
        %dma_wait3A_595 = arith.constant 0 : i32
        %dma_wait3A_596 = tpu.memref_slice %arg8[%run_scoped3A, %dma_wait3A_594, %dma_wait3A_595] : memref<2x125x128xf32, #tpu.memory_space<vmem>> -> memref<1x125x128xf32, #tpu.memory_space<vmem>>
        %dma_wait3A_597 = tpu.memref_squeeze %dma_wait3A_596 : memref<1x125x128xf32, #tpu.memory_space<vmem>> -> memref<125x128xf32, #tpu.memory_space<vmem>>
        %dma_wait3A_598 = arith.constant 0 : i32
        %dma_wait3A_599 = tpu.memref_slice %arg7[%run_scoped3A_553, %add3A_540, %dma_wait3A_598] : memref<2x16x125xi32, #tpu.memory_space<vmem>> -> memref<1x1x125xi32, #tpu.memory_space<vmem>>
        %dma_wait3A_600 = tpu.memref_squeeze %dma_wait3A_599 : memref<1x1x125xi32, #tpu.memory_space<vmem>> -> memref<125xi32, #tpu.memory_space<vmem>>
        %dma_wait3A_601 = arith.constant 0 : i32
        %dma_wait3A_602 = arith.constant 0 : i32
        %dma_wait3A_603 = tpu.memref_slice %arg9[%dma_wait3A_601, %dma_wait3A_602] : memref<10000x128xf32, #tpu.memory_space<vmem_shared>> -> memref<10000x128xf32, #tpu.memory_space<vmem_shared>>
        tpu.wait_indirect_dma semaphore(%run_scoped3A_583 : memref<!tpu.dma_semaphore, #tpu.memory_space<semaphore_mem>>) src(%dma_wait3A_597 : memref<125x128xf32, #tpu.memory_space<vmem>>) dst(%dma_wait3A_603 : memref<10000x128xf32, #tpu.memory_space<vmem_shared>>)
        tpu.yield
      }) : () -> ()
      %add3A_554 = arith.constant 2 : i32
      %add3A_555 = arith.addi %add3A_540, %add3A_554 : i32
      %lt3A = arith.constant 16 : i32
      %lt3A_556 = arith.cmpi slt, %add3A_555, %lt3A : i32
      %convert_element_type3A_557 = arith.extui %lt3A_556 : i1 to i32
      %cond3A_558 = arith.constant 0 : i32
      %cond3A_559 = arith.cmpi ne, %convert_element_type3A_557, %cond3A_558 : i32
      scf.if %cond3A_559 {
        %add3A_583 = arith.constant 2 : i32
        %add3A_584 = arith.addi %add3A_540, %add3A_583 : i32
        %dma_start3A_585 = arith.constant 0 : i32
        %dma_start3A_586 = arith.constant 0 : i32
        %dma_start3A_587 = arith.constant 0 : i32
        %dma_start3A_588 = arith.constant 0 : i32
        %dma_start3A_589 = tpu.memref_slice %arg8[%dma_start3A_586, %dma_start3A_587, %dma_start3A_588] : memref<2x125x128xf32, #tpu.memory_space<vmem>> -> memref<1x125x128xf32, #tpu.memory_space<vmem>>
        %dma_start3A_590 = tpu.memref_squeeze %dma_start3A_589 : memref<1x125x128xf32, #tpu.memory_space<vmem>> -> memref<125x128xf32, #tpu.memory_space<vmem>>
        %dma_start3A_591 = arith.constant 0 : i32
        %dma_start3A_592 = tpu.memref_slice %arg6[%dma_start3A_585, %add3A_584, %dma_start3A_591] : memref<2x16x125xi32, #tpu.memory_space<vmem>> -> memref<1x1x125xi32, #tpu.memory_space<vmem>>
        %dma_start3A_593 = tpu.memref_squeeze %dma_start3A_592 : memref<1x1x125xi32, #tpu.memory_space<vmem>> -> memref<125xi32, #tpu.memory_space<vmem>>
        %dma_start3A_594 = arith.constant 0 : i32
        %dma_start3A_595 = arith.constant 0 : i32
        %dma_start3A_596 = tpu.memref_slice %arg2[%dma_start3A_594, %dma_start3A_595] : memref<10000x128xf32, #tpu.memory_space<hbm>> -> memref<10000x128xf32, #tpu.memory_space<hbm>>
        tpu.enqueue_indirect_dma source(%dma_start3A_596 : memref<10000x128xf32, #tpu.memory_space<hbm>>) target(%dma_start3A_590 : memref<125x128xf32, #tpu.memory_space<vmem>>) offsets(%dma_start3A_593 : memref<125xi32, #tpu.memory_space<vmem>>) semaphore(%arg10 : memref<!tpu.dma_semaphore, #tpu.memory_space<semaphore_mem>>)
      } else {
      }
      %add3A_560 = arith.constant 1 : i32
      %add3A_561 = arith.addi %mul3A_538, %add3A_560 : i32
      %dma_wait3A_562 = arith.constant 0 : i32
      %dma_wait3A_563 = arith.constant 1 : i32
      %dma_wait3A_564 = arith.constant 0 : i32
      %dma_wait3A_565 = arith.constant 0 : i32
      %dma_wait3A_566 = tpu.memref_slice %arg8[%dma_wait3A_563, %dma_wait3A_564, %dma_wait3A_565] : memref<2x125x128xf32, #tpu.memory_space<vmem>> -> memref<1x125x128xf32, #tpu.memory_space<vmem>>
      %dma_wait3A_567 = tpu.memref_squeeze %dma_wait3A_566 : memref<1x125x128xf32, #tpu.memory_space<vmem>> -> memref<125x128xf32, #tpu.memory_space<vmem>>
      %dma_wait3A_568 = arith.constant 0 : i32
      %dma_wait3A_569 = tpu.memref_slice %arg6[%dma_wait3A_562, %add3A_561, %dma_wait3A_568] : memref<2x16x125xi32, #tpu.memory_space<vmem>> -> memref<1x1x125xi32, #tpu.memory_space<vmem>>
      %dma_wait3A_570 = tpu.memref_squeeze %dma_wait3A_569 : memref<1x1x125xi32, #tpu.memory_space<vmem>> -> memref<125xi32, #tpu.memory_space<vmem>>
      %dma_wait3A_571 = arith.constant 0 : i32
      %dma_wait3A_572 = arith.constant 0 : i32
      %dma_wait3A_573 = tpu.memref_slice %arg2[%dma_wait3A_571, %dma_wait3A_572] : memref<10000x128xf32, #tpu.memory_space<hbm>> -> memref<10000x128xf32, #tpu.memory_space<hbm>>
      tpu.wait_indirect_dma semaphore(%arg11 : memref<!tpu.dma_semaphore, #tpu.memory_space<semaphore_mem>>) src(%dma_wait3A_573 : memref<10000x128xf32, #tpu.memory_space<hbm>>) dst(%dma_wait3A_567 : memref<125x128xf32, #tpu.memory_space<vmem>>)
      %run_scoped3A_574 = arith.constant 1 : i32
      %run_scoped3A_575 = arith.constant 0 : i32
      "tpu.region"() ({
        %run_scoped3A_583 = tpu.sem_alloc : memref<!tpu.dma_semaphore, #tpu.memory_space<semaphore_mem>>
        %dma_start3A_584 = arith.constant 0 : i32
        %dma_start3A_585 = arith.constant 0 : i32
        %dma_start3A_586 = tpu.memref_slice %arg8[%run_scoped3A_574, %dma_start3A_584, %dma_start3A_585] : memref<2x125x128xf32, #tpu.memory_space<vmem>> -> memref<1x125x128xf32, #tpu.memory_space<vmem>>
        %dma_start3A_587 = tpu.memref_squeeze %dma_start3A_586 : memref<1x125x128xf32, #tpu.memory_space<vmem>> -> memref<125x128xf32, #tpu.memory_space<vmem>>
        %dma_start3A_588 = arith.constant 0 : i32
        %dma_start3A_589 = tpu.memref_slice %arg7[%run_scoped3A_575, %add3A_561, %dma_start3A_588] : memref<2x16x125xi32, #tpu.memory_space<vmem>> -> memref<1x1x125xi32, #tpu.memory_space<vmem>>
        %dma_start3A_590 = tpu.memref_squeeze %dma_start3A_589 : memref<1x1x125xi32, #tpu.memory_space<vmem>> -> memref<125xi32, #tpu.memory_space<vmem>>
        %dma_start3A_591 = arith.constant 0 : i32
        %dma_start3A_592 = arith.constant 0 : i32
        %dma_start3A_593 = tpu.memref_slice %arg9[%dma_start3A_591, %dma_start3A_592] : memref<10000x128xf32, #tpu.memory_space<vmem_shared>> -> memref<10000x128xf32, #tpu.memory_space<vmem_shared>>
        tpu.enqueue_indirect_dma source(%dma_start3A_587 : memref<125x128xf32, #tpu.memory_space<vmem>>) target(%dma_start3A_593 : memref<10000x128xf32, #tpu.memory_space<vmem_shared>>) offsets(%dma_start3A_590 : memref<125xi32, #tpu.memory_space<vmem>>) semaphore(%run_scoped3A_583 : memref<!tpu.dma_semaphore, #tpu.memory_space<semaphore_mem>>) {add = true}
        %dma_wait3A_594 = arith.constant 0 : i32
        %dma_wait3A_595 = arith.constant 0 : i32
        %dma_wait3A_596 = tpu.memref_slice %arg8[%run_scoped3A_574, %dma_wait3A_594, %dma_wait3A_595] : memref<2x125x128xf32, #tpu.memory_space<vmem>> -> memref<1x125x128xf32, #tpu.memory_space<vmem>>
        %dma_wait3A_597 = tpu.memref_squeeze %dma_wait3A_596 : memref<1x125x128xf32, #tpu.memory_space<vmem>> -> memref<125x128xf32, #tpu.memory_space<vmem>>
        %dma_wait3A_598 = arith.constant 0 : i32
        %dma_wait3A_599 = tpu.memref_slice %arg7[%run_scoped3A_575, %add3A_561, %dma_wait3A_598] : memref<2x16x125xi32, #tpu.memory_space<vmem>> -> memref<1x1x125xi32, #tpu.memory_space<vmem>>
        %dma_wait3A_600 = tpu.memref_squeeze %dma_wait3A_599 : memref<1x1x125xi32, #tpu.memory_space<vmem>> -> memref<125xi32, #tpu.memory_space<vmem>>
        %dma_wait3A_601 = arith.constant 0 : i32
        %dma_wait3A_602 = arith.constant 0 : i32
        %dma_wait3A_603 = tpu.memref_slice %arg9[%dma_wait3A_601, %dma_wait3A_602] : memref<10000x128xf32, #tpu.memory_space<vmem_shared>> -> memref<10000x128xf32, #tpu.memory_space<vmem_shared>>
        tpu.wait_indirect_dma semaphore(%run_scoped3A_583 : memref<!tpu.dma_semaphore, #tpu.memory_space<semaphore_mem>>) src(%dma_wait3A_597 : memref<125x128xf32, #tpu.memory_space<vmem>>) dst(%dma_wait3A_603 : memref<10000x128xf32, #tpu.memory_space<vmem_shared>>)
        tpu.yield
      }) : () -> ()
      %add3A_576 = arith.constant 2 : i32
      %add3A_577 = arith.addi %add3A_561, %add3A_576 : i32
      %lt3A_578 = arith.constant 16 : i32
      %lt3A_579 = arith.cmpi slt, %add3A_577, %lt3A_578 : i32
      %convert_element_type3A_580 = arith.extui %lt3A_579 : i1 to i32
      %cond3A_581 = arith.constant 0 : i32
      %cond3A_582 = arith.cmpi ne, %convert_element_type3A_580, %cond3A_581 : i32
      scf.if %cond3A_582 {
        %add3A_583 = arith.constant 2 : i32
        %add3A_584 = arith.addi %add3A_561, %add3A_583 : i32
        %dma_start3A_585 = arith.constant 0 : i32
        %dma_start3A_586 = arith.constant 1 : i32
        %dma_start3A_587 = arith.constant 0 : i32
        %dma_start3A_588 = arith.constant 0 : i32
        %dma_start3A_589 = tpu.memref_slice %arg8[%dma_start3A_586, %dma_start3A_587, %dma_start3A_588] : memref<2x125x128xf32, #tpu.memory_space<vmem>> -> memref<1x125x128xf32, #tpu.memory_space<vmem>>
        %dma_start3A_590 = tpu.memref_squeeze %dma_start3A_589 : memref<1x125x128xf32, #tpu.memory_space<vmem>> -> memref<125x128xf32, #tpu.memory_space<vmem>>
        %dma_start3A_591 = arith.constant 0 : i32
        %dma_start3A_592 = tpu.memref_slice %arg6[%dma_start3A_585, %add3A_584, %dma_start3A_591] : memref<2x16x125xi32, #tpu.memory_space<vmem>> -> memref<1x1x125xi32, #tpu.memory_space<vmem>>
        %dma_start3A_593 = tpu.memref_squeeze %dma_start3A_592 : memref<1x1x125xi32, #tpu.memory_space<vmem>> -> memref<125xi32, #tpu.memory_space<vmem>>
        %dma_start3A_594 = arith.constant 0 : i32
        %dma_start3A_595 = arith.constant 0 : i32
        %dma_start3A_596 = tpu.memref_slice %arg2[%dma_start3A_594, %dma_start3A_595] : memref<10000x128xf32, #tpu.memory_space<hbm>> -> memref<10000x128xf32, #tpu.memory_space<hbm>>
        tpu.enqueue_indirect_dma source(%dma_start3A_596 : memref<10000x128xf32, #tpu.memory_space<hbm>>) target(%dma_start3A_590 : memref<125x128xf32, #tpu.memory_space<vmem>>) offsets(%dma_start3A_593 : memref<125xi32, #tpu.memory_space<vmem>>) semaphore(%arg11 : memref<!tpu.dma_semaphore, #tpu.memory_space<semaphore_mem>>)
      } else {
      }
    }
    %scan3A_529 = arith.constant 8 : i32
    %barrier3A_530 = arith.constant 0 : index
    tpu.barrier barrier_id(%barrier3A_530)
    "tpu.region"() ({
      %run_scoped3A = tpu.sem_alloc : memref<!tpu.dma_semaphore, #tpu.memory_space<semaphore_mem>>
      %dma_start3A_536 = arith.constant 0 : i32
      %dma_start3A_537 = tpu.memref_slice %arg5[%arg0, %multiple_of3A_40, %dma_start3A_536] : memref<2x10000x128xf32, #tpu.memory_space<hbm>> -> memref<1x624x128xf32, #tpu.memory_space<hbm>>
      %dma_start3A_538 = tpu.memref_squeeze %dma_start3A_537 : memref<1x624x128xf32, #tpu.memory_space<hbm>> -> memref<624x128xf32, #tpu.memory_space<hbm>>
      %dma_start3A_539 = arith.constant 0 : i32
      %dma_start3A_540 = tpu.memref_slice %arg9[%multiple_of3A_40, %dma_start3A_539] : memref<10000x128xf32, #tpu.memory_space<vmem_shared>> -> memref<624x128xf32, #tpu.memory_space<vmem_shared>>
      tpu.enqueue_dma source(%dma_start3A_540 : memref<624x128xf32, #tpu.memory_space<vmem_shared>>) target(%dma_start3A_538 : memref<624x128xf32, #tpu.memory_space<hbm>>) target_semaphore(%run_scoped3A : memref<!tpu.dma_semaphore, #tpu.memory_space<semaphore_mem>>)
      %dma_wait3A_541 = arith.constant 0 : i32
      %dma_wait3A_542 = tpu.memref_slice %arg5[%arg0, %multiple_of3A_40, %dma_wait3A_541] : memref<2x10000x128xf32, #tpu.memory_space<hbm>> -> memref<1x624x128xf32, #tpu.memory_space<hbm>>
      %dma_wait3A_543 = tpu.memref_squeeze %dma_wait3A_542 : memref<1x624x128xf32, #tpu.memory_space<hbm>> -> memref<624x128xf32, #tpu.memory_space<hbm>>
      %dma_wait3A_544 = arith.constant 0 : i32
      %dma_wait3A_545 = tpu.memref_slice %arg9[%multiple_of3A_40, %dma_wait3A_544] : memref<10000x128xf32, #tpu.memory_space<vmem_shared>> -> memref<624x128xf32, #tpu.memory_space<vmem_shared>>
      tpu.wait_dma2 semaphore(%run_scoped3A : memref<!tpu.dma_semaphore, #tpu.memory_space<semaphore_mem>>) src(%dma_wait3A_545 : memref<624x128xf32, #tpu.memory_space<vmem_shared>>) dst(%dma_wait3A_543 : memref<624x128xf32, #tpu.memory_space<hbm>>)
      tpu.yield
    }) : () -> ()
    %eq3A_531 = arith.constant 15 : i32
    %eq3A_532 = arith.cmpi eq, %arg1, %eq3A_531 : i32
    %convert_element_type3A_533 = arith.extui %eq3A_532 : i1 to i32
    %cond3A_534 = arith.constant 0 : i32
    %cond3A_535 = arith.cmpi ne, %convert_element_type3A_533, %cond3A_534 : i32
    scf.if %cond3A_535 {
      "tpu.region"() ({
        %run_scoped3A = tpu.sem_alloc : memref<!tpu.dma_semaphore, #tpu.memory_space<semaphore_mem>>
        %dma_start3A_536 = arith.constant 9984 : i32
        %dma_start3A_537 = arith.constant 0 : i32
        %dma_start3A_538 = tpu.memref_slice %arg5[%arg0, %dma_start3A_536, %dma_start3A_537] : memref<2x10000x128xf32, #tpu.memory_space<hbm>> -> memref<1x16x128xf32, #tpu.memory_space<hbm>>
        %dma_start3A_539 = tpu.memref_squeeze %dma_start3A_538 : memref<1x16x128xf32, #tpu.memory_space<hbm>> -> memref<16x128xf32, #tpu.memory_space<hbm>>
        %dma_start3A_540 = arith.constant 9984 : i32
        %dma_start3A_541 = arith.constant 0 : i32
        %dma_start3A_542 = tpu.memref_slice %arg9[%dma_start3A_540, %dma_start3A_541] : memref<10000x128xf32, #tpu.memory_space<vmem_shared>> -> memref<16x128xf32, #tpu.memory_space<vmem_shared>>
        tpu.enqueue_dma source(%dma_start3A_542 : memref<16x128xf32, #tpu.memory_space<vmem_shared>>) target(%dma_start3A_539 : memref<16x128xf32, #tpu.memory_space<hbm>>) target_semaphore(%run_scoped3A : memref<!tpu.dma_semaphore, #tpu.memory_space<semaphore_mem>>)
        %dma_wait3A_543 = arith.constant 9984 : i32
        %dma_wait3A_544 = arith.constant 0 : i32
        %dma_wait3A_545 = tpu.memref_slice %arg5[%arg0, %dma_wait3A_543, %dma_wait3A_544] : memref<2x10000x128xf32, #tpu.memory_space<hbm>> -> memref<1x16x128xf32, #tpu.memory_space<hbm>>
        %dma_wait3A_546 = tpu.memref_squeeze %dma_wait3A_545 : memref<1x16x128xf32, #tpu.memory_space<hbm>> -> memref<16x128xf32, #tpu.memory_space<hbm>>
        %dma_wait3A_547 = arith.constant 9984 : i32
        %dma_wait3A_548 = arith.constant 0 : i32
        %dma_wait3A_549 = tpu.memref_slice %arg9[%dma_wait3A_547, %dma_wait3A_548] : memref<10000x128xf32, #tpu.memory_space<vmem_shared>> -> memref<16x128xf32, #tpu.memory_space<vmem_shared>>
        tpu.wait_dma2 semaphore(%run_scoped3A : memref<!tpu.dma_semaphore, #tpu.memory_space<semaphore_mem>>) src(%dma_wait3A_549 : memref<16x128xf32, #tpu.memory_space<vmem_shared>>) dst(%dma_wait3A_546 : memref<16x128xf32, #tpu.memory_space<hbm>>)
        tpu.yield
      }) : () -> ()
    } else {
    }
    return
  }
}

</mosaic_0001>

<sc_bundles>
// kernel: _sc_segsum.3.cloned.1.call-start
scs
__scs_entry_jumppad:
0x0: {  	(pc) =	sbr.rel $0x88, $3  }
0x1: {  	(tag) =	ssettag $0x0;
	lr =	simm.s32 $0x1  }
0x2: {  	[smem:$0x3F9E] =	sst lr;
	_ =	strace $0xD0000000  }
0x3: {  	_ = 	snop  }
0x4: {  	_ = 	snop  }
0x5: {  	_ = 	snop  }
0x6: {  	_ = 	snop  }
0x7: {  	_ = 	snop  }
__scs_overlays_trampoline_lowered:
0x8: {  	[smem:$0x3FAD] =	sst s0  }
0x9: {  	[smem:$0x3FAE] =	sst s1  }
0xa: {  	[smem:$0x3FAF] =	sst s2  }
0xb: {  	[smem:$0x3FB0] =	sst s3  }
0xc: {  	[smem:$0x3FB1] =	sst s4  }
0xd: {  	[smem:$0x3FB2] =	sst s5  }
0xe: {  	[smem:$0x3FB3] =	sst s6  }
0xf: {  	[smem:$0x3FB4] =	sst s7  }
0x10: {  	[smem:$0x3FB5] =	sst s8  }
0x11: {  	[smem:$0x3FB6] =	sst s9;
	s0 =	simm.s32 @!p0 $0x0  }
0x12: {  	s1 =	sld [smem:$0x3F9C];
	s0 =	simm.s32 @p0 $0x1  }
0x13: {  	[smem:$0x3FB7] =	sst s0;
	s0 =	simm.s32 @!p1 $0x0  }
0x14: {  	s2 =	sld [smem:$0x3F9B];
	s0 =	simm.s32 @p1 $0x1  }
0x15: {  	[smem:$0x3FB8] =	sst s0;
	s0 =	simm.s32 @!p2 $0x0  }
0x16: {  	s3 =	sld [smem:$0x3FDB];
	s0 =	simm.s32 @p2 $0x1  }
0x17: {  	s4 =	simm.s32 $0x1BF5;
	[smem:$0x3FBA] =	sst s0  }
0x18: {  	s0 =	sld [smem:$0x3F9D];
	_ =	swait.ge [sflag:s4], $0x0  }
0x19: {  	s7 =	sld [smem:$0x3F9E]  }
0x1a: {  	s8 =	sadd.s32 $0xFFFFE003, lr  }
0x1b: {  	s9 =	sadd.s32 $0xFFFFFEF7, lr;
	s5 =	simm.s32 $0xFFFFFFFF;
	p2 =	slt.u32 s8, $0xFFFFF086  }
0x1c: {  	p1 =	slt.u32 s9, $0xF7A;
	s5 =	simm.s32 @!p2 $0x0  }
0x1d: {  	s5 =	simm.s32 @p1 $0x1;
	p0 =	seq.s32 s7, s2  }
0x1e: {  	s7 =	smul.u32 @!p0 $0xF7A, s2;
	p2 =	seq.s32 @!p0 s5, $0x0  }
0x1f: {  	s9 =	smul.u32 $0xF7A, s1;
	s8 =	simm.s32 @!p0 $0x1BF5;
	p2 =	por !p2, p0  }
0x20: {  	[sflag:s8] =	ssyncset.s32 @!p0 $0xFFFFF086;
	s6 =	sadd.s32 @!p0 s3, s7;
	s7 =	simm.s32 @!p0 $0x108  }
0x21: {  	s3 =	sadd.s32 s3, s9;
	s6 =	sadd.s32 @!p0 $0x88, s6;
	s7 =	simm.s32 @p2 $0x1082  }
0x22: {  	[simem:s7], [sflag:s8] =	dma.local @!p0 [hbm:s6], $0xF7A  }
0x23: {  	s9 =	sor.u32 $0xD0000000, s2;
	s6 =	simm.s32 $0x108;
	_ =	swait.ge @!p0 [sflag:s8], $0x0  }
0x24: {  	s3 =	sadd.s32 $0x88, s3;
	s6 =	simm.s32 @!p1 $0x1082;
	[sflag:s4] =	ssyncset.s32 $0xFFFFF086  }
0x25: {  	[simem:s6], [sflag:s4] =	dma.local [hbm:s3], $0xF7A  }
0x26: {  	[smem:$0x3F9E] =	sst s1;
	(tag) =	ssettag s2;
	_ =	strace s9  }
0x27: {  	s1 =	sld [smem:$0x3FAE]  }
0x28: {  	s2 =	sld [smem:$0x3FAF]  }
0x29: {  	s4 =	sld [smem:$0x3FB1]  }
0x2a: {  	p0 =	seq.s32 s5, $0x0;
	s5 =	sld [smem:$0x3FB2]  }
0x2b: {  	s6 =	sld [smem:$0x3FB3]  }
0x2c: {  	s7 =	sld [smem:$0x3FB4]  }
0x2d: {  	s3 =	simm.s32 $0x108;
	s8 =	sld [smem:$0x3FB5]  }
0x2e: {  	s3 =	simm.s32 @!p0 $0x1082;
	s9 =	sld [smem:$0x3FB6]  }
0x2f: {  	lr =	sadd.s32 s0, s3;
	s0 =	sld [smem:$0x3FAD]  }
0x30: {  	s3 =	sld [smem:$0x3FB0]  }
0x31: {  	[smem:$0x3FB9] =	sst s10  }
0x32: {  	s10 =	sld [smem:$0x3FB7];
	_ =	sdelay $0x3  }
0x33: {  	p0 =	seq.s32 s10, $0x1;
	s10 =	sld [smem:$0x3FB9];
	_ =	sdelay $0x3  }
0x34: {  	[smem:$0x3FB9] =	sst s10  }
0x35: {  	s10 =	sld [smem:$0x3FB8];
	_ =	sdelay $0x3  }
0x36: {  	p1 =	seq.s32 s10, $0x1;
	s10 =	sld [smem:$0x3FB9];
	_ =	sdelay $0x3  }
0x37: {  	[smem:$0x3FB9] =	sst s10  }
0x38: {  	s10 =	sld [smem:$0x3FBA]  }
0x39: {  	_ = 	snop;
	(pc) =	sbr.ind lr, $3  }
0x3a: {  	_ = 	snop  }
0x3b: {  	_ = 	snop  }
0x3c: {  	p2 =	seq.s32 s10, $0x1;
	s10 =	sld [smem:$0x3FB9]  }
0x3d: {  	_ =	shalt  }
0x3e: {  	_ =	shalt  }
0x3f: {  	_ =	shalt  }
0x40: {  	_ =	shalt  }
0x41: {  	_ =	shalt  }
0x42: {  	_ =	shalt  }
0x43: {  	_ =	shalt  }
0x44: {  	_ =	shalt  }
0x45: {  	_ =	shalt  }
0x46: {  	_ =	shalt  }
0x47: {  	_ =	shalt  }
0x48: {  	_ =	shalt  }
0x49: {  	_ =	shalt  }
0x4a: {  	_ =	shalt  }
0x4b: {  	_ =	shalt  }
0x4c: {  	_ =	shalt  }
0x4d: {  	_ =	shalt  }
0x4e: {  	_ =	shalt  }
0x4f: {  	_ =	shalt  }
0x50: {  	_ =	shalt  }
0x51: {  	_ =	shalt  }
0x52: {  	_ =	shalt  }
0x53: {  	_ =	shalt  }
0x54: {  	_ =	shalt  }
0x55: {  	_ =	shalt  }
0x56: {  	_ =	shalt  }
0x57: {  	_ =	shalt  }
0x58: {  	_ =	shalt  }
0x59: {  	_ =	shalt  }
0x5a: {  	_ =	shalt  }
0x5b: {  	_ =	shalt  }
0x5c: {  	_ =	shalt  }
0x5d: {  	_ =	shalt  }
0x5e: {  	_ =	shalt  }
0x5f: {  	_ =	shalt  }
0x60: {  	_ =	shalt  }
0x61: {  	_ =	shalt  }
0x62: {  	_ =	shalt  }
0x63: {  	_ =	shalt  }
0x64: {  	_ =	shalt  }
0x65: {  	_ =	shalt  }
0x66: {  	_ =	shalt  }
0x67: {  	_ =	shalt  }
0x68: {  	_ =	shalt  }
0x69: {  	_ =	shalt  }
0x6a: {  	_ =	shalt  }
0x6b: {  	_ =	shalt  }
0x6c: {  	_ =	shalt  }
0x6d: {  	_ =	shalt  }
0x6e: {  	_ =	shalt  }
0x6f: {  	_ =	shalt  }
0x70: {  	_ =	shalt  }
0x71: {  	_ =	shalt  }
0x72: {  	_ =	shalt  }
0x73: {  	_ =	shalt  }
0x74: {  	_ =	shalt  }
0x75: {  	_ =	shalt  }
0x76: {  	_ =	shalt  }
0x77: {  	_ =	shalt  }
0x78: {  	_ =	shalt  }
0x79: {  	_ =	shalt  }
0x7a: {  	_ =	shalt  }
0x7b: {  	_ =	shalt  }
0x7c: {  	_ =	shalt  }
0x7d: {  	_ =	shalt  }
0x7e: {  	_ =	shalt  }
0x7f: {  	_ =	shalt  }
0x80: {  	_ =	shalt  }
0x81: {  	_ =	shalt  }
0x82: {  	_ =	shalt  }
0x83: {  	_ =	shalt  }
0x84: {  	_ =	shalt  }
0x85: {  	_ =	shalt  }
0x86: {  	_ =	shalt  }
0x87: {  	_ =	shalt  }
.Lfunc_end0:
.L_simem_size_0:
called_computation_lowered:
.L_overlay_start_0:
0x88: {  	s2 =	sld [smem:$0x3FD9]  }
0x89: {  	s3 =	sld [smem:$0x3FFE];
	_ =	sdelay $0x1  }
0x8a: {  	s1 =	srdreg.scid  }
0x8b: {  	s0 =	sand.u32 $0x1, s1  }
0x8c: {  	s17 =	sshll.u32 s0, $0xA;
	s2 =	sadd.s32 s3, s2  }
0x8d: {  	s2 =	sadd.s32 s2, s17  }
0x8e: {  	[smem:$0x3FC5] =	sst s2  }
0x8f: {  	_ = 	snop  }
0x90: {  	s2 =	sld [smem:$0x3FC9]  }
0x91: {  	s18 =	sld [smem:$0x3FC7]  }
0x92: {  	s4 =	sld [smem:$0x3FD0];
	(tm) =	ssettm $0x1  }
0x93: {  	s5 =	sld [smem:$0x3FFB];
	_ =	sdelay $0x3  }
0x94: {  	_ =	strace s5  }
0x95: {  	s5 =	sld [smem:$0x3FFC];
	_ =	sdelay $0x3  }
0x96: {  	_ =	strace s5  }
0x97: {  	s5 =	sld [smem:$0x3FFD];
	_ =	sdelay $0x3  }
0x98: {  	_ =	strace s5  }
0x99: {  	_ =	strace $0x8FFFFFFF  }
0x9a: {  	s19 =	sld [smem:$0x3FDB];
	_ =	sdelay $0x1  }
0x9b: {  	s6 =	simm.s32 $_scs_section_size  }
0x9c: {  	s7 =	simm.s32 $_size__tile_overlayer_lowered;
	s8 =	simm.s32 $_tile_overlayer_lowered  }
0x9d: {  	s22 =	simm.s32 $0x1BFF;
	s21 =	sshll.u32 s8, $0x1;
	s5 =	sadd.s32 s6, s19  }
0x9e: {  	s9 =	simm.s32 $0x0;
	s20 =	sshll.u32 s7, $0x1;
	s7 =	sadd.s32 s21, s5  }
0x9f: {  	[timem:s9], [sflag:s22] =	dma.local [hbm:s7], s20  }
0xa0: {  	_ =	swait.ge [sflag:s22], s20  }
0xa1: {  	s6 =	ssub.s32 $0x0, s20;
	[sflag:s22] =	ssyncset.done $0x0  }
0xa2: {  	[sflag:s22] =	ssyncadd.s32 s6;
	_ =	sdelay $0x1  }
0xa3: {  	s23 =	simm.s32 $0x1B8B  }
0xa4: {  	_ =	swait.ge [sflag:s23], $0x1  }
0xa5: {  	[sflag:s23] =	ssyncset.done $0x0  }
0xa6: {  	s25 =	simm.s32 $0x1B8E;
	s24 =	sld [smem:$0x3FFE];
	[sflag:s23] =	ssyncadd.s32 $0xFFFFFFFF  }
0xa7: {  	s26 =	simm.s32 $execute0_lowered;
	[smem:$0x3FD2] =	sst s25  }
0xa8: {  	s7 =	sshll.u32 s26, $0x1;
	_ =	strace $0x80000046;
	[dreg:$0x1] =	wrdreg $0xFFFFFFFF  }
0xa9: {  	s28 =	simm.s32 $_size_execute0_lowered;
	s5 =	sadd.s32 s5, s7;
	[dreg:$0x0] =	wrdreg $0x0  }
0xaa: {  	s7 =	sshll.u32 s28, $0x1;
	[dreg:$0x2] =	wrdreg s5  }
0xab: {  	[dreg:$0x3] =	wrdreg s7  }
0xac: {  	[dreg:$0x4] =	wrdreg $0xC0  }
0xad: {  	_ =	task [dreg:s9], $0x5FFFF  }
0xae: {  	[dreg:$0x1] =	wrdreg $0xFFFFFFFF  }
0xaf: {  	[dreg:$0x0] =	wrdreg $0x60  }
0xb0: {  	[dreg:$0x2] =	wrdreg s2  }
0xb1: {  	[dreg:$0x3] =	wrdreg s24  }
0xb2: {  	[dreg:$0x4] =	wrdreg s18  }
0xb3: {  	[dreg:$0x5] =	wrdreg s4  }
0xb4: {  	[dreg:$0x6] =	wrdreg $0xA0000  }
0xb5: {  	[dreg:$0x7] =	wrdreg $0x9  }
0xb6: {  	_ =	task.clear_ibuf [dreg:s9], $0x8FFFF;
	_ =	strace $0x90000046  }
0xb7: {  	s29 =	simm.s32 $0x9;
	_ =	strace $0x80000048  }
0xb8: {  	_ =	swait.ge [sflag:s29], $0x1  }
0xb9: {  	[sflag:s29] =	ssyncadd.s32 $0xFFFFFFFF  }
0xba: {  	_ =	strace $0x90000048  }
0xbb: {  	_ =	sfence  }
0xbc: {  	s30 =	sld [smem:$0x0];
	_ =	sdelay $0x2  }
0xbd: {  	s31 =	sshll.u32 s1, $0xD;
	s1 =	sshrl.u32 s1, $0x2  }
0xbe: {  	s3 =	sand.u32 $0x4000, s31;
	s1 =	sadd.s32 s1, s30  }
0xbf: {  	s0 =	sor.u32 s3, s0;
	s1 =	sshll.u32 s1, $0x11  }
0xc0: {  	s0 =	sor.u32 s1, s0  }
0xc1: {  	s0 =	sadd.s32 $0x8F2B, s0  }
0xc2: {  	[sflag:s0] =	ssyncadd.remote.s32 $0x1  }
0xc3: {  	_ =	sfence.sel $0xFFFF  }
0xc4: {  	[dreg:$0x0] =	wrdreg $0xFFFFFFFF;
	(pc) =	sbr.abs _section_cstart, $3  }
0xc5: {  	[dreg:$0x1] =	wrdreg $0xFFFFFFFF  }
0xc6: {  	_ =	task.clear_ibuf [dreg:s9], $0x2FFFF;
	_ =	strace $0x9FFFFFFF  }
0xc7: {  	(tm) =	ssettm $0x7FFFFFFF  }
tec
execute0_lowered:
.L_overlay_start_1:
0x0: {  	(tag) =	ssettag $0x1  }
0x1: {  	s0 =	rddreg [dreg:$0x0]  }
0x2: {  	s1 =	rddreg [dreg:$0x1]  }
0x3: {  	s10 =	rddreg [dreg:$0x2]  }
0x4: {  	s3 =	rddreg [dreg:$0x3]  }
0x5: {  	s2 =	srdreg.scid;
	s4 =	rddreg [dreg:$0x4]  }
0x6: {  	s11 =	stileid.u32;
	s5 =	simm.s32 $0x0;
	s28 =	simm.s32 $0x3  }
0x7: {  	s29 =	simm.s32 $0x5;
	s30 =	simm.s32 $0xB00;
	s31 =	simm.s32 $0x1A80  }
0x8: {  	s2 =	sand.u32 $0x1, s2;
	[smem:$0x7FF] =	sst s5;
	s9 =	smul.u32 $0x4E000, s11  }
0x9: {  	s25 =	smul.u32 $0x2700, s11;
	s15 =	sadd.s32 $0x138000, s4;
	s6 =	sshll.u32 s2, $0x4  }
0xa: {  	s18 =	smul.u32 $0x13800, s11;
	p1 =	sne.s32 s11, $0xF;
	s6 =	sor.u32 s11, s6  }
0xb: {  	_ =	strace $0x80000047;
	s7 =	ssub.s32 $0x2, s2;
	s6 =	smul.u32 $0x2800, s6  }
0xc: {  	[dreg:$0x7] =	wrdreg s15;
	s8 =	sshrl.u32 s7, $0x1;
	s14 =	sadd.s32 s0, s25  }
0xd: {  	s13 =	sshrl.u32 s9, $0x2;
	[dreg:$0x6] =	wrdreg s14;
	s6 =	sshrl.u32 s6, $0x3  }
0xe: {  	s1 =	sadd.s32 s6, s1;
	s6 =	ssub.s32 s7, s8;
	s8 =	sadd.s32 s13, s4  }
0xf: {  	p2 =	seq.s32 s11, $0xF;
	s7 =	sadd.s32 s10, s25;
	[dreg:$0xd] =	wrdreg s8  }
0x10: {  	p0 =	seq.s32 s2, $0x1;
	s26 =	sadd.s32 $0x400, s1;
	[dreg:$0x8] =	wrdreg s7  }
0x11: {  	s2 =	smul.u32 $0x138800, s2;
	s12 =	sadd.s32 $0xA400, s1;
	[dreg:$0xa] =	wrdreg s26  }
0x12: {  	s15 =	simm.s32 $0x900;
	s16 =	sadd.s32 $0x500, s1;
	[dreg:$0xc] =	wrdreg s12  }
0x13: {  	s9 =	simm.s32 $0x6000;
	s17 =	sadd.s32 $0xA500, s1;
	[dreg:$0xe] =	wrdreg s16  }
0x14: {  	s14 =	simm.s32 $0xB80;
	s19 =	sadd.s32 $0x600, s1;
	[dreg:$0xf] =	wrdreg s17  }
0x15: {  	s10 =	simm.s32 $0x880;
	s20 =	sadd.s32 $0xA600, s1;
	[dreg:$0x10] =	wrdreg s19  }
0x16: {  	s21 =	sadd.s32 $0x700, s1;
	s22 =	sadd.s32 $0xA700, s1;
	[dreg:$0x11] =	wrdreg s20  }
0x17: {  	s7 =	sadd.s32 s18, s2;
	s2 =	sshrl.u32 s2, $0x3;
	[dreg:$0x12] =	wrdreg s21  }
0x18: {  	s23 =	sadd.s32 $0x800, s1;
	s1 =	sadd.s32 $0xA800, s1;
	[dreg:$0x13] =	wrdreg s22  }
0x19: {  	s18 =	simm.s32 $0x1900;
	[dreg:$0x14] =	wrdreg s23;
	s7 =	sshrl.u32 s7, $0x3  }
0x1a: {  	s2 =	sadd.s32 s3, s2;
	[dreg:$0x15] =	wrdreg s1;
	s22 =	smax.u32 s6, $0x1  }
0x1b: {  	s23 =	simm.s32 $0x1000;
	s26 =	sshll.u32 s11, $0x6;
	s11 =	simm.s32 $0x1  }
0x1c: {  	s16 =	simm.s32 $0x1880;
	s17 =	simm.s32 $0x980;
	s20 =	simm.s32 $0xA00  }
.Ltmp0:
0x1d: {  	s21 =	simm.s32 $0x1980;
	s24 =	sadd.s32 s3, s7;
	(pc) =	sbr.rel .LBB2_1-.Ltmp0, $4  }
0x1e: {  	s25 =	sadd.s32 $0x27000, s2;
	[dreg:$0x9] =	wrdreg s26;
	s1 =	sor.u32 $0x1C07, s26  }
0x1f: {  	s26 =	simm.s32 $0x7;
	s2 =	simm.s32 $0x7D;
	[dreg:$0x16] =	wrdreg s24  }
0x20: {  	s3 =	simm.s32 $0x2000;
	s7 =	simm.s32 $0x2;
	[dreg:$0x17] =	wrdreg s25  }
0x21: {  	[dreg:$0xb] =	wrdreg s1;
	s24 =	simm.s32 $0xA80;
	s25 =	simm.s32 $0x1A00  }
.LBB2_4:
0x22: {  	s13 =	rddreg [dreg:$0x7]  }
0x23: {  	s12 =	sadd.s32 $0x27000, s12;
	s13 =	sshrl.u32 s13, $0x3  }
0x24: {  	[spmem:s13], [sflag:s8] =	dma.local [hbm:s12], $0x100  }
0x25: {  	_ =	swait.ge [sflag:s26], $0x100  }
0x26: {  	[sflag:s26] =	ssyncset.done $0x0  }
0x27: {  	s23 =	simm.s32 $0x1000;
	[sflag:s26] =	ssyncadd.s32 $0xFFFFFF00  }
.LBB2_5:
0x28: {  	[bflag:$0x0] =	sbarrier.arrive $0xFFFF  }
0x29: {  	_ =	swait.ge [sflag:s28], $0x800  }
0x2a: {  	[sflag:s28] =	ssyncset.done $0x0  }
0x2b: {  	[sflag:s28] =	ssyncadd.s32 $0xFFFFF800  }
0x2c: {  	_ =	swait.ge [sflag:s29], $0x800  }
0x2d: {  	[sflag:s29] =	ssyncset.done $0x0  }
0x2e: {  	s8 =	simm.s32 $0x800;
	s12 =	rddreg [dreg:$0xe];
	[sflag:s29] =	ssyncadd.s32 $0xFFFFF800  }
0x2f: {  	[tilespmem:s8], [sflag:$0x4] =	stream.linear.gather [hbm4b:s12+s5], $0x800, $0x38;
	[tilespmem:$0x1D880] =	vst v63  }
0x30: {  	s13 =	rddreg [dreg:$0xf];
	s12 =	simm.s32 $0x1800  }
0x31: {  	[tilespmem:s12], [sflag:$0x6] =	stream.linear.gather [hbm4b:s13+s5], $0x800, $0x38;
	[tilespmem:$0x1D880] =	vst v63  }
0x32: {  	_ = 	snop  }
0x33: {  	[tilespmem:s3], [sflag:$0x1] =	stream.indirect.gather [hbm4b:s0+s2], $0x80, s5, s2, $0xb8;
	[tilespmem:$0x1D880] =	vst v63  }
0x34: {  	s1 =	simm.s32 $0x80  }
0x35: {  	[tilespmem:s9], [sflag:$0x2] =	stream.indirect.gather [hbm4b:s0+s2], $0x80, s1, s2, $0xb8;
	[tilespmem:$0x1D880] =	vst v63  }
0x36: {  	_ =	swait.ge [sflag:s11], $0x3E80  }
0x37: {  	[sflag:s11] =	ssyncset.done $0x0  }
0x38: {  	[sflag:s11] =	ssyncadd.s32 $0xFFFFC180  }
0x39: {  	[spmem:s4] =	stream.indirect.scatter.add.f32 [tilespmem:s3], [sflag:$0x7], $0x80, s23, s2, $0xb8;
	[tilespmem:$0x1D880] =	vst v63  }
0x3a: {  	_ =	swait.ge [sflag:s26], $0x3E80  }
0x3b: {  	[sflag:s26] =	ssyncset.done $0x0  }
0x3c: {  	s19 =	simm.s32 $0x100;
	[sflag:s26] =	ssyncadd.s32 $0xFFFFC180  }
0x3d: {  	[tilespmem:s3], [sflag:$0x1] =	stream.indirect.gather [hbm4b:s0+s2], $0x80, s19, s2, $0xb8;
	[tilespmem:$0x1D880] =	vst v63  }
0x3e: {  	_ =	swait.ge [sflag:s7], $0x3E80  }
0x3f: {  	[sflag:s7] =	ssyncset.done $0x0  }
0x40: {  	s6 =	simm.s32 $0x1080;
	[sflag:s7] =	ssyncadd.s32 $0xFFFFC180  }
0x41: {  	[spmem:s4] =	stream.indirect.scatter.add.f32 [tilespmem:s9], [sflag:$0x7], $0x80, s6, s2, $0xb8;
	[tilespmem:$0x1D880] =	vst v63  }
0x42: {  	_ =	swait.ge [sflag:s26], $0x3E80  }
0x43: {  	[sflag:s26] =	ssyncset.done $0x0  }
0x44: {  	s13 =	simm.s32 $0x180;
	[sflag:s26] =	ssyncadd.s32 $0xFFFFC180  }
0x45: {  	[tilespmem:s9], [sflag:$0x2] =	stream.indirect.gather [hbm4b:s0+s2], $0x80, s13, s2, $0xb8;
	[tilespmem:$0x1D880] =	vst v63  }
0x46: {  	_ =	swait.ge [sflag:s11], $0x3E80  }
0x47: {  	[sflag:s11] =	ssyncset.done $0x0  }
0x48: {  	s19 =	simm.s32 $0x1100;
	[sflag:s11] =	ssyncadd.s32 $0xFFFFC180  }
0x49: {  	[spmem:s4] =	stream.indirect.scatter.add.f32 [tilespmem:s3], [sflag:$0x7], $0x80, s19, s2, $0xb8;
	[tilespmem:$0x1D880] =	vst v63  }
0x4a: {  	_ =	swait.ge [sflag:s26], $0x3E80  }
0x4b: {  	[sflag:s26] =	ssyncset.done $0x0  }
0x4c: {  	s6 =	simm.s32 $0x200;
	[sflag:s26] =	ssyncadd.s32 $0xFFFFC180  }
0x4d: {  	[tilespmem:s3], [sflag:$0x1] =	stream.indirect.gather [hbm4b:s0+s2], $0x80, s6, s2, $0xb8;
	[tilespmem:$0x1D880] =	vst v63  }
0x4e: {  	_ =	swait.ge [sflag:s7], $0x3E80  }
0x4f: {  	[sflag:s7] =	ssyncset.done $0x0  }
0x50: {  	s13 =	simm.s32 $0x1180;
	[sflag:s7] =	ssyncadd.s32 $0xFFFFC180  }
0x51: {  	[spmem:s4] =	stream.indirect.scatter.add.f32 [tilespmem:s9], [sflag:$0x7], $0x80, s13, s2, $0xb8;
	[tilespmem:$0x1D880] =	vst v63  }
0x52: {  	_ =	swait.ge [sflag:s26], $0x3E80  }
0x53: {  	[sflag:s26] =	ssyncset.done $0x0  }
0x54: {  	s19 =	simm.s32 $0x280;
	[sflag:s26] =	ssyncadd.s32 $0xFFFFC180  }
0x55: {  	[tilespmem:s9], [sflag:$0x2] =	stream.indirect.gather [hbm4b:s0+s2], $0x80, s19, s2, $0xb8;
	[tilespmem:$0x1D880] =	vst v63  }
0x56: {  	_ =	swait.ge [sflag:s11], $0x3E80  }
0x57: {  	[sflag:s11] =	ssyncset.done $0x0  }
0x58: {  	s6 =	simm.s32 $0x1200;
	[sflag:s11] =	ssyncadd.s32 $0xFFFFC180  }
0x59: {  	[spmem:s4] =	stream.indirect.scatter.add.f32 [tilespmem:s3], [sflag:$0x7], $0x80, s6, s2, $0xb8;
	[tilespmem:$0x1D880] =	vst v63  }
0x5a: {  	_ =	swait.ge [sflag:s26], $0x3E80  }
0x5b: {  	[sflag:s26] =	ssyncset.done $0x0  }
0x5c: {  	s13 =	simm.s32 $0x300;
	[sflag:s26] =	ssyncadd.s32 $0xFFFFC180  }
0x5d: {  	[tilespmem:s3], [sflag:$0x1] =	stream.indirect.gather [hbm4b:s0+s2], $0x80, s13, s2, $0xb8;
	[tilespmem:$0x1D880] =	vst v63  }
0x5e: {  	_ =	swait.ge [sflag:s7], $0x3E80  }
0x5f: {  	[sflag:s7] =	ssyncset.done $0x0  }
0x60: {  	s19 =	simm.s32 $0x1280;
	[sflag:s7] =	ssyncadd.s32 $0xFFFFC180  }
0x61: {  	[spmem:s4] =	stream.indirect.scatter.add.f32 [tilespmem:s9], [sflag:$0x7], $0x80, s19, s2, $0xb8;
	[tilespmem:$0x1D880] =	vst v63  }
0x62: {  	_ =	swait.ge [sflag:s26], $0x3E80  }
0x63: {  	[sflag:s26] =	ssyncset.done $0x0  }
0x64: {  	s6 =	simm.s32 $0x380;
	[sflag:s26] =	ssyncadd.s32 $0xFFFFC180  }
0x65: {  	[tilespmem:s9], [sflag:$0x2] =	stream.indirect.gather [hbm4b:s0+s2], $0x80, s6, s2, $0xb8;
	[tilespmem:$0x1D880] =	vst v63  }
0x66: {  	_ =	swait.ge [sflag:s11], $0x3E80  }
0x67: {  	[sflag:s11] =	ssyncset.done $0x0  }
0x68: {  	s13 =	simm.s32 $0x1300;
	[sflag:s11] =	ssyncadd.s32 $0xFFFFC180  }
0x69: {  	[spmem:s4] =	stream.indirect.scatter.add.f32 [tilespmem:s3], [sflag:$0x7], $0x80, s13, s2, $0xb8;
	[tilespmem:$0x1D880] =	vst v63  }
0x6a: {  	_ =	swait.ge [sflag:s26], $0x3E80  }
0x6b: {  	[sflag:s26] =	ssyncset.done $0x0  }
0x6c: {  	s19 =	simm.s32 $0x400;
	[sflag:s26] =	ssyncadd.s32 $0xFFFFC180  }
0x6d: {  	[tilespmem:s3], [sflag:$0x1] =	stream.indirect.gather [hbm4b:s0+s2], $0x80, s19, s2, $0xb8;
	[tilespmem:$0x1D880] =	vst v63  }
0x6e: {  	_ =	swait.ge [sflag:s7], $0x3E80  }
0x6f: {  	[sflag:s7] =	ssyncset.done $0x0  }
0x70: {  	s6 =	simm.s32 $0x1380;
	[sflag:s7] =	ssyncadd.s32 $0xFFFFC180  }
0x71: {  	[spmem:s4] =	stream.indirect.scatter.add.f32 [tilespmem:s9], [sflag:$0x7], $0x80, s6, s2, $0xb8;
	[tilespmem:$0x1D880] =	vst v63  }
0x72: {  	_ =	swait.ge [sflag:s26], $0x3E80  }
0x73: {  	[sflag:s26] =	ssyncset.done $0x0  }
0x74: {  	s13 =	simm.s32 $0x480;
	[sflag:s26] =	ssyncadd.s32 $0xFFFFC180  }
0x75: {  	[tilespmem:s9], [sflag:$0x2] =	stream.indirect.gather [hbm4b:s0+s2], $0x80, s13, s2, $0xb8;
	[tilespmem:$0x1D880] =	vst v63  }
0x76: {  	_ =	swait.ge [sflag:s11], $0x3E80  }
0x77: {  	[sflag:s11] =	ssyncset.done $0x0  }
0x78: {  	s19 =	simm.s32 $0x1400;
	[sflag:s11] =	ssyncadd.s32 $0xFFFFC180  }
0x79: {  	[spmem:s4] =	stream.indirect.scatter.add.f32 [tilespmem:s3], [sflag:$0x7], $0x80, s19, s2, $0xb8;
	[tilespmem:$0x1D880] =	vst v63  }
0x7a: {  	_ =	swait.ge [sflag:s26], $0x3E80  }
0x7b: {  	[sflag:s26] =	ssyncset.done $0x0  }
0x7c: {  	s6 =	simm.s32 $0x500;
	[sflag:s26] =	ssyncadd.s32 $0xFFFFC180  }
0x7d: {  	[tilespmem:s3], [sflag:$0x1] =	stream.indirect.gather [hbm4b:s0+s2], $0x80, s6, s2, $0xb8;
	[tilespmem:$0x1D880] =	vst v63  }
0x7e: {  	_ =	swait.ge [sflag:s7], $0x3E80  }
0x7f: {  	[sflag:s7] =	ssyncset.done $0x0  }
0x80: {  	s13 =	simm.s32 $0x1480;
	[sflag:s7] =	ssyncadd.s32 $0xFFFFC180  }
0x81: {  	[spmem:s4] =	stream.indirect.scatter.add.f32 [tilespmem:s9], [sflag:$0x7], $0x80, s13, s2, $0xb8;
	[tilespmem:$0x1D880] =	vst v63  }
0x82: {  	_ =	swait.ge [sflag:s26], $0x3E80  }
0x83: {  	[sflag:s26] =	ssyncset.done $0x0  }
0x84: {  	s19 =	simm.s32 $0x580;
	[sflag:s26] =	ssyncadd.s32 $0xFFFFC180  }
0x85: {  	[tilespmem:s9], [sflag:$0x2] =	stream.indirect.gather [hbm4b:s0+s2], $0x80, s19, s2, $0xb8;
	[tilespmem:$0x1D880] =	vst v63  }
0x86: {  	_ =	swait.ge [sflag:s11], $0x3E80  }
0x87: {  	[sflag:s11] =	ssyncset.done $0x0  }
0x88: {  	s6 =	simm.s32 $0x1500;
	[sflag:s11] =	ssyncadd.s32 $0xFFFFC180  }
0x89: {  	[spmem:s4] =	stream.indirect.scatter.add.f32 [tilespmem:s3], [sflag:$0x7], $0x80, s6, s2, $0xb8;
	[tilespmem:$0x1D880] =	vst v63  }
0x8a: {  	_ =	swait.ge [sflag:s26], $0x3E80  }
0x8b: {  	[sflag:s26] =	ssyncset.done $0x0  }
0x8c: {  	s13 =	simm.s32 $0x600;
	[sflag:s26] =	ssyncadd.s32 $0xFFFFC180  }
0x8d: {  	[tilespmem:s3], [sflag:$0x1] =	stream.indirect.gather [hbm4b:s0+s2], $0x80, s13, s2, $0xb8;
	[tilespmem:$0x1D880] =	vst v63  }
0x8e: {  	_ =	swait.ge [sflag:s7], $0x3E80  }
0x8f: {  	[sflag:s7] =	ssyncset.done $0x0  }
0x90: {  	s19 =	simm.s32 $0x1580;
	[sflag:s7] =	ssyncadd.s32 $0xFFFFC180  }
0x91: {  	[spmem:s4] =	stream.indirect.scatter.add.f32 [tilespmem:s9], [sflag:$0x7], $0x80, s19, s2, $0xb8;
	[tilespmem:$0x1D880] =	vst v63  }
0x92: {  	_ =	swait.ge [sflag:s26], $0x3E80  }
0x93: {  	[sflag:s26] =	ssyncset.done $0x0  }
0x94: {  	s6 =	simm.s32 $0x680;
	[sflag:s26] =	ssyncadd.s32 $0xFFFFC180  }
0x95: {  	[tilespmem:s9], [sflag:$0x2] =	stream.indirect.gather [hbm4b:s0+s2], $0x80, s6, s2, $0xb8;
	[tilespmem:$0x1D880] =	vst v63  }
0x96: {  	_ =	swait.ge [sflag:s11], $0x3E80  }
0x97: {  	[sflag:s11] =	ssyncset.done $0x0  }
0x98: {  	s13 =	simm.s32 $0x1600;
	[sflag:s11] =	ssyncadd.s32 $0xFFFFC180  }
0x99: {  	[spmem:s4] =	stream.indirect.scatter.add.f32 [tilespmem:s3], [sflag:$0x7], $0x80, s13, s2, $0xb8;
	[tilespmem:$0x1D880] =	vst v63  }
0x9a: {  	_ =	swait.ge [sflag:s26], $0x3E80  }
0x9b: {  	[sflag:s26] =	ssyncset.done $0x0  }
0x9c: {  	s19 =	simm.s32 $0x700;
	[sflag:s26] =	ssyncadd.s32 $0xFFFFC180  }
0x9d: {  	[tilespmem:s3], [sflag:$0x1] =	stream.indirect.gather [hbm4b:s0+s2], $0x80, s19, s2, $0xb8;
	[tilespmem:$0x1D880] =	vst v63  }
0x9e: {  	_ =	swait.ge [sflag:s7], $0x3E80  }
0x9f: {  	[sflag:s7] =	ssyncset.done $0x0  }
0xa0: {  	s6 =	simm.s32 $0x1680;
	[sflag:s7] =	ssyncadd.s32 $0xFFFFC180  }
0xa1: {  	[spmem:s4] =	stream.indirect.scatter.add.f32 [tilespmem:s9], [sflag:$0x7], $0x80, s6, s2, $0xb8;
	[tilespmem:$0x1D880] =	vst v63  }
0xa2: {  	_ =	swait.ge [sflag:s26], $0x3E80  }
0xa3: {  	[sflag:s26] =	ssyncset.done $0x0  }
0xa4: {  	s13 =	simm.s32 $0x780;
	[sflag:s26] =	ssyncadd.s32 $0xFFFFC180  }
0xa5: {  	[tilespmem:s9], [sflag:$0x2] =	stream.indirect.gather [hbm4b:s0+s2], $0x80, s13, s2, $0xb8;
	[tilespmem:$0x1D880] =	vst v63  }
0xa6: {  	_ =	swait.ge [sflag:s11], $0x3E80  }
0xa7: {  	[sflag:s11] =	ssyncset.done $0x0  }
0xa8: {  	s19 =	simm.s32 $0x1700;
	[sflag:s11] =	ssyncadd.s32 $0xFFFFC180  }
0xa9: {  	[spmem:s4] =	stream.indirect.scatter.add.f32 [tilespmem:s3], [sflag:$0x7], $0x80, s19, s2, $0xb8;
	[tilespmem:$0x1D880] =	vst v63  }
0xaa: {  	_ =	swait.ge [sflag:s26], $0x3E80  }
0xab: {  	[sflag:s26] =	ssyncset.done $0x0  }
0xac: {  	[sflag:s26] =	ssyncadd.s32 $0xFFFFC180  }
0xad: {  	_ =	swait.ge [sflag:s7], $0x3E80  }
0xae: {  	[sflag:s7] =	ssyncset.done $0x0  }
0xaf: {  	s6 =	simm.s32 $0x1780;
	[sflag:s7] =	ssyncadd.s32 $0xFFFFC180  }
0xb0: {  	[spmem:s4] =	stream.indirect.scatter.add.f32 [tilespmem:s9], [sflag:$0x7], $0x80, s6, s2, $0xb8;
	[tilespmem:$0x1D880] =	vst v63  }
0xb1: {  	_ =	swait.ge [sflag:s26], $0x3E80  }
0xb2: {  	[sflag:s26] =	ssyncset.done $0x0  }
0xb3: {  	s1 =	simm.s32 $0x4;
	[sflag:s26] =	ssyncadd.s32 $0xFFFFC180  }
0xb4: {  	_ =	swait.ge [sflag:s1], $0x800  }
0xb5: {  	[sflag:s1] =	ssyncset.done $0x0  }
0xb6: {  	s6 =	simm.s32 $0x6;
	[sflag:s1] =	ssyncadd.s32 $0xFFFFF800  }
0xb7: {  	_ =	swait.ge [sflag:s6], $0x800  }
0xb8: {  	[sflag:s6] =	ssyncset.done $0x0  }
0xb9: {  	s19 =	rddreg [dreg:$0x10];
	[sflag:s6] =	ssyncadd.s32 $0xFFFFF800  }
0xba: {  	[tilespmem:s5], [sflag:$0x3] =	stream.linear.gather [hbm4b:s19+s5], $0x800, $0x38;
	[tilespmem:$0x1D880] =	vst v63  }
0xbb: {  	s13 =	rddreg [dreg:$0x11]  }
0xbc: {  	[tilespmem:s23], [sflag:$0x5] =	stream.linear.gather [hbm4b:s13+s5], $0x800, $0x38;
	[tilespmem:$0x1D880] =	vst v63  }
0xbd: {  	_ = 	snop  }
0xbe: {  	[tilespmem:s3], [sflag:$0x1] =	stream.indirect.gather [hbm4b:s0+s2], $0x80, s8, s2, $0xb8;
	[tilespmem:$0x1D880] =	vst v63  }
0xbf: {  	_ = 	snop  }
0xc0: {  	[tilespmem:s9], [sflag:$0x2] =	stream.indirect.gather [hbm4b:s0+s2], $0x80, s10, s2, $0xb8;
	[tilespmem:$0x1D880] =	vst v63  }
0xc1: {  	_ =	swait.ge [sflag:s11], $0x3E80  }
0xc2: {  	[sflag:s11] =	ssyncset.done $0x0  }
0xc3: {  	[sflag:s11] =	ssyncadd.s32 $0xFFFFC180  }
0xc4: {  	[spmem:s4] =	stream.indirect.scatter.add.f32 [tilespmem:s3], [sflag:$0x7], $0x80, s12, s2, $0xb8;
	[tilespmem:$0x1D880] =	vst v63  }
0xc5: {  	_ =	swait.ge [sflag:s26], $0x3E80  }
0xc6: {  	[sflag:s26] =	ssyncset.done $0x0  }
0xc7: {  	[sflag:s26] =	ssyncadd.s32 $0xFFFFC180  }
0xc8: {  	[tilespmem:s3], [sflag:$0x1] =	stream.indirect.gather [hbm4b:s0+s2], $0x80, s15, s2, $0xb8;
	[tilespmem:$0x1D880] =	vst v63  }
0xc9: {  	_ =	swait.ge [sflag:s7], $0x3E80  }
0xca: {  	[sflag:s7] =	ssyncset.done $0x0  }
0xcb: {  	[sflag:s7] =	ssyncadd.s32 $0xFFFFC180  }
0xcc: {  	[spmem:s4] =	stream.indirect.scatter.add.f32 [tilespmem:s9], [sflag:$0x7], $0x80, s16, s2, $0xb8;
	[tilespmem:$0x1D880] =	vst v63  }
0xcd: {  	_ =	swait.ge [sflag:s26], $0x3E80  }
0xce: {  	[sflag:s26] =	ssyncset.done $0x0  }
0xcf: {  	[sflag:s26] =	ssyncadd.s32 $0xFFFFC180  }
0xd0: {  	[tilespmem:s9], [sflag:$0x2] =	stream.indirect.gather [hbm4b:s0+s2], $0x80, s17, s2, $0xb8;
	[tilespmem:$0x1D880] =	vst v63  }
0xd1: {  	_ =	swait.ge [sflag:s11], $0x3E80  }
0xd2: {  	[sflag:s11] =	ssyncset.done $0x0  }
0xd3: {  	[sflag:s11] =	ssyncadd.s32 $0xFFFFC180  }
0xd4: {  	[spmem:s4] =	stream.indirect.scatter.add.f32 [tilespmem:s3], [sflag:$0x7], $0x80, s18, s2, $0xb8;
	[tilespmem:$0x1D880] =	vst v63  }
0xd5: {  	_ =	swait.ge [sflag:s26], $0x3E80  }
0xd6: {  	[sflag:s26] =	ssyncset.done $0x0  }
0xd7: {  	[sflag:s26] =	ssyncadd.s32 $0xFFFFC180  }
0xd8: {  	[tilespmem:s3], [sflag:$0x1] =	stream.indirect.gather [hbm4b:s0+s2], $0x80, s20, s2, $0xb8;
	[tilespmem:$0x1D880] =	vst v63  }
0xd9: {  	_ =	swait.ge [sflag:s7], $0x3E80  }
0xda: {  	[sflag:s7] =	ssyncset.done $0x0  }
0xdb: {  	[sflag:s7] =	ssyncadd.s32 $0xFFFFC180  }
0xdc: {  	[spmem:s4] =	stream.indirect.scatter.add.f32 [tilespmem:s9], [sflag:$0x7], $0x80, s21, s2, $0xb8;
	[tilespmem:$0x1D880] =	vst v63  }
0xdd: {  	_ =	swait.ge [sflag:s26], $0x3E80  }
0xde: {  	[sflag:s26] =	ssyncset.done $0x0  }
0xdf: {  	[sflag:s26] =	ssyncadd.s32 $0xFFFFC180  }
0xe0: {  	[tilespmem:s9], [sflag:$0x2] =	stream.indirect.gather [hbm4b:s0+s2], $0x80, s24, s2, $0xb8;
	[tilespmem:$0x1D880] =	vst v63  }
0xe1: {  	_ =	swait.ge [sflag:s11], $0x3E80  }
0xe2: {  	[sflag:s11] =	ssyncset.done $0x0  }
0xe3: {  	[sflag:s11] =	ssyncadd.s32 $0xFFFFC180  }
0xe4: {  	[spmem:s4] =	stream.indirect.scatter.add.f32 [tilespmem:s3], [sflag:$0x7], $0x80, s25, s2, $0xb8;
	[tilespmem:$0x1D880] =	vst v63  }
0xe5: {  	_ =	swait.ge [sflag:s26], $0x3E80  }
0xe6: {  	[sflag:s26] =	ssyncset.done $0x0  }
0xe7: {  	[sflag:s26] =	ssyncadd.s32 $0xFFFFC180  }
0xe8: {  	[tilespmem:s3], [sflag:$0x1] =	stream.indirect.gather [hbm4b:s0+s2], $0x80, s30, s2, $0xb8;
	[tilespmem:$0x1D880] =	vst v63  }
0xe9: {  	_ =	swait.ge [sflag:s7], $0x3E80  }
0xea: {  	[sflag:s7] =	ssyncset.done $0x0  }
0xeb: {  	[sflag:s7] =	ssyncadd.s32 $0xFFFFC180  }
0xec: {  	[spmem:s4] =	stream.indirect.scatter.add.f32 [tilespmem:s9], [sflag:$0x7], $0x80, s31, s2, $0xb8;
	[tilespmem:$0x1D880] =	vst v63  }
0xed: {  	_ =	swait.ge [sflag:s26], $0x3E80  }
0xee: {  	[sflag:s26] =	ssyncset.done $0x0  }
0xef: {  	[sflag:s26] =	ssyncadd.s32 $0xFFFFC180  }
0xf0: {  	[tilespmem:s9], [sflag:$0x2] =	stream.indirect.gather [hbm4b:s0+s2], $0x80, s14, s2, $0xb8;
	[tilespmem:$0x1D880] =	vst v63  }
0xf1: {  	_ =	swait.ge [sflag:s11], $0x3E80  }
0xf2: {  	[sflag:s11] =	ssyncset.done $0x0  }
0xf3: {  	s13 =	simm.s32 $0x1B00;
	[sflag:s11] =	ssyncadd.s32 $0xFFFFC180  }
0xf4: {  	[spmem:s4] =	stream.indirect.scatter.add.f32 [tilespmem:s3], [sflag:$0x7], $0x80, s13, s2, $0xb8;
	[tilespmem:$0x1D880] =	vst v63  }
0xf5: {  	_ =	swait.ge [sflag:s26], $0x3E80  }
0xf6: {  	[sflag:s26] =	ssyncset.done $0x0  }
0xf7: {  	s19 =	simm.s32 $0xC00;
	[sflag:s26] =	ssyncadd.s32 $0xFFFFC180  }
0xf8: {  	[tilespmem:s3], [sflag:$0x1] =	stream.indirect.gather [hbm4b:s0+s2], $0x80, s19, s2, $0xb8;
	[tilespmem:$0x1D880] =	vst v63  }
0xf9: {  	_ =	swait.ge [sflag:s7], $0x3E80  }
0xfa: {  	[sflag:s7] =	ssyncset.done $0x0  }
0xfb: {  	s19 =	simm.s32 $0x1B80;
	[sflag:s7] =	ssyncadd.s32 $0xFFFFC180  }
0xfc: {  	[spmem:s4] =	stream.indirect.scatter.add.f32 [tilespmem:s9], [sflag:$0x7], $0x80, s19, s2, $0xb8;
	[tilespmem:$0x1D880] =	vst v63  }
0xfd: {  	_ =	swait.ge [sflag:s26], $0x3E80  }
0xfe: {  	[sflag:s26] =	ssyncset.done $0x0  }
0xff: {  	s19 =	simm.s32 $0xC80;
	[sflag:s26] =	ssyncadd.s32 $0xFFFFC180  }
0x100: {  	[tilespmem:s9], [sflag:$0x2] =	stream.indirect.gather [hbm4b:s0+s2], $0x80, s19, s2, $0xb8;
	[tilespmem:$0x1D880] =	vst v63  }
0x101: {  	_ =	swait.ge [sflag:s11], $0x3E80  }
0x102: {  	[sflag:s11] =	ssyncset.done $0x0  }
0x103: {  	s19 =	simm.s32 $0x1C00;
	[sflag:s11] =	ssyncadd.s32 $0xFFFFC180  }
0x104: {  	[spmem:s4] =	stream.indirect.scatter.add.f32 [tilespmem:s3], [sflag:$0x7], $0x80, s19, s2, $0xb8;
	[tilespmem:$0x1D880] =	vst v63  }
0x105: {  	_ =	swait.ge [sflag:s26], $0x3E80  }
0x106: {  	[sflag:s26] =	ssyncset.done $0x0  }
0x107: {  	s19 =	simm.s32 $0xD00;
	[sflag:s26] =	ssyncadd.s32 $0xFFFFC180  }
0x108: {  	[tilespmem:s3], [sflag:$0x1] =	stream.indirect.gather [hbm4b:s0+s2], $0x80, s19, s2, $0xb8;
	[tilespmem:$0x1D880] =	vst v63  }
0x109: {  	_ =	swait.ge [sflag:s7], $0x3E80  }
0x10a: {  	[sflag:s7] =	ssyncset.done $0x0  }
0x10b: {  	s19 =	simm.s32 $0x1C80;
	[sflag:s7] =	ssyncadd.s32 $0xFFFFC180  }
0x10c: {  	[spmem:s4] =	stream.indirect.scatter.add.f32 [tilespmem:s9], [sflag:$0x7], $0x80, s19, s2, $0xb8;
	[tilespmem:$0x1D880] =	vst v63  }
0x10d: {  	_ =	swait.ge [sflag:s26], $0x3E80  }
0x10e: {  	[sflag:s26] =	ssyncset.done $0x0  }
0x10f: {  	s19 =	simm.s32 $0xD80;
	[sflag:s26] =	ssyncadd.s32 $0xFFFFC180  }
0x110: {  	[tilespmem:s9], [sflag:$0x2] =	stream.indirect.gather [hbm4b:s0+s2], $0x80, s19, s2, $0xb8;
	[tilespmem:$0x1D880] =	vst v63  }
0x111: {  	_ =	swait.ge [sflag:s11], $0x3E80  }
0x112: {  	[sflag:s11] =	ssyncset.done $0x0  }
0x113: {  	s19 =	simm.s32 $0x1D00;
	[sflag:s11] =	ssyncadd.s32 $0xFFFFC180  }
0x114: {  	[spmem:s4] =	stream.indirect.scatter.add.f32 [tilespmem:s3], [sflag:$0x7], $0x80, s19, s2, $0xb8;
	[tilespmem:$0x1D880] =	vst v63  }
0x115: {  	_ =	swait.ge [sflag:s26], $0x3E80  }
0x116: {  	[sflag:s26] =	ssyncset.done $0x0  }
0x117: {  	s19 =	simm.s32 $0xE00;
	[sflag:s26] =	ssyncadd.s32 $0xFFFFC180  }
0x118: {  	[tilespmem:s3], [sflag:$0x1] =	stream.indirect.gather [hbm4b:s0+s2], $0x80, s19, s2, $0xb8;
	[tilespmem:$0x1D880] =	vst v63  }
0x119: {  	_ =	swait.ge [sflag:s7], $0x3E80  }
0x11a: {  	[sflag:s7] =	ssyncset.done $0x0  }
0x11b: {  	s19 =	simm.s32 $0x1D80;
	[sflag:s7] =	ssyncadd.s32 $0xFFFFC180  }
0x11c: {  	[spmem:s4] =	stream.indirect.scatter.add.f32 [tilespmem:s9], [sflag:$0x7], $0x80, s19, s2, $0xb8;
	[tilespmem:$0x1D880] =	vst v63  }
0x11d: {  	_ =	swait.ge [sflag:s26], $0x3E80  }
0x11e: {  	[sflag:s26] =	ssyncset.done $0x0  }
0x11f: {  	s19 =	simm.s32 $0xE80;
	[sflag:s26] =	ssyncadd.s32 $0xFFFFC180  }
0x120: {  	[tilespmem:s9], [sflag:$0x2] =	stream.indirect.gather [hbm4b:s0+s2], $0x80, s19, s2, $0xb8;
	[tilespmem:$0x1D880] =	vst v63  }
0x121: {  	_ =	swait.ge [sflag:s11], $0x3E80  }
0x122: {  	[sflag:s11] =	ssyncset.done $0x0  }
0x123: {  	s19 =	simm.s32 $0x1E00;
	[sflag:s11] =	ssyncadd.s32 $0xFFFFC180  }
0x124: {  	[spmem:s4] =	stream.indirect.scatter.add.f32 [tilespmem:s3], [sflag:$0x7], $0x80, s19, s2, $0xb8;
	[tilespmem:$0x1D880] =	vst v63  }
0x125: {  	_ =	swait.ge [sflag:s26], $0x3E80  }
0x126: {  	[sflag:s26] =	ssyncset.done $0x0  }
0x127: {  	s19 =	simm.s32 $0xF00;
	[sflag:s26] =	ssyncadd.s32 $0xFFFFC180  }
0x128: {  	[tilespmem:s3], [sflag:$0x1] =	stream.indirect.gather [hbm4b:s0+s2], $0x80, s19, s2, $0xb8;
	[tilespmem:$0x1D880] =	vst v63  }
0x129: {  	_ =	swait.ge [sflag:s7], $0x3E80  }
0x12a: {  	[sflag:s7] =	ssyncset.done $0x0  }
0x12b: {  	s19 =	simm.s32 $0x1E80;
	[sflag:s7] =	ssyncadd.s32 $0xFFFFC180  }
0x12c: {  	[spmem:s4] =	stream.indirect.scatter.add.f32 [tilespmem:s9], [sflag:$0x7], $0x80, s19, s2, $0xb8;
	[tilespmem:$0x1D880] =	vst v63  }
0x12d: {  	_ =	swait.ge [sflag:s26], $0x3E80  }
0x12e: {  	[sflag:s26] =	ssyncset.done $0x0  }
0x12f: {  	s19 =	simm.s32 $0xF80;
	[sflag:s26] =	ssyncadd.s32 $0xFFFFC180  }
0x130: {  	[tilespmem:s9], [sflag:$0x2] =	stream.indirect.gather [hbm4b:s0+s2], $0x80, s19, s2, $0xb8;
	[tilespmem:$0x1D880] =	vst v63  }
0x131: {  	_ =	swait.ge [sflag:s11], $0x3E80  }
0x132: {  	[sflag:s11] =	ssyncset.done $0x0  }
0x133: {  	s19 =	simm.s32 $0x1F00;
	[sflag:s11] =	ssyncadd.s32 $0xFFFFC180  }
0x134: {  	[spmem:s4] =	stream.indirect.scatter.add.f32 [tilespmem:s3], [sflag:$0x7], $0x80, s19, s2, $0xb8;
	[tilespmem:$0x1D880] =	vst v63  }
0x135: {  	_ =	swait.ge [sflag:s26], $0x3E80  }
0x136: {  	[sflag:s26] =	ssyncset.done $0x0  }
0x137: {  	[sflag:s26] =	ssyncadd.s32 $0xFFFFC180  }
0x138: {  	_ =	swait.ge [sflag:s7], $0x3E80  }
0x139: {  	[sflag:s7] =	ssyncset.done $0x0  }
0x13a: {  	s19 =	simm.s32 $0x1F80;
	[sflag:s7] =	ssyncadd.s32 $0xFFFFC180  }
0x13b: {  	[spmem:s4] =	stream.indirect.scatter.add.f32 [tilespmem:s9], [sflag:$0x7], $0x80, s19, s2, $0xb8;
	[tilespmem:$0x1D880] =	vst v63  }
0x13c: {  	_ =	swait.ge [sflag:s26], $0x3E80  }
0x13d: {  	[sflag:s26] =	ssyncset.done $0x0  }
0x13e: {  	[sflag:s26] =	ssyncadd.s32 $0xFFFFC180  }
0x13f: {  	_ =	swait.ge [sflag:s28], $0x800  }
0x140: {  	[sflag:s28] =	ssyncset.done $0x0  }
0x141: {  	[sflag:s28] =	ssyncadd.s32 $0xFFFFF800  }
0x142: {  	_ =	swait.ge [sflag:s29], $0x800  }
0x143: {  	[sflag:s29] =	ssyncset.done $0x0  }
0x144: {  	s19 =	rddreg [dreg:$0x12];
	[sflag:s29] =	ssyncadd.s32 $0xFFFFF800  }
0x145: {  	[tilespmem:s8], [sflag:$0x4] =	stream.linear.gather [hbm4b:s19+s5], $0x800, $0x38;
	[tilespmem:$0x1D880] =	vst v63  }
0x146: {  	s19 =	rddreg [dreg:$0x13]  }
0x147: {  	[tilespmem:s12], [sflag:$0x6] =	stream.linear.gather [hbm4b:s19+s5], $0x800, $0x38;
	[tilespmem:$0x1D880] =	vst v63  }
0x148: {  	_ = 	snop  }
0x149: {  	[tilespmem:s3], [sflag:$0x1] =	stream.indirect.gather [hbm4b:s0+s2], $0x80, s5, s2, $0xb8;
	[tilespmem:$0x1D880] =	vst v63  }
0x14a: {  	s19 =	simm.s32 $0x80  }
0x14b: {  	[tilespmem:s9], [sflag:$0x2] =	stream.indirect.gather [hbm4b:s0+s2], $0x80, s19, s2, $0xb8;
	[tilespmem:$0x1D880] =	vst v63  }
0x14c: {  	_ =	swait.ge [sflag:s11], $0x3E80  }
0x14d: {  	[sflag:s11] =	ssyncset.done $0x0  }
0x14e: {  	[sflag:s11] =	ssyncadd.s32 $0xFFFFC180  }
0x14f: {  	[spmem:s4] =	stream.indirect.scatter.add.f32 [tilespmem:s3], [sflag:$0x7], $0x80, s23, s2, $0xb8;
	[tilespmem:$0x1D880] =	vst v63  }
0x150: {  	_ =	swait.ge [sflag:s26], $0x3E80  }
0x151: {  	[sflag:s26] =	ssyncset.done $0x0  }
0x152: {  	s19 =	simm.s32 $0x100;
	[sflag:s26] =	ssyncadd.s32 $0xFFFFC180  }
0x153: {  	[tilespmem:s3], [sflag:$0x1] =	stream.indirect.gather [hbm4b:s0+s2], $0x80, s19, s2, $0xb8;
	[tilespmem:$0x1D880] =	vst v63  }
0x154: {  	_ =	swait.ge [sflag:s7], $0x3E80  }
0x155: {  	[sflag:s7] =	ssyncset.done $0x0  }
0x156: {  	s19 =	simm.s32 $0x1080;
	[sflag:s7] =	ssyncadd.s32 $0xFFFFC180  }
0x157: {  	[spmem:s4] =	stream.indirect.scatter.add.f32 [tilespmem:s9], [sflag:$0x7], $0x80, s19, s2, $0xb8;
	[tilespmem:$0x1D880] =	vst v63  }
0x158: {  	_ =	swait.ge [sflag:s26], $0x3E80  }
0x159: {  	[sflag:s26] =	ssyncset.done $0x0  }
0x15a: {  	s19 =	simm.s32 $0x180;
	[sflag:s26] =	ssyncadd.s32 $0xFFFFC180  }
0x15b: {  	[tilespmem:s9], [sflag:$0x2] =	stream.indirect.gather [hbm4b:s0+s2], $0x80, s19, s2, $0xb8;
	[tilespmem:$0x1D880] =	vst v63  }
0x15c: {  	_ =	swait.ge [sflag:s11], $0x3E80  }
0x15d: {  	[sflag:s11] =	ssyncset.done $0x0  }
0x15e: {  	s19 =	simm.s32 $0x1100;
	[sflag:s11] =	ssyncadd.s32 $0xFFFFC180  }
0x15f: {  	[spmem:s4] =	stream.indirect.scatter.add.f32 [tilespmem:s3], [sflag:$0x7], $0x80, s19, s2, $0xb8;
	[tilespmem:$0x1D880] =	vst v63  }
0x160: {  	_ =	swait.ge [sflag:s26], $0x3E80  }
0x161: {  	[sflag:s26] =	ssyncset.done $0x0  }
0x162: {  	s19 =	simm.s32 $0x200;
	[sflag:s26] =	ssyncadd.s32 $0xFFFFC180  }
0x163: {  	[tilespmem:s3], [sflag:$0x1] =	stream.indirect.gather [hbm4b:s0+s2], $0x80, s19, s2, $0xb8;
	[tilespmem:$0x1D880] =	vst v63  }
0x164: {  	_ =	swait.ge [sflag:s7], $0x3E80  }
0x165: {  	[sflag:s7] =	ssyncset.done $0x0  }
0x166: {  	s19 =	simm.s32 $0x1180;
	[sflag:s7] =	ssyncadd.s32 $0xFFFFC180  }
0x167: {  	[spmem:s4] =	stream.indirect.scatter.add.f32 [tilespmem:s9], [sflag:$0x7], $0x80, s19, s2, $0xb8;
	[tilespmem:$0x1D880] =	vst v63  }
0x168: {  	_ =	swait.ge [sflag:s26], $0x3E80  }
0x169: {  	[sflag:s26] =	ssyncset.done $0x0  }
0x16a: {  	s19 =	simm.s32 $0x280;
	[sflag:s26] =	ssyncadd.s32 $0xFFFFC180  }
0x16b: {  	[tilespmem:s9], [sflag:$0x2] =	stream.indirect.gather [hbm4b:s0+s2], $0x80, s19, s2, $0xb8;
	[tilespmem:$0x1D880] =	vst v63  }
0x16c: {  	_ =	swait.ge [sflag:s11], $0x3E80  }
0x16d: {  	[sflag:s11] =	ssyncset.done $0x0  }
0x16e: {  	s19 =	simm.s32 $0x1200;
	[sflag:s11] =	ssyncadd.s32 $0xFFFFC180  }
0x16f: {  	[spmem:s4] =	stream.indirect.scatter.add.f32 [tilespmem:s3], [sflag:$0x7], $0x80, s19, s2, $0xb8;
	[tilespmem:$0x1D880] =	vst v63  }
0x170: {  	_ =	swait.ge [sflag:s26], $0x3E80  }
0x171: {  	[sflag:s26] =	ssyncset.done $0x0  }
0x172: {  	s19 =	simm.s32 $0x300;
	[sflag:s26] =	ssyncadd.s32 $0xFFFFC180  }
0x173: {  	[tilespmem:s3], [sflag:$0x1] =	stream.indirect.gather [hbm4b:s0+s2], $0x80, s19, s2, $0xb8;
	[tilespmem:$0x1D880] =	vst v63  }
0x174: {  	_ =	swait.ge [sflag:s7], $0x3E80  }
0x175: {  	[sflag:s7] =	ssyncset.done $0x0  }
0x176: {  	s19 =	simm.s32 $0x1280;
	[sflag:s7] =	ssyncadd.s32 $0xFFFFC180  }
0x177: {  	[spmem:s4] =	stream.indirect.scatter.add.f32 [tilespmem:s9], [sflag:$0x7], $0x80, s19, s2, $0xb8;
	[tilespmem:$0x1D880] =	vst v63  }
0x178: {  	_ =	swait.ge [sflag:s26], $0x3E80  }
0x179: {  	[sflag:s26] =	ssyncset.done $0x0  }
0x17a: {  	s19 =	simm.s32 $0x380;
	[sflag:s26] =	ssyncadd.s32 $0xFFFFC180  }
0x17b: {  	[tilespmem:s9], [sflag:$0x2] =	stream.indirect.gather [hbm4b:s0+s2], $0x80, s19, s2, $0xb8;
	[tilespmem:$0x1D880] =	vst v63  }
0x17c: {  	_ =	swait.ge [sflag:s11], $0x3E80  }
0x17d: {  	[sflag:s11] =	ssyncset.done $0x0  }
0x17e: {  	s19 =	simm.s32 $0x1300;
	[sflag:s11] =	ssyncadd.s32 $0xFFFFC180  }
0x17f: {  	[spmem:s4] =	stream.indirect.scatter.add.f32 [tilespmem:s3], [sflag:$0x7], $0x80, s19, s2, $0xb8;
	[tilespmem:$0x1D880] =	vst v63  }
0x180: {  	_ =	swait.ge [sflag:s26], $0x3E80  }
0x181: {  	[sflag:s26] =	ssyncset.done $0x0  }
0x182: {  	s19 =	simm.s32 $0x400;
	[sflag:s26] =	ssyncadd.s32 $0xFFFFC180  }
0x183: {  	[tilespmem:s3], [sflag:$0x1] =	stream.indirect.gather [hbm4b:s0+s2], $0x80, s19, s2, $0xb8;
	[tilespmem:$0x1D880] =	vst v63  }
0x184: {  	_ =	swait.ge [sflag:s7], $0x3E80  }
0x185: {  	[sflag:s7] =	ssyncset.done $0x0  }
0x186: {  	s19 =	simm.s32 $0x1380;
	[sflag:s7] =	ssyncadd.s32 $0xFFFFC180  }
0x187: {  	[spmem:s4] =	stream.indirect.scatter.add.f32 [tilespmem:s9], [sflag:$0x7], $0x80, s19, s2, $0xb8;
	[tilespmem:$0x1D880] =	vst v63  }
0x188: {  	_ =	swait.ge [sflag:s26], $0x3E80  }
0x189: {  	[sflag:s26] =	ssyncset.done $0x0  }
0x18a: {  	s19 =	simm.s32 $0x480;
	[sflag:s26] =	ssyncadd.s32 $0xFFFFC180  }
0x18b: {  	[tilespmem:s9], [sflag:$0x2] =	stream.indirect.gather [hbm4b:s0+s2], $0x80, s19, s2, $0xb8;
	[tilespmem:$0x1D880] =	vst v63  }
0x18c: {  	_ =	swait.ge [sflag:s11], $0x3E80  }
0x18d: {  	[sflag:s11] =	ssyncset.done $0x0  }
0x18e: {  	s19 =	simm.s32 $0x1400;
	[sflag:s11] =	ssyncadd.s32 $0xFFFFC180  }
0x18f: {  	[spmem:s4] =	stream.indirect.scatter.add.f32 [tilespmem:s3], [sflag:$0x7], $0x80, s19, s2, $0xb8;
	[tilespmem:$0x1D880] =	vst v63  }
0x190: {  	_ =	swait.ge [sflag:s26], $0x3E80  }
0x191: {  	[sflag:s26] =	ssyncset.done $0x0  }
0x192: {  	s19 =	simm.s32 $0x500;
	[sflag:s26] =	ssyncadd.s32 $0xFFFFC180  }
0x193: {  	[tilespmem:s3], [sflag:$0x1] =	stream.indirect.gather [hbm4b:s0+s2], $0x80, s19, s2, $0xb8;
	[tilespmem:$0x1D880] =	vst v63  }
0x194: {  	_ =	swait.ge [sflag:s7], $0x3E80  }
0x195: {  	[sflag:s7] =	ssyncset.done $0x0  }
0x196: {  	s19 =	simm.s32 $0x1480;
	[sflag:s7] =	ssyncadd.s32 $0xFFFFC180  }
0x197: {  	[spmem:s4] =	stream.indirect.scatter.add.f32 [tilespmem:s9], [sflag:$0x7], $0x80, s19, s2, $0xb8;
	[tilespmem:$0x1D880] =	vst v63  }
0x198: {  	_ =	swait.ge [sflag:s26], $0x3E80  }
0x199: {  	[sflag:s26] =	ssyncset.done $0x0  }
0x19a: {  	s19 =	simm.s32 $0x580;
	[sflag:s26] =	ssyncadd.s32 $0xFFFFC180  }
0x19b: {  	[tilespmem:s9], [sflag:$0x2] =	stream.indirect.gather [hbm4b:s0+s2], $0x80, s19, s2, $0xb8;
	[tilespmem:$0x1D880] =	vst v63  }
0x19c: {  	_ =	swait.ge [sflag:s11], $0x3E80  }
0x19d: {  	[sflag:s11] =	ssyncset.done $0x0  }
0x19e: {  	s19 =	simm.s32 $0x1500;
	[sflag:s11] =	ssyncadd.s32 $0xFFFFC180  }
0x19f: {  	[spmem:s4] =	stream.indirect.scatter.add.f32 [tilespmem:s3], [sflag:$0x7], $0x80, s19, s2, $0xb8;
	[tilespmem:$0x1D880] =	vst v63  }
0x1a0: {  	_ =	swait.ge [sflag:s26], $0x3E80  }
0x1a1: {  	[sflag:s26] =	ssyncset.done $0x0  }
0x1a2: {  	s19 =	simm.s32 $0x600;
	[sflag:s26] =	ssyncadd.s32 $0xFFFFC180  }
0x1a3: {  	[tilespmem:s3], [sflag:$0x1] =	stream.indirect.gather [hbm4b:s0+s2], $0x80, s19, s2, $0xb8;
	[tilespmem:$0x1D880] =	vst v63  }
0x1a4: {  	_ =	swait.ge [sflag:s7], $0x3E80  }
0x1a5: {  	[sflag:s7] =	ssyncset.done $0x0  }
0x1a6: {  	s19 =	simm.s32 $0x1580;
	[sflag:s7] =	ssyncadd.s32 $0xFFFFC180  }
0x1a7: {  	[spmem:s4] =	stream.indirect.scatter.add.f32 [tilespmem:s9], [sflag:$0x7], $0x80, s19, s2, $0xb8;
	[tilespmem:$0x1D880] =	vst v63  }
0x1a8: {  	_ =	swait.ge [sflag:s26], $0x3E80  }
0x1a9: {  	[sflag:s26] =	ssyncset.done $0x0  }
0x1aa: {  	s19 =	simm.s32 $0x680;
	[sflag:s26] =	ssyncadd.s32 $0xFFFFC180  }
0x1ab: {  	[tilespmem:s9], [sflag:$0x2] =	stream.indirect.gather [hbm4b:s0+s2], $0x80, s19, s2, $0xb8;
	[tilespmem:$0x1D880] =	vst v63  }
0x1ac: {  	_ =	swait.ge [sflag:s11], $0x3E80  }
0x1ad: {  	[sflag:s11] =	ssyncset.done $0x0  }
0x1ae: {  	s19 =	simm.s32 $0x1600;
	[sflag:s11] =	ssyncadd.s32 $0xFFFFC180  }
0x1af: {  	[spmem:s4] =	stream.indirect.scatter.add.f32 [tilespmem:s3], [sflag:$0x7], $0x80, s19, s2, $0xb8;
	[tilespmem:$0x1D880] =	vst v63  }
0x1b0: {  	_ =	swait.ge [sflag:s26], $0x3E80  }
0x1b1: {  	[sflag:s26] =	ssyncset.done $0x0  }
0x1b2: {  	s19 =	simm.s32 $0x700;
	[sflag:s26] =	ssyncadd.s32 $0xFFFFC180  }
0x1b3: {  	[tilespmem:s3], [sflag:$0x1] =	stream.indirect.gather [hbm4b:s0+s2], $0x80, s19, s2, $0xb8;
	[tilespmem:$0x1D880] =	vst v63  }
0x1b4: {  	_ =	swait.ge [sflag:s7], $0x3E80  }
0x1b5: {  	[sflag:s7] =	ssyncset.done $0x0  }
0x1b6: {  	s19 =	simm.s32 $0x1680;
	[sflag:s7] =	ssyncadd.s32 $0xFFFFC180  }
0x1b7: {  	[spmem:s4] =	stream.indirect.scatter.add.f32 [tilespmem:s9], [sflag:$0x7], $0x80, s19, s2, $0xb8;
	[tilespmem:$0x1D880] =	vst v63  }
0x1b8: {  	_ =	swait.ge [sflag:s26], $0x3E80  }
0x1b9: {  	[sflag:s26] =	ssyncset.done $0x0  }
0x1ba: {  	s19 =	simm.s32 $0x780;
	[sflag:s26] =	ssyncadd.s32 $0xFFFFC180  }
0x1bb: {  	[tilespmem:s9], [sflag:$0x2] =	stream.indirect.gather [hbm4b:s0+s2], $0x80, s19, s2, $0xb8;
	[tilespmem:$0x1D880] =	vst v63  }
0x1bc: {  	_ =	swait.ge [sflag:s11], $0x3E80  }
0x1bd: {  	[sflag:s11] =	ssyncset.done $0x0  }
0x1be: {  	s19 =	simm.s32 $0x1700;
	[sflag:s11] =	ssyncadd.s32 $0xFFFFC180  }
0x1bf: {  	[spmem:s4] =	stream.indirect.scatter.add.f32 [tilespmem:s3], [sflag:$0x7], $0x80, s19, s2, $0xb8;
	[tilespmem:$0x1D880] =	vst v63  }
0x1c0: {  	_ =	swait.ge [sflag:s26], $0x3E80  }
0x1c1: {  	[sflag:s26] =	ssyncset.done $0x0  }
0x1c2: {  	[sflag:s26] =	ssyncadd.s32 $0xFFFFC180  }
0x1c3: {  	_ =	swait.ge [sflag:s7], $0x3E80  }
0x1c4: {  	[sflag:s7] =	ssyncset.done $0x0  }
0x1c5: {  	s19 =	simm.s32 $0x1780;
	[sflag:s7] =	ssyncadd.s32 $0xFFFFC180  }
0x1c6: {  	[spmem:s4] =	stream.indirect.scatter.add.f32 [tilespmem:s9], [sflag:$0x7], $0x80, s19, s2, $0xb8;
	[tilespmem:$0x1D880] =	vst v63  }
0x1c7: {  	_ =	swait.ge [sflag:s26], $0x3E80  }
0x1c8: {  	[sflag:s26] =	ssyncset.done $0x0  }
0x1c9: {  	[sflag:s26] =	ssyncadd.s32 $0xFFFFC180  }
0x1ca: {  	_ =	swait.ge [sflag:s1], $0x800  }
0x1cb: {  	[sflag:s1] =	ssyncset.done $0x0  }
0x1cc: {  	[sflag:s1] =	ssyncadd.s32 $0xFFFFF800  }
0x1cd: {  	_ =	swait.ge [sflag:s6], $0x800  }
0x1ce: {  	[sflag:s6] =	ssyncset.done $0x0  }
0x1cf: {  	[sflag:s6] =	ssyncadd.s32 $0xFFFFF800;
	s6 =	rddreg [dreg:$0x14]  }
0x1d0: {  	[tilespmem:s5], [sflag:$0x3] =	stream.linear.gather [hbm4b:s6+s5], $0x800, $0x38;
	[tilespmem:$0x1D880] =	vst v63  }
0x1d1: {  	s1 =	rddreg [dreg:$0x15]  }
0x1d2: {  	[tilespmem:s23], [sflag:$0x5] =	stream.linear.gather [hbm4b:s1+s5], $0x800, $0x38;
	[tilespmem:$0x1D880] =	vst v63  }
0x1d3: {  	_ = 	snop  }
0x1d4: {  	[tilespmem:s3], [sflag:$0x1] =	stream.indirect.gather [hbm4b:s0+s2], $0x80, s8, s2, $0xb8;
	[tilespmem:$0x1D880] =	vst v63  }
0x1d5: {  	_ = 	snop  }
0x1d6: {  	[tilespmem:s9], [sflag:$0x2] =	stream.indirect.gather [hbm4b:s0+s2], $0x80, s10, s2, $0xb8;
	[tilespmem:$0x1D880] =	vst v63  }
0x1d7: {  	_ =	swait.ge [sflag:s11], $0x3E80  }
0x1d8: {  	[sflag:s11] =	ssyncset.done $0x0  }
0x1d9: {  	[sflag:s11] =	ssyncadd.s32 $0xFFFFC180  }
0x1da: {  	[spmem:s4] =	stream.indirect.scatter.add.f32 [tilespmem:s3], [sflag:$0x7], $0x80, s12, s2, $0xb8;
	[tilespmem:$0x1D880] =	vst v63  }
0x1db: {  	_ =	swait.ge [sflag:s26], $0x3E80  }
0x1dc: {  	[sflag:s26] =	ssyncset.done $0x0  }
0x1dd: {  	[sflag:s26] =	ssyncadd.s32 $0xFFFFC180  }
0x1de: {  	[tilespmem:s3], [sflag:$0x1] =	stream.indirect.gather [hbm4b:s0+s2], $0x80, s15, s2, $0xb8;
	[tilespmem:$0x1D880] =	vst v63  }
0x1df: {  	_ =	swait.ge [sflag:s7], $0x3E80  }
0x1e0: {  	[sflag:s7] =	ssyncset.done $0x0  }
0x1e1: {  	[sflag:s7] =	ssyncadd.s32 $0xFFFFC180  }
0x1e2: {  	[spmem:s4] =	stream.indirect.scatter.add.f32 [tilespmem:s9], [sflag:$0x7], $0x80, s16, s2, $0xb8;
	[tilespmem:$0x1D880] =	vst v63  }
0x1e3: {  	_ =	swait.ge [sflag:s26], $0x3E80  }
0x1e4: {  	[sflag:s26] =	ssyncset.done $0x0  }
0x1e5: {  	[sflag:s26] =	ssyncadd.s32 $0xFFFFC180  }
0x1e6: {  	[tilespmem:s9], [sflag:$0x2] =	stream.indirect.gather [hbm4b:s0+s2], $0x80, s17, s2, $0xb8;
	[tilespmem:$0x1D880] =	vst v63  }
0x1e7: {  	_ =	swait.ge [sflag:s11], $0x3E80  }
0x1e8: {  	[sflag:s11] =	ssyncset.done $0x0  }
0x1e9: {  	[sflag:s11] =	ssyncadd.s32 $0xFFFFC180  }
0x1ea: {  	[spmem:s4] =	stream.indirect.scatter.add.f32 [tilespmem:s3], [sflag:$0x7], $0x80, s18, s2, $0xb8;
	[tilespmem:$0x1D880] =	vst v63  }
0x1eb: {  	_ =	swait.ge [sflag:s26], $0x3E80  }
0x1ec: {  	[sflag:s26] =	ssyncset.done $0x0  }
0x1ed: {  	[sflag:s26] =	ssyncadd.s32 $0xFFFFC180  }
0x1ee: {  	[tilespmem:s3], [sflag:$0x1] =	stream.indirect.gather [hbm4b:s0+s2], $0x80, s20, s2, $0xb8;
	[tilespmem:$0x1D880] =	vst v63  }
0x1ef: {  	_ =	swait.ge [sflag:s7], $0x3E80  }
0x1f0: {  	[sflag:s7] =	ssyncset.done $0x0  }
0x1f1: {  	[sflag:s7] =	ssyncadd.s32 $0xFFFFC180  }
0x1f2: {  	[spmem:s4] =	stream.indirect.scatter.add.f32 [tilespmem:s9], [sflag:$0x7], $0x80, s21, s2, $0xb8;
	[tilespmem:$0x1D880] =	vst v63  }
0x1f3: {  	_ =	swait.ge [sflag:s26], $0x3E80  }
0x1f4: {  	[sflag:s26] =	ssyncset.done $0x0  }
0x1f5: {  	[sflag:s26] =	ssyncadd.s32 $0xFFFFC180  }
0x1f6: {  	[tilespmem:s9], [sflag:$0x2] =	stream.indirect.gather [hbm4b:s0+s2], $0x80, s24, s2, $0xb8;
	[tilespmem:$0x1D880] =	vst v63  }
0x1f7: {  	_ =	swait.ge [sflag:s11], $0x3E80  }
0x1f8: {  	[sflag:s11] =	ssyncset.done $0x0  }
0x1f9: {  	[sflag:s11] =	ssyncadd.s32 $0xFFFFC180  }
0x1fa: {  	[spmem:s4] =	stream.indirect.scatter.add.f32 [tilespmem:s3], [sflag:$0x7], $0x80, s25, s2, $0xb8;
	[tilespmem:$0x1D880] =	vst v63  }
0x1fb: {  	_ =	swait.ge [sflag:s26], $0x3E80  }
0x1fc: {  	[sflag:s26] =	ssyncset.done $0x0  }
0x1fd: {  	[sflag:s26] =	ssyncadd.s32 $0xFFFFC180  }
0x1fe: {  	[tilespmem:s3], [sflag:$0x1] =	stream.indirect.gather [hbm4b:s0+s2], $0x80, s30, s2, $0xb8;
	[tilespmem:$0x1D880] =	vst v63  }
0x1ff: {  	_ =	swait.ge [sflag:s7], $0x3E80  }
0x200: {  	[sflag:s7] =	ssyncset.done $0x0  }
0x201: {  	[sflag:s7] =	ssyncadd.s32 $0xFFFFC180  }
0x202: {  	[spmem:s4] =	stream.indirect.scatter.add.f32 [tilespmem:s9], [sflag:$0x7], $0x80, s31, s2, $0xb8;
	[tilespmem:$0x1D880] =	vst v63  }
0x203: {  	_ =	swait.ge [sflag:s26], $0x3E80  }
0x204: {  	[sflag:s26] =	ssyncset.done $0x0  }
0x205: {  	[sflag:s26] =	ssyncadd.s32 $0xFFFFC180  }
0x206: {  	[tilespmem:s9], [sflag:$0x2] =	stream.indirect.gather [hbm4b:s0+s2], $0x80, s14, s2, $0xb8;
	[tilespmem:$0x1D880] =	vst v63  }
0x207: {  	_ =	swait.ge [sflag:s11], $0x3E80  }
0x208: {  	[sflag:s11] =	ssyncset.done $0x0  }
0x209: {  	[sflag:s11] =	ssyncadd.s32 $0xFFFFC180  }
0x20a: {  	[spmem:s4] =	stream.indirect.scatter.add.f32 [tilespmem:s3], [sflag:$0x7], $0x80, s13, s2, $0xb8;
	[tilespmem:$0x1D880] =	vst v63  }
0x20b: {  	_ =	swait.ge [sflag:s26], $0x3E80  }
0x20c: {  	[sflag:s26] =	ssyncset.done $0x0  }
0x20d: {  	s6 =	simm.s32 $0xC00;
	[sflag:s26] =	ssyncadd.s32 $0xFFFFC180  }
0x20e: {  	[tilespmem:s3], [sflag:$0x1] =	stream.indirect.gather [hbm4b:s0+s2], $0x80, s6, s2, $0xb8;
	[tilespmem:$0x1D880] =	vst v63  }
0x20f: {  	_ =	swait.ge [sflag:s7], $0x3E80  }
0x210: {  	[sflag:s7] =	ssyncset.done $0x0  }
0x211: {  	s8 =	simm.s32 $0x1B80;
	[sflag:s7] =	ssyncadd.s32 $0xFFFFC180  }
0x212: {  	[spmem:s4] =	stream.indirect.scatter.add.f32 [tilespmem:s9], [sflag:$0x7], $0x80, s8, s2, $0xb8;
	[tilespmem:$0x1D880] =	vst v63  }
0x213: {  	_ =	swait.ge [sflag:s26], $0x3E80  }
0x214: {  	[sflag:s26] =	ssyncset.done $0x0  }
0x215: {  	s12 =	simm.s32 $0xC80;
	[sflag:s26] =	ssyncadd.s32 $0xFFFFC180  }
0x216: {  	[tilespmem:s9], [sflag:$0x2] =	stream.indirect.gather [hbm4b:s0+s2], $0x80, s12, s2, $0xb8;
	[tilespmem:$0x1D880] =	vst v63  }
0x217: {  	_ =	swait.ge [sflag:s11], $0x3E80  }
0x218: {  	[sflag:s11] =	ssyncset.done $0x0  }
0x219: {  	s13 =	simm.s32 $0x1C00;
	[sflag:s11] =	ssyncadd.s32 $0xFFFFC180  }
0x21a: {  	[spmem:s4] =	stream.indirect.scatter.add.f32 [tilespmem:s3], [sflag:$0x7], $0x80, s13, s2, $0xb8;
	[tilespmem:$0x1D880] =	vst v63  }
0x21b: {  	_ =	swait.ge [sflag:s26], $0x3E80  }
0x21c: {  	[sflag:s26] =	ssyncset.done $0x0  }
0x21d: {  	s19 =	simm.s32 $0xD00;
	[sflag:s26] =	ssyncadd.s32 $0xFFFFC180  }
0x21e: {  	[tilespmem:s3], [sflag:$0x1] =	stream.indirect.gather [hbm4b:s0+s2], $0x80, s19, s2, $0xb8;
	[tilespmem:$0x1D880] =	vst v63  }
0x21f: {  	_ =	swait.ge [sflag:s7], $0x3E80  }
0x220: {  	[sflag:s7] =	ssyncset.done $0x0  }
0x221: {  	s6 =	simm.s32 $0x1C80;
	[sflag:s7] =	ssyncadd.s32 $0xFFFFC180  }
0x222: {  	[spmem:s4] =	stream.indirect.scatter.add.f32 [tilespmem:s9], [sflag:$0x7], $0x80, s6, s2, $0xb8;
	[tilespmem:$0x1D880] =	vst v63  }
0x223: {  	_ =	swait.ge [sflag:s26], $0x3E80  }
0x224: {  	[sflag:s26] =	ssyncset.done $0x0  }
0x225: {  	s8 =	simm.s32 $0xD80;
	[sflag:s26] =	ssyncadd.s32 $0xFFFFC180  }
0x226: {  	[tilespmem:s9], [sflag:$0x2] =	stream.indirect.gather [hbm4b:s0+s2], $0x80, s8, s2, $0xb8;
	[tilespmem:$0x1D880] =	vst v63  }
0x227: {  	_ =	swait.ge [sflag:s11], $0x3E80  }
0x228: {  	[sflag:s11] =	ssyncset.done $0x0  }
0x229: {  	s12 =	simm.s32 $0x1D00;
	[sflag:s11] =	ssyncadd.s32 $0xFFFFC180  }
0x22a: {  	[spmem:s4] =	stream.indirect.scatter.add.f32 [tilespmem:s3], [sflag:$0x7], $0x80, s12, s2, $0xb8;
	[tilespmem:$0x1D880] =	vst v63  }
0x22b: {  	_ =	swait.ge [sflag:s26], $0x3E80  }
0x22c: {  	[sflag:s26] =	ssyncset.done $0x0  }
0x22d: {  	s13 =	simm.s32 $0xE00;
	[sflag:s26] =	ssyncadd.s32 $0xFFFFC180  }
0x22e: {  	[tilespmem:s3], [sflag:$0x1] =	stream.indirect.gather [hbm4b:s0+s2], $0x80, s13, s2, $0xb8;
	[tilespmem:$0x1D880] =	vst v63  }
0x22f: {  	_ =	swait.ge [sflag:s7], $0x3E80  }
0x230: {  	[sflag:s7] =	ssyncset.done $0x0  }
0x231: {  	s19 =	simm.s32 $0x1D80;
	[sflag:s7] =	ssyncadd.s32 $0xFFFFC180  }
0x232: {  	[spmem:s4] =	stream.indirect.scatter.add.f32 [tilespmem:s9], [sflag:$0x7], $0x80, s19, s2, $0xb8;
	[tilespmem:$0x1D880] =	vst v63  }
0x233: {  	_ =	swait.ge [sflag:s26], $0x3E80  }
0x234: {  	[sflag:s26] =	ssyncset.done $0x0  }
0x235: {  	s6 =	simm.s32 $0xE80;
	[sflag:s26] =	ssyncadd.s32 $0xFFFFC180  }
0x236: {  	[tilespmem:s9], [sflag:$0x2] =	stream.indirect.gather [hbm4b:s0+s2], $0x80, s6, s2, $0xb8;
	[tilespmem:$0x1D880] =	vst v63  }
0x237: {  	_ =	swait.ge [sflag:s11], $0x3E80  }
0x238: {  	[sflag:s11] =	ssyncset.done $0x0  }
0x239: {  	s8 =	simm.s32 $0x1E00;
	[sflag:s11] =	ssyncadd.s32 $0xFFFFC180  }
0x23a: {  	[spmem:s4] =	stream.indirect.scatter.add.f32 [tilespmem:s3], [sflag:$0x7], $0x80, s8, s2, $0xb8;
	[tilespmem:$0x1D880] =	vst v63  }
0x23b: {  	_ =	swait.ge [sflag:s26], $0x3E80  }
0x23c: {  	[sflag:s26] =	ssyncset.done $0x0  }
0x23d: {  	s12 =	simm.s32 $0xF00;
	[sflag:s26] =	ssyncadd.s32 $0xFFFFC180  }
0x23e: {  	[tilespmem:s3], [sflag:$0x1] =	stream.indirect.gather [hbm4b:s0+s2], $0x80, s12, s2, $0xb8;
	[tilespmem:$0x1D880] =	vst v63  }
0x23f: {  	_ =	swait.ge [sflag:s7], $0x3E80  }
0x240: {  	[sflag:s7] =	ssyncset.done $0x0  }
0x241: {  	s13 =	simm.s32 $0x1E80;
	[sflag:s7] =	ssyncadd.s32 $0xFFFFC180  }
0x242: {  	[spmem:s4] =	stream.indirect.scatter.add.f32 [tilespmem:s9], [sflag:$0x7], $0x80, s13, s2, $0xb8;
	[tilespmem:$0x1D880] =	vst v63  }
0x243: {  	_ =	swait.ge [sflag:s26], $0x3E80  }
0x244: {  	[sflag:s26] =	ssyncset.done $0x0  }
0x245: {  	s19 =	simm.s32 $0xF80;
	[sflag:s26] =	ssyncadd.s32 $0xFFFFC180  }
0x246: {  	[tilespmem:s9], [sflag:$0x2] =	stream.indirect.gather [hbm4b:s0+s2], $0x80, s19, s2, $0xb8;
	[tilespmem:$0x1D880] =	vst v63  }
0x247: {  	_ =	swait.ge [sflag:s11], $0x3E80  }
0x248: {  	[sflag:s11] =	ssyncset.done $0x0  }
0x249: {  	s6 =	simm.s32 $0x1F00;
	[sflag:s11] =	ssyncadd.s32 $0xFFFFC180  }
0x24a: {  	[spmem:s4] =	stream.indirect.scatter.add.f32 [tilespmem:s3], [sflag:$0x7], $0x80, s6, s2, $0xb8;
	[tilespmem:$0x1D880] =	vst v63  }
0x24b: {  	_ =	swait.ge [sflag:s26], $0x3E80  }
0x24c: {  	[sflag:s26] =	ssyncset.done $0x0  }
0x24d: {  	[sflag:s26] =	ssyncadd.s32 $0xFFFFC180  }
0x24e: {  	_ =	swait.ge [sflag:s7], $0x3E80  }
0x24f: {  	[sflag:s7] =	ssyncset.done $0x0  }
0x250: {  	s8 =	simm.s32 $0x1F80;
	[sflag:s7] =	ssyncadd.s32 $0xFFFFC180  }
0x251: {  	[spmem:s4] =	stream.indirect.scatter.add.f32 [tilespmem:s9], [sflag:$0x7], $0x80, s8, s2, $0xb8;
	[tilespmem:$0x1D880] =	vst v63  }
0x252: {  	_ =	swait.ge [sflag:s26], $0x3E80  }
0x253: {  	[sflag:s26] =	ssyncset.done $0x0  }
0x254: {  	[sflag:s26] =	ssyncadd.s32 $0xFFFFC180  }
0x255: {  	_ =	swait.ge [sflag:s28], $0x800  }
0x256: {  	[sflag:s28] =	ssyncset.done $0x0  }
0x257: {  	[sflag:s28] =	ssyncadd.s32 $0xFFFFF800  }
0x258: {  	_ =	swait.ge [sflag:s29], $0x800  }
0x259: {  	[sflag:s29] =	ssyncset.done $0x0  }
0x25a: {  	[sflag:s29] =	ssyncadd.s32 $0xFFFFF800  }
0x25b: {  	[tilespmem:s3], [sflag:$0x1] =	stream.indirect.gather [hbm4b:s0+s2], $0x80, s5, s2, $0xb8;
	[tilespmem:$0x1D880] =	vst v63  }
0x25c: {  	s12 =	simm.s32 $0x80  }
0x25d: {  	[tilespmem:s9], [sflag:$0x2] =	stream.indirect.gather [hbm4b:s0+s2], $0x80, s12, s2, $0xb8;
	[tilespmem:$0x1D880] =	vst v63  }
0x25e: {  	_ =	swait.ge [sflag:s11], $0x3E80  }
0x25f: {  	[sflag:s11] =	ssyncset.done $0x0  }
0x260: {  	[sflag:s11] =	ssyncadd.s32 $0xFFFFC180  }
0x261: {  	[spmem:s4] =	stream.indirect.scatter.add.f32 [tilespmem:s3], [sflag:$0x7], $0x80, s23, s2, $0xb8;
	[tilespmem:$0x1D880] =	vst v63  }
0x262: {  	_ =	swait.ge [sflag:s26], $0x3E80  }
0x263: {  	[sflag:s26] =	ssyncset.done $0x0  }
0x264: {  	s13 =	simm.s32 $0x100;
	[sflag:s26] =	ssyncadd.s32 $0xFFFFC180  }
0x265: {  	[tilespmem:s3], [sflag:$0x1] =	stream.indirect.gather [hbm4b:s0+s2], $0x80, s13, s2, $0xb8;
	[tilespmem:$0x1D880] =	vst v63  }
0x266: {  	_ =	swait.ge [sflag:s7], $0x3E80  }
0x267: {  	[sflag:s7] =	ssyncset.done $0x0  }
0x268: {  	s19 =	simm.s32 $0x1080;
	[sflag:s7] =	ssyncadd.s32 $0xFFFFC180  }
0x269: {  	[spmem:s4] =	stream.indirect.scatter.add.f32 [tilespmem:s9], [sflag:$0x7], $0x80, s19, s2, $0xb8;
	[tilespmem:$0x1D880] =	vst v63  }
0x26a: {  	_ =	swait.ge [sflag:s26], $0x3E80  }
0x26b: {  	[sflag:s26] =	ssyncset.done $0x0  }
0x26c: {  	s6 =	simm.s32 $0x180;
	[sflag:s26] =	ssyncadd.s32 $0xFFFFC180  }
0x26d: {  	[tilespmem:s9], [sflag:$0x2] =	stream.indirect.gather [hbm4b:s0+s2], $0x80, s6, s2, $0xb8;
	[tilespmem:$0x1D880] =	vst v63  }
0x26e: {  	_ =	swait.ge [sflag:s11], $0x3E80  }
0x26f: {  	[sflag:s11] =	ssyncset.done $0x0  }
0x270: {  	s8 =	simm.s32 $0x1100;
	[sflag:s11] =	ssyncadd.s32 $0xFFFFC180  }
0x271: {  	[spmem:s4] =	stream.indirect.scatter.add.f32 [tilespmem:s3], [sflag:$0x7], $0x80, s8, s2, $0xb8;
	[tilespmem:$0x1D880] =	vst v63  }
0x272: {  	_ =	swait.ge [sflag:s26], $0x3E80  }
0x273: {  	[sflag:s26] =	ssyncset.done $0x0  }
0x274: {  	s12 =	simm.s32 $0x200;
	[sflag:s26] =	ssyncadd.s32 $0xFFFFC180  }
0x275: {  	[tilespmem:s3], [sflag:$0x1] =	stream.indirect.gather [hbm4b:s0+s2], $0x80, s12, s2, $0xb8;
	[tilespmem:$0x1D880] =	vst v63  }
0x276: {  	_ =	swait.ge [sflag:s7], $0x3E80  }
0x277: {  	[sflag:s7] =	ssyncset.done $0x0  }
0x278: {  	s13 =	simm.s32 $0x1180;
	[sflag:s7] =	ssyncadd.s32 $0xFFFFC180  }
0x279: {  	[spmem:s4] =	stream.indirect.scatter.add.f32 [tilespmem:s9], [sflag:$0x7], $0x80, s13, s2, $0xb8;
	[tilespmem:$0x1D880] =	vst v63  }
0x27a: {  	_ =	swait.ge [sflag:s26], $0x3E80  }
0x27b: {  	[sflag:s26] =	ssyncset.done $0x0  }
0x27c: {  	s19 =	simm.s32 $0x280;
	[sflag:s26] =	ssyncadd.s32 $0xFFFFC180  }
0x27d: {  	[tilespmem:s9], [sflag:$0x2] =	stream.indirect.gather [hbm4b:s0+s2], $0x80, s19, s2, $0xb8;
	[tilespmem:$0x1D880] =	vst v63  }
0x27e: {  	_ =	swait.ge [sflag:s11], $0x3E80  }
0x27f: {  	[sflag:s11] =	ssyncset.done $0x0  }
0x280: {  	s6 =	simm.s32 $0x1200;
	[sflag:s11] =	ssyncadd.s32 $0xFFFFC180  }
0x281: {  	[spmem:s4] =	stream.indirect.scatter.add.f32 [tilespmem:s3], [sflag:$0x7], $0x80, s6, s2, $0xb8;
	[tilespmem:$0x1D880] =	vst v63  }
0x282: {  	_ =	swait.ge [sflag:s26], $0x3E80  }
0x283: {  	[sflag:s26] =	ssyncset.done $0x0  }
0x284: {  	s8 =	simm.s32 $0x300;
	[sflag:s26] =	ssyncadd.s32 $0xFFFFC180  }
0x285: {  	[tilespmem:s3], [sflag:$0x1] =	stream.indirect.gather [hbm4b:s0+s2], $0x80, s8, s2, $0xb8;
	[tilespmem:$0x1D880] =	vst v63  }
0x286: {  	_ =	swait.ge [sflag:s7], $0x3E80  }
0x287: {  	[sflag:s7] =	ssyncset.done $0x0  }
0x288: {  	s12 =	simm.s32 $0x1280;
	[sflag:s7] =	ssyncadd.s32 $0xFFFFC180  }
0x289: {  	[spmem:s4] =	stream.indirect.scatter.add.f32 [tilespmem:s9], [sflag:$0x7], $0x80, s12, s2, $0xb8;
	[tilespmem:$0x1D880] =	vst v63  }
0x28a: {  	_ =	swait.ge [sflag:s26], $0x3E80  }
0x28b: {  	[sflag:s26] =	ssyncset.done $0x0  }
0x28c: {  	s13 =	simm.s32 $0x380;
	[sflag:s26] =	ssyncadd.s32 $0xFFFFC180  }
0x28d: {  	[tilespmem:s9], [sflag:$0x2] =	stream.indirect.gather [hbm4b:s0+s2], $0x80, s13, s2, $0xb8;
	[tilespmem:$0x1D880] =	vst v63  }
0x28e: {  	_ =	swait.ge [sflag:s11], $0x3E80  }
0x28f: {  	[sflag:s11] =	ssyncset.done $0x0  }
0x290: {  	s19 =	simm.s32 $0x1300;
	[sflag:s11] =	ssyncadd.s32 $0xFFFFC180  }
0x291: {  	[spmem:s4] =	stream.indirect.scatter.add.f32 [tilespmem:s3], [sflag:$0x7], $0x80, s19, s2, $0xb8;
	[tilespmem:$0x1D880] =	vst v63  }
0x292: {  	_ =	swait.ge [sflag:s26], $0x3E80  }
0x293: {  	[sflag:s26] =	ssyncset.done $0x0  }
0x294: {  	s6 =	simm.s32 $0x400;
	[sflag:s26] =	ssyncadd.s32 $0xFFFFC180  }
0x295: {  	[tilespmem:s3], [sflag:$0x1] =	stream.indirect.gather [hbm4b:s0+s2], $0x80, s6, s2, $0xb8;
	[tilespmem:$0x1D880] =	vst v63  }
0x296: {  	_ =	swait.ge [sflag:s7], $0x3E80  }
0x297: {  	[sflag:s7] =	ssyncset.done $0x0  }
0x298: {  	s8 =	simm.s32 $0x1380;
	[sflag:s7] =	ssyncadd.s32 $0xFFFFC180  }
0x299: {  	[spmem:s4] =	stream.indirect.scatter.add.f32 [tilespmem:s9], [sflag:$0x7], $0x80, s8, s2, $0xb8;
	[tilespmem:$0x1D880] =	vst v63  }
0x29a: {  	_ =	swait.ge [sflag:s26], $0x3E80  }
0x29b: {  	[sflag:s26] =	ssyncset.done $0x0  }
0x29c: {  	s12 =	simm.s32 $0x480;
	[sflag:s26] =	ssyncadd.s32 $0xFFFFC180  }
0x29d: {  	[tilespmem:s9], [sflag:$0x2] =	stream.indirect.gather [hbm4b:s0+s2], $0x80, s12, s2, $0xb8;
	[tilespmem:$0x1D880] =	vst v63  }
0x29e: {  	_ =	swait.ge [sflag:s11], $0x3E80  }
0x29f: {  	[sflag:s11] =	ssyncset.done $0x0  }
0x2a0: {  	s13 =	simm.s32 $0x1400;
	[sflag:s11] =	ssyncadd.s32 $0xFFFFC180  }
0x2a1: {  	[spmem:s4] =	stream.indirect.scatter.add.f32 [tilespmem:s3], [sflag:$0x7], $0x80, s13, s2, $0xb8;
	[tilespmem:$0x1D880] =	vst v63  }
0x2a2: {  	_ =	swait.ge [sflag:s26], $0x3E80  }
0x2a3: {  	[sflag:s26] =	ssyncset.done $0x0  }
0x2a4: {  	s19 =	simm.s32 $0x500;
	[sflag:s26] =	ssyncadd.s32 $0xFFFFC180  }
0x2a5: {  	[tilespmem:s3], [sflag:$0x1] =	stream.indirect.gather [hbm4b:s0+s2], $0x80, s19, s2, $0xb8;
	[tilespmem:$0x1D880] =	vst v63  }
0x2a6: {  	_ =	swait.ge [sflag:s7], $0x3E80  }
0x2a7: {  	[sflag:s7] =	ssyncset.done $0x0  }
0x2a8: {  	s6 =	simm.s32 $0x1480;
	[sflag:s7] =	ssyncadd.s32 $0xFFFFC180  }
0x2a9: {  	[spmem:s4] =	stream.indirect.scatter.add.f32 [tilespmem:s9], [sflag:$0x7], $0x80, s6, s2, $0xb8;
	[tilespmem:$0x1D880] =	vst v63  }
0x2aa: {  	_ =	swait.ge [sflag:s26], $0x3E80  }
0x2ab: {  	[sflag:s26] =	ssyncset.done $0x0  }
0x2ac: {  	s8 =	simm.s32 $0x580;
	[sflag:s26] =	ssyncadd.s32 $0xFFFFC180  }
0x2ad: {  	[tilespmem:s9], [sflag:$0x2] =	stream.indirect.gather [hbm4b:s0+s2], $0x80, s8, s2, $0xb8;
	[tilespmem:$0x1D880] =	vst v63  }
0x2ae: {  	_ =	swait.ge [sflag:s11], $0x3E80  }
0x2af: {  	[sflag:s11] =	ssyncset.done $0x0  }
0x2b0: {  	s12 =	simm.s32 $0x1500;
	[sflag:s11] =	ssyncadd.s32 $0xFFFFC180  }
0x2b1: {  	[spmem:s4] =	stream.indirect.scatter.add.f32 [tilespmem:s3], [sflag:$0x7], $0x80, s12, s2, $0xb8;
	[tilespmem:$0x1D880] =	vst v63  }
0x2b2: {  	_ =	swait.ge [sflag:s26], $0x3E80  }
0x2b3: {  	[sflag:s26] =	ssyncset.done $0x0  }
0x2b4: {  	s13 =	simm.s32 $0x600;
	[sflag:s26] =	ssyncadd.s32 $0xFFFFC180  }
0x2b5: {  	[tilespmem:s3], [sflag:$0x1] =	stream.indirect.gather [hbm4b:s0+s2], $0x80, s13, s2, $0xb8;
	[tilespmem:$0x1D880] =	vst v63  }
0x2b6: {  	_ =	swait.ge [sflag:s7], $0x3E80  }
0x2b7: {  	[sflag:s7] =	ssyncset.done $0x0  }
0x2b8: {  	s19 =	simm.s32 $0x1580;
	[sflag:s7] =	ssyncadd.s32 $0xFFFFC180  }
0x2b9: {  	[spmem:s4] =	stream.indirect.scatter.add.f32 [tilespmem:s9], [sflag:$0x7], $0x80, s19, s2, $0xb8;
	[tilespmem:$0x1D880] =	vst v63  }
0x2ba: {  	_ =	swait.ge [sflag:s26], $0x3E80  }
0x2bb: {  	[sflag:s26] =	ssyncset.done $0x0  }
0x2bc: {  	s6 =	simm.s32 $0x680;
	[sflag:s26] =	ssyncadd.s32 $0xFFFFC180  }
0x2bd: {  	[tilespmem:s9], [sflag:$0x2] =	stream.indirect.gather [hbm4b:s0+s2], $0x80, s6, s2, $0xb8;
	[tilespmem:$0x1D880] =	vst v63  }
0x2be: {  	_ =	swait.ge [sflag:s11], $0x3E80  }
0x2bf: {  	[sflag:s11] =	ssyncset.done $0x0  }
0x2c0: {  	s8 =	simm.s32 $0x1600;
	[sflag:s11] =	ssyncadd.s32 $0xFFFFC180  }
0x2c1: {  	[spmem:s4] =	stream.indirect.scatter.add.f32 [tilespmem:s3], [sflag:$0x7], $0x80, s8, s2, $0xb8;
	[tilespmem:$0x1D880] =	vst v63  }
0x2c2: {  	_ =	swait.ge [sflag:s26], $0x3E80  }
0x2c3: {  	[sflag:s26] =	ssyncset.done $0x0  }
0x2c4: {  	s12 =	simm.s32 $0x700;
	[sflag:s26] =	ssyncadd.s32 $0xFFFFC180  }
0x2c5: {  	[tilespmem:s3], [sflag:$0x1] =	stream.indirect.gather [hbm4b:s0+s2], $0x80, s12, s2, $0xb8;
	[tilespmem:$0x1D880] =	vst v63  }
0x2c6: {  	_ =	swait.ge [sflag:s7], $0x3E80  }
0x2c7: {  	[sflag:s7] =	ssyncset.done $0x0  }
0x2c8: {  	s13 =	simm.s32 $0x1680;
	[sflag:s7] =	ssyncadd.s32 $0xFFFFC180  }
0x2c9: {  	[spmem:s4] =	stream.indirect.scatter.add.f32 [tilespmem:s9], [sflag:$0x7], $0x80, s13, s2, $0xb8;
	[tilespmem:$0x1D880] =	vst v63  }
0x2ca: {  	_ =	swait.ge [sflag:s26], $0x3E80  }
0x2cb: {  	[sflag:s26] =	ssyncset.done $0x0  }
0x2cc: {  	s19 =	simm.s32 $0x780;
	[sflag:s26] =	ssyncadd.s32 $0xFFFFC180  }
0x2cd: {  	[tilespmem:s9], [sflag:$0x2] =	stream.indirect.gather [hbm4b:s0+s2], $0x80, s19, s2, $0xb8;
	[tilespmem:$0x1D880] =	vst v63  }
0x2ce: {  	_ =	swait.ge [sflag:s11], $0x3E80  }
0x2cf: {  	[sflag:s11] =	ssyncset.done $0x0  }
0x2d0: {  	s6 =	simm.s32 $0x1700;
	[sflag:s11] =	ssyncadd.s32 $0xFFFFC180  }
0x2d1: {  	[spmem:s4] =	stream.indirect.scatter.add.f32 [tilespmem:s3], [sflag:$0x7], $0x80, s6, s2, $0xb8;
	[tilespmem:$0x1D880] =	vst v63  }
0x2d2: {  	_ =	swait.ge [sflag:s26], $0x3E80  }
0x2d3: {  	[sflag:s26] =	ssyncset.done $0x0  }
0x2d4: {  	[sflag:s26] =	ssyncadd.s32 $0xFFFFC180  }
0x2d5: {  	_ =	swait.ge [sflag:s7], $0x3E80  }
0x2d6: {  	[sflag:s7] =	ssyncset.done $0x0  }
0x2d7: {  	s8 =	simm.s32 $0x1780;
	[sflag:s7] =	ssyncadd.s32 $0xFFFFC180  }
0x2d8: {  	[spmem:s4] =	stream.indirect.scatter.add.f32 [tilespmem:s9], [sflag:$0x7], $0x80, s8, s2, $0xb8;
	[tilespmem:$0x1D880] =	vst v63  }
0x2d9: {  	_ =	swait.ge [sflag:s26], $0x3E80  }
0x2da: {  	[sflag:s26] =	ssyncset.done $0x0  }
0x2db: {  	[sflag:s26] =	ssyncadd.s32 $0xFFFFC180  }
0x2dc: {  	[bflag:$0x0] =	sbarrier.arrive $0xFFFF  }
0x2dd: {  	s12 =	rddreg [dreg:$0x9]  }
0x2de: {  	s13 =	rddreg [dreg:$0x16]  }
0x2df: {  	s19 =	rddreg [dreg:$0x18];
	s8 =	sor.u32 $0x1C07, s12  }
0x2e0: {  	[hbm:s13], [sflag:s8] =	dma.local [spmem:s19], $0x2700  }
0x2e1: {  	s22 =	sadd.s32 $0xFFFFFFFF, s22;
	_ =	swait.ge [sflag:s26], $0x2700  }
0x2e2: {  	p3 =	sne.s32 s22, $0x0;
	[sflag:s26] =	ssyncset.done $0x0;
	s6 =	rddreg [dreg:$0x7]  }
0x2e3: {  	s12 =	rddreg [dreg:$0x17];
	[sflag:s26] =	ssyncadd.s32 $0xFFFFD900;
	s6 =	sshrl.u32 @!p1 s6, $0x3  }
0x2e4: {  	[hbm:s12], [sflag:s8] =	dma.local @!p1 [spmem:s6], $0x100  }
.Ltmp1:
0x2e5: {  	_ = 	snop;
	(pc) =	sbr.rel @!p3 .LBB2_6-.Ltmp1, $4  }
0x2e6: {  	s6 =	simm.s32 @!p1 $0x7  }
0x2e7: {  	_ =	swait.ge @!p1 [sflag:s6], $0x100  }
0x2e8: {  	[sflag:s6] =	ssyncset.done @!p1 $0x0  }
0x2e9: {  	[sflag:s6] =	ssyncadd.s32 @!p1 $0xFFFFFF00  }
.LBB2_1:
0x2ea: {  	s6 =	rddreg [dreg:$0xa]  }
.Ltmp2:
0x2eb: {  	s19 =	rddreg [dreg:$0xd];
	(pc) =	sbr.rel @!p0 .LBB2_2-.Ltmp2, $4  }
0x2ec: {  	[tilespmem:s5], [sflag:$0x3] =	stream.linear.gather [hbm4b:s6+s5], $0x800, $0x38;
	[tilespmem:$0x1D880] =	vst v63  }
0x2ed: {  	s13 =	rddreg [dreg:$0xc];
	s1 =	sshrl.u32 s19, $0x3  }
0x2ee: {  	[dreg:$0x18] =	wrdreg s1  }
0x2ef: {  	[tilespmem:s23], [sflag:$0x5] =	stream.linear.gather [hbm4b:s13+s5], $0x800, $0x38;
	[tilespmem:$0x1D880] =	vst v63  }
0x2f0: {  	s8 =	rddreg [dreg:$0x8]  }
0x2f1: {  	s13 =	rddreg [dreg:$0xb]  }
0x2f2: {  	[spmem:s1], [sflag:s13] =	dma.local [hbm:s8], $0x2700  }
.Ltmp3:
0x2f3: {  	_ = 	snop;
	(pc) =	sbr.rel @p1 .LBB2_5-.Ltmp3, $4  }
.Ltmp4:
0x2f4: {  	_ =	swait.ge [sflag:s26], $0x2700;
	(pc) =	sbr.rel @!p1 .LBB2_4-.Ltmp4, $4  }
0x2f5: {  	[sflag:s26] =	ssyncset.done $0x0  }
0x2f6: {  	[sflag:s26] =	ssyncadd.s32 $0xFFFFD900  }
0x2f7: {  	s8 =	smov.u32 s13;
	s12 =	rddreg [dreg:$0x2]  }
0x2f8: {  	_ = 	snop  }
.LBB2_2:
0x2f9: {  	s8 =	rddreg [dreg:$0x9]  }
0x2fa: {  	s12 =	rddreg [dreg:$0x6];
	s8 =	sor.u32 $0x1C07, s8  }
0x2fb: {  	[spmem:s1], [sflag:s8] =	dma.local [hbm:s12], $0x2700  }
.Ltmp5:
0x2fc: {  	_ = 	snop;
	(pc) =	sbr.rel @p2 .LBB2_4-.Ltmp5, $4  }
.Ltmp6:
0x2fd: {  	_ = 	snop;
	(pc) =	sbr.rel @!p2 .LBB2_5-.Ltmp6, $4  }
0x2fe: {  	_ =	swait.ge [sflag:s26], $0x2700  }
0x2ff: {  	[sflag:s26] =	ssyncset.done $0x0  }
0x300: {  	s12 =	smov.u32 s0;
	[sflag:s26] =	ssyncadd.s32 $0xFFFFD900  }
0x301: {  	_ = 	snop  }
.LBB2_6:
0x302: {  	_ =	sfence.sel $0x180000  }
0x303: {  	[bflag:$0x0] =	sbarrier.arrive $0xFFFF  }
0x304: {  	_ =	strace $0x90000047  }
0x305: {  	s0 =	stileid.u32;
	[bflag:$0x2] =	sbarrier.arrive $0xFFFF  }
0x306: {  	p0 =	sne.s32 s0, $0x0;
	s0 =	rddreg [dreg:$0x5]  }
0x307: {  	s0 =	sadd.s32 @!p0 $0x100000, s0  }
0x308: {  	[sflag:s0] =	ssyncadd.tile.s32 @!p0 $0x1;
	_ =	shalt  }
.Lfunc_end2:
_tile_overlayer_lowered:
.L_overlay_start_2:
0x309: {  	(tag) =	ssettag $0x2  }
0x30a: {  	s0 =	rddreg [dreg:$0x0];
	s2 =	stileid.u32  }
0x30b: {  	s1 =	rddreg [dreg:$0x1];
	p0 =	sne.s32 s2, $0x0  }
0x30c: {  	s3 =	rddreg [dreg:$0x2];
	[bflag:$0x3] =	sbarrier.arrive $0xFFFF;
	s2 =	simm.s32 @!p0 $0x1C07  }
0x30d: {  	[timem:s3], [sflag:s2] =	dma.local @!p0 [hbm:s0], s1  }
0x30e: {  	s0 =	simm.s32 @!p0 $0x7  }
0x30f: {  	_ =	swait.ge @!p0 [sflag:s0], s1  }
0x310: {  	s1 =	ssub.s32 @!p0 $0x0, s1;
	[sflag:s0] =	ssyncset.done @!p0 $0x0  }
0x311: {  	[sflag:s0] =	ssyncadd.s32 @!p0 s1  }
0x312: {  	[bflag:$0x3] =	sbarrier.arrive $0xFFFF  }
0x313: {  	_ =	shalt  }

</sc_bundles>
